<compile_context>
chip_gen: v7x
topology: tpu7x:2x2x1
jax: 0.10.2.dev20260603
libtpu: 0.0.44.dev20260713+nightly
codegen_flags: <defaults>
</compile_context>

<pallas_src>
import functools

import jax
import jax.numpy as jnp
from jax import lax
from jax.experimental import pallas as pl
from jax.experimental.pallas import tpu as pltpu
from jax.experimental.pallas import tpu_sc as plsc

N_NODES = 10000
N_PAD = 10112
E_EDGES = 320000
K_CHUNK = 256
ROWS_PER_TILE = N_PAD // 16

D_FEAT = 128
H1 = 64
H2 = 32
N_CLASSES = 10

DEG_C0 = 56
DEG_C1 = 24
AGG_C0 = 56
AGG_C1 = 24
CH_TOTAL = 16 * (AGG_C0 + AGG_C1)
CH_ALLOC = 16 * AGG_C0 + 15 * AGG_C1 + AGG_C0
E_PAD = CH_ALLOC * K_CHUNK

_DEG_FLIGHT = 16
_P = 1
_NG = 3


@functools.cache
def _make_deg_kernel():

    @functools.partial(
        pl.kernel,
        mesh=plsc.VectorSubcoreMesh(core_axis_name="c", subcore_axis_name="s"),
        compiler_params=pltpu.CompilerParams(use_tc_tiling_on_sc=False),
        out_type=jax.ShapeDtypeStruct((2 * N_PAD, 8), jnp.float32),
        scratch_types=[
            pltpu.VMEM((DEG_C0, K_CHUNK), jnp.int32),
            pltpu.VMEM((K_CHUNK, 8), jnp.float32),
            pltpu.VMEM((ROWS_PER_TILE, 8), jnp.float32),
            pltpu.VMEM_SHARED((N_PAD, 8), jnp.float32),
            pltpu.SemaphoreType.DMA,
        ],
    )
    def deg_kernel(dst_hbm, ones_hbm, zeros_hbm, out_hbm,
                   dst_all, ones_v, wb_v, acc_sh, ssem):
        c = lax.axis_index("c")
        s = lax.axis_index("s")
        base = jnp.where(c == 0, s * DEG_C0, 16 * DEG_C0 + s * DEG_C1)
        nb = jnp.where(c == 0, DEG_C0, DEG_C1)
        pltpu.sync_copy(dst_hbm.at[pl.ds(base, DEG_C0)], dst_all)
        pltpu.sync_copy(ones_hbm, ones_v)
        pltpu.sync_copy(zeros_hbm, wb_v)
        pltpu.sync_copy(wb_v, acc_sh.at[pl.ds(s * ROWS_PER_TILE, ROWS_PER_TILE)])
        plsc.subcore_barrier()

        def body(ch, carry):
            pltpu.async_copy(ones_v, acc_sh.at[dst_all.at[ch]], ssem, add=True)

            @pl.when(ch >= _DEG_FLIGHT)
            def _():
                pltpu.make_async_copy(ones_v, acc_sh.at[dst_all.at[0]],
                                      ssem).wait()

            return carry

        lax.fori_loop(0, nb, body, 0)
        for _ in range(_DEG_FLIGHT):
            pltpu.make_async_copy(ones_v, acc_sh.at[dst_all.at[0]],
                                  ssem).wait()
        plsc.subcore_barrier()
        r0 = s * ROWS_PER_TILE
        pltpu.sync_copy(acc_sh.at[pl.ds(r0, ROWS_PER_TILE)], wb_v)
        pltpu.sync_copy(wb_v, out_hbm.at[pl.ds(c * N_PAD + r0, ROWS_PER_TILE)])

    return deg_kernel


@functools.cache
def _make_agg_kernel(h, dtype=jnp.bfloat16):

    @functools.partial(
        pl.kernel,
        mesh=plsc.VectorSubcoreMesh(core_axis_name="c", subcore_axis_name="s"),
        compiler_params=pltpu.CompilerParams(use_tc_tiling_on_sc=False),
        out_type=jax.ShapeDtypeStruct((2 * N_PAD, h), dtype),
        scratch_types=[
            pltpu.VMEM((AGG_C0, K_CHUNK), jnp.int32),
            pltpu.VMEM((AGG_C0, K_CHUNK), jnp.int32),
            pltpu.VMEM((_NG * _P * K_CHUNK, h), dtype),
            pltpu.VMEM_SHARED((N_PAD, h), dtype),
            [pltpu.SemaphoreType.DMA] * _NG,
            [pltpu.SemaphoreType.DMA] * _NG,
        ],
    )
    def agg_kernel(y_hbm, src_hbm, dst_hbm, zeros_hbm, out_hbm,
                   src_all, dst_all, rows_v, acc_sh, gsems, ssems):
        c = lax.axis_index("c")
        s = lax.axis_index("s")
        base = jnp.where(c == 0, s * AGG_C0, 16 * AGG_C0 + s * AGG_C1)
        nchunks = jnp.where(c == 0, AGG_C0, AGG_C1)
        nb = nchunks // _P
        with jax.named_scope("agg_init"):
            pltpu.sync_copy(src_hbm.at[pl.ds(base, AGG_C0)], src_all)
            pltpu.sync_copy(dst_hbm.at[pl.ds(base, AGG_C0)], dst_all)
            pltpu.sync_copy(zeros_hbm, rows_v.at[pl.ds(0, ROWS_PER_TILE)])
            pltpu.sync_copy(rows_v.at[pl.ds(0, ROWS_PER_TILE)],
                            acc_sh.at[pl.ds(s * ROWS_PER_TILE, ROWS_PER_TILE)])
            plsc.subcore_barrier()

        def fire_gathers(b, g):
            for p in range(_P):
                ch = b * _P + p
                buf = (g * _P + p) * K_CHUNK
                pltpu.async_copy(y_hbm.at[src_all.at[ch]],
                                 rows_v.at[pl.ds(buf, K_CHUNK)], gsems[g])

        def drain_gathers(g):
            for p in range(_P):
                buf = (g * _P + p) * K_CHUNK
                pltpu.make_async_copy(y_hbm.at[src_all.at[0]],
                                      rows_v.at[pl.ds(buf, K_CHUNK)],
                                      gsems[g]).wait()

        def fire_scatters(b, g):
            for p in range(_P):
                ch = b * _P + p
                buf = (g * _P + p) * K_CHUNK
                pltpu.async_copy(rows_v.at[pl.ds(buf, K_CHUNK)],
                                 acc_sh.at[dst_all.at[ch]], ssems[g], add=True)

        def drain_scatters(g):
            for p in range(_P):
                buf = (g * _P + p) * K_CHUNK
                pltpu.make_async_copy(rows_v.at[pl.ds(buf, K_CHUNK)],
                                      acc_sh.at[dst_all.at[0]], ssems[g]).wait()

        @pl.when(nb >= 1)
        def _():
            fire_gathers(0, 0)

        @pl.when(nb >= 2)
        def _():
            fire_gathers(1, 1)

        def body(b, carry):
            for g in range(_NG):
                @pl.when(lax.rem(b, _NG) == g)
                def _(g=g):
                    drain_gathers(g)
                    fire_scatters(b, g)

                    @pl.when(b >= 1)
                    def _():
                        drain_scatters((g + 2) % _NG)

                    @pl.when(b + 2 < nb)
                    def _():
                        fire_gathers(b + 2, (g + 2) % _NG)

            return carry

        with jax.named_scope("agg_loop"):
            lax.fori_loop(0, nb, body, 0)
            for g in range(_NG):
                @pl.when((nb >= 1) & (lax.rem(nb - 1, _NG) == g))
                def _(g=g):
                    drain_scatters(g)
            plsc.subcore_barrier()
        with jax.named_scope("agg_wb"):
            r0 = s * ROWS_PER_TILE
            pltpu.sync_copy(acc_sh.at[pl.ds(r0, ROWS_PER_TILE)],
                            rows_v.at[pl.ds(0, ROWS_PER_TILE)])
            pltpu.sync_copy(rows_v.at[pl.ds(0, ROWS_PER_TILE)],
                            out_hbm.at[pl.ds(c * N_PAD + r0, ROWS_PER_TILE)])

    return agg_kernel


_BN = 1000


def _tc1_body(x_ref, w_ref, d0_ref, d1_ref, y_ref, dinv_ref):
    deg = d0_ref[:, :1] + d1_ref[:, :1] + 1.0
    dinv = lax.rsqrt(deg)
    h = jnp.dot(x_ref[...], w_ref[...], preferred_element_type=jnp.float32)
    y_ref[...] = h * dinv
    dinv_ref[...] = dinv


def _tc1(x, w1, d0, d1):
    return pl.pallas_call(
        _tc1_body,
        grid=(N_NODES // _BN,),
        in_specs=[
            pl.BlockSpec((_BN, D_FEAT), lambda i: (i, 0)),
            pl.BlockSpec((D_FEAT, H1), lambda i: (0, 0)),
            pl.BlockSpec((_BN, 8), lambda i: (i, 0)),
            pl.BlockSpec((_BN, 8), lambda i: (i, 0)),
        ],
        out_specs=[
            pl.BlockSpec((_BN, H1), lambda i: (i, 0)),
            pl.BlockSpec((_BN, 1), lambda i: (i, 0)),
        ],
        out_shape=[
            jax.ShapeDtypeStruct((N_NODES, H1), jnp.float32),
            jax.ShapeDtypeStruct((N_NODES, 1), jnp.float32),
        ],
    )(x, w1, d0, d1)


def _tc2_body(a0_ref, a1_ref, y1_ref, dinv_ref, b1_ref, w2_ref, y2_ref):
    agg = a0_ref[...] + a1_ref[...] + y1_ref[...]
    dinv = dinv_ref[...]
    hid = jnp.maximum(agg * dinv + b1_ref[...], 0.0)
    y2_ref[...] = jnp.dot(hid, w2_ref[...], preferred_element_type=jnp.float32) * dinv


def _tc2(a0, a1, y1, dinv, b1, w2):
    return pl.pallas_call(
        _tc2_body,
        grid=(N_NODES // _BN,),
        in_specs=[
            pl.BlockSpec((_BN, H1), lambda i: (i, 0)),
            pl.BlockSpec((_BN, H1), lambda i: (i, 0)),
            pl.BlockSpec((_BN, H1), lambda i: (i, 0)),
            pl.BlockSpec((_BN, 1), lambda i: (i, 0)),
            pl.BlockSpec((1, H1), lambda i: (0, 0)),
            pl.BlockSpec((H1, H2), lambda i: (0, 0)),
        ],
        out_specs=pl.BlockSpec((_BN, H2), lambda i: (i, 0)),
        out_shape=jax.ShapeDtypeStruct((N_NODES, H2), jnp.float32),
    )(a0, a1, y1, dinv, b1, w2)


def _tc3_body(a0_ref, a1_ref, y2_ref, dinv_ref, b2_ref, wc_ref, bc_ref, out_ref):
    agg = a0_ref[...] + a1_ref[...] + y2_ref[...]
    hid = jnp.maximum(agg * dinv_ref[...] + b2_ref[...], 0.0)
    logits = jnp.dot(hid, wc_ref[...], preferred_element_type=jnp.float32) + bc_ref[...]
    m = jnp.max(logits, axis=1, keepdims=True)
    lse = jnp.log(jnp.sum(jnp.exp(logits - m), axis=1, keepdims=True)) + m
    out_ref[...] = logits - lse


def _tc3(a0, a1, y2, dinv, b2, wc, bc):
    return pl.pallas_call(
        _tc3_body,
        grid=(N_NODES // _BN,),
        in_specs=[
            pl.BlockSpec((_BN, H2), lambda i: (i, 0)),
            pl.BlockSpec((_BN, H2), lambda i: (i, 0)),
            pl.BlockSpec((_BN, H2), lambda i: (i, 0)),
            pl.BlockSpec((_BN, 1), lambda i: (i, 0)),
            pl.BlockSpec((1, H2), lambda i: (0, 0)),
            pl.BlockSpec((H2, N_CLASSES), lambda i: (0, 0)),
            pl.BlockSpec((1, N_CLASSES), lambda i: (0, 0)),
        ],
        out_specs=pl.BlockSpec((_BN, N_CLASSES), lambda i: (i, 0)),
        out_shape=jax.ShapeDtypeStruct((N_NODES, N_CLASSES), jnp.float32),
    )(a0, a1, y2, dinv, b2, wc, bc)


def kernel(x, edge_index, W1, b1, W2, b2, Wc, bc):
    src = edge_index[0].astype(jnp.int32)
    dst = edge_index[1].astype(jnp.int32)
    pad = jnp.full((E_PAD - E_EDGES,), N_NODES, jnp.int32)
    src_p = jnp.concatenate([src, pad]).reshape(CH_ALLOC, K_CHUNK)
    dst_p = jnp.concatenate([dst, pad]).reshape(CH_ALLOC, K_CHUNK)

    ones8 = jnp.ones((K_CHUNK, 8), jnp.float32)
    zeros8 = jnp.zeros((ROWS_PER_TILE, 8), jnp.float32)
    zeros1 = jnp.zeros((ROWS_PER_TILE, H1), jnp.bfloat16)
    zeros2 = jnp.zeros((ROWS_PER_TILE, H2), jnp.bfloat16)

    degp = _make_deg_kernel()(dst_p, ones8, zeros8)
    d0 = degp[:N_NODES]
    d1 = degp[N_PAD:N_PAD + N_NODES]

    y1, dinv = _tc1(x, W1, d0, d1)
    y1p = jnp.concatenate(
        [y1, jnp.zeros((N_NODES, H1), jnp.float32)[:N_PAD - N_NODES]],
        axis=0).astype(jnp.bfloat16)
    agg1 = _make_agg_kernel(H1)(y1p, src_p, dst_p, zeros1)
    y2 = _tc2(agg1[:N_NODES].astype(jnp.float32),
              agg1[N_PAD:N_PAD + N_NODES].astype(jnp.float32), y1, dinv,
              b1.reshape(1, H1), W2)
    y2p = jnp.concatenate(
        [y2, jnp.zeros((N_NODES, H2), jnp.float32)[:N_PAD - N_NODES]],
        axis=0).astype(jnp.bfloat16)
    agg2 = _make_agg_kernel(H2)(y2p, src_p, dst_p, zeros2)
    return _tc3(agg2[:N_NODES].astype(jnp.float32),
                agg2[N_PAD:N_PAD + N_NODES].astype(jnp.float32), y2, dinv,
                b2.reshape(1, H2), Wc, bc.reshape(1, N_CLASSES))

# --- scband reference (transcript-rebuilt; emitter-appended) ---
"""Pipeline reference for scband-gcn-ids-82128364634664 (READ-ONLY COPY).

The authoritative reference and input builder live on the scoring server;
editing this copy changes nothing except your own understanding.
"""

import jax, jax.numpy as jnp
import numpy as np

N_NODES = 10000
N_EDGES = 320000
D_FEAT = 128
H1 = 64
H2 = 32
N_CLASSES = 10


def gcn_conv(x, edge_index, W, b, num_nodes):
    # GCNConv: add self-loops, symmetric normalization, scatter-add aggregation
    src = edge_index[0]
    dst = edge_index[1]
    loop = jnp.arange(num_nodes, dtype=edge_index.dtype)
    src = jnp.concatenate([src, loop])
    dst = jnp.concatenate([dst, loop])
    deg = jnp.zeros((num_nodes,), dtype=x.dtype).at[dst].add(1.0)
    dinv = jnp.where(deg > 0, 1.0 / jnp.sqrt(deg), 0.0)
    norm = dinv[src] * dinv[dst]
    h = x @ W
    msg = h[src] * norm[:, None]
    out = jnp.zeros((num_nodes, W.shape[1]), dtype=x.dtype).at[dst].add(msg)
    return out + b


def setup_inputs(seed: int = 0) -> dict:
    key = jax.random.key(seed)
    k1, k2, k3, k4, k5 = jax.random.split(key, 5)
    x = jax.random.normal(k1, (N_NODES, D_FEAT), dtype=jnp.float32)
    edge_index = jax.random.randint(k2, (2, N_EDGES), 0, N_NODES, dtype=jnp.int64)
    W1 = jax.random.normal(k3, (D_FEAT, H1), dtype=jnp.float32) / np.sqrt(D_FEAT)
    b1 = jnp.zeros((H1,), dtype=jnp.float32)
    W2 = jax.random.normal(k4, (H1, H2), dtype=jnp.float32) / np.sqrt(H1)
    b2 = jnp.zeros((H2,), dtype=jnp.float32)
    Wc = jax.random.normal(k5, (H2, N_CLASSES), dtype=jnp.float32) / np.sqrt(H2)
    bc = jnp.zeros((N_CLASSES,), dtype=jnp.float32)
    return {"x": x, "edge_index": edge_index, "W1": W1, "b1": b1, "W2": W2, "b2": b2, "Wc": Wc, "bc": bc}


def reference(x, edge_index, W1, b1, W2, b2, Wc, bc):
    num_nodes = x.shape[0]
    h = jax.nn.relu(gcn_conv(x, edge_index, W1, b1, num_nodes))
    # dropout p=0.2 is identity in eval mode
    h = jax.nn.relu(gcn_conv(h, edge_index, W2, b2, num_nodes))
    logits = h @ Wc + bc
    return jax.nn.log_softmax(logits, axis=1)

if __name__ == "__main__":
    import jax
    _d = setup_inputs()
    print(jax.jit(kernel)(*tuple(_d.values())))

</pallas_src>

<mosaic_0001>
#map = affine_map<(d0, d1) -> (0, 0)>
module attributes {stable_mosaic.version = 14 : i64} {
  func.func @agg_kernel(%arg0: i32, %arg1: i32, %arg2: memref<10112x32xbf16, #tpu.memory_space<hbm>>, %arg3: memref<1312x256xi32, #tpu.memory_space<hbm>>, %arg4: memref<1312x256xi32, #tpu.memory_space<hbm>>, %arg5: memref<632x32xbf16, #tpu.memory_space<hbm>>, %arg6: memref<20224x32xbf16, #tpu.memory_space<hbm>>, %arg7: memref<56x256xi32, #tpu.memory_space<vmem>>, %arg8: memref<56x256xi32, #tpu.memory_space<vmem>>, %arg9: memref<768x32xbf16, #tpu.memory_space<vmem>>, %arg10: memref<10112x32xbf16, #tpu.memory_space<vmem_shared>>, %arg11: memref<!tpu.dma_semaphore, #tpu.memory_space<semaphore_mem>>, %arg12: memref<!tpu.dma_semaphore, #tpu.memory_space<semaphore_mem>>, %arg13: memref<!tpu.dma_semaphore, #tpu.memory_space<semaphore_mem>>, %arg14: memref<!tpu.dma_semaphore, #tpu.memory_space<semaphore_mem>>, %arg15: memref<!tpu.dma_semaphore, #tpu.memory_space<semaphore_mem>>, %arg16: memref<!tpu.dma_semaphore, #tpu.memory_space<semaphore_mem>>) attributes {dimension_semantics = [#tpu.dimension_semantics<core_parallel>, #tpu.dimension_semantics<subcore_parallel>], iteration_bounds = array<i64: 2, 16>, scalar_prefetch = 0 : i64, scratch_operands = 10 : i64, tpu.core_type = #tpu.core_type<sc_vector_subcore>, window_params = [{transform_indices = #map}, {transform_indices = #map}, {transform_indices = #map}, {transform_indices = #map}, {transform_indices = #map}]} {
    %eq3A = arith.constant 0 : i32
    %eq3A_0 = arith.cmpi eq, %arg0, %eq3A : i32
    %mul3A = arith.constant 56 : i32
    %mul3A_1 = arith.muli %arg1, %mul3A : i32
    %mul3A_2 = arith.constant 24 : i32
    %mul3A_3 = arith.muli %arg1, %mul3A_2 : i32
    %add3A = arith.constant 896 : i32
    %add3A_4 = arith.addi %add3A, %mul3A_3 : i32
    %select_n3A = arith.select %eq3A_0, %mul3A_1, %add3A_4 : i32
    %eq3A_5 = arith.constant 0 : i32
    %eq3A_6 = arith.cmpi eq, %arg0, %eq3A_5 : i32
    %jit3A = arith.constant 56 : i32
    %jit3A_7 = arith.constant 24 : i32
    %select_n3A_8 = arith.select %eq3A_6, %jit3A, %jit3A_7 : i32
    %jit3A_9 = arith.constant 1 : i32
    %div3A = arith.divsi %select_n3A_8, %jit3A_9 : i32
    %sign3A = arith.constant 0 : i32
    %sign3A_10 = arith.cmpi sgt, %select_n3A_8, %sign3A : i32
    %sign3A_11 = arith.extui %sign3A_10 : i1 to i32
    %sign3A_12 = arith.constant 0 : i32
    %sign3A_13 = arith.cmpi slt, %select_n3A_8, %sign3A_12 : i32
    %sign3A_14 = arith.extui %sign3A_13 : i1 to i32
    %sign3A_15 = arith.subi %sign3A_11, %sign3A_14 : i32
    %sign3A_16 = arith.constant 0 : i32
    %sign3A_17 = arith.cmpi sgt, %jit3A_9, %sign3A_16 : i32
    %sign3A_18 = arith.extui %sign3A_17 : i1 to i32
    %sign3A_19 = arith.constant 0 : i32
    %sign3A_20 = arith.cmpi slt, %jit3A_9, %sign3A_19 : i32
    %sign3A_21 = arith.extui %sign3A_20 : i1 to i32
    %sign3A_22 = arith.subi %sign3A_18, %sign3A_21 : i32
    %ne3A = arith.cmpi ne, %sign3A_15, %sign3A_22 : i32
    %rem3A = arith.remsi %select_n3A_8, %jit3A_9 : i32
    %ne3A_23 = arith.constant 0 : i32
    %ne3A_24 = arith.cmpi ne, %rem3A, %ne3A_23 : i32
    %and3A = arith.andi %ne3A, %ne3A_24 : i1
    %sub3A = arith.constant 1 : i32
    %sub3A_25 = arith.subi %div3A, %sub3A : i32
    %select_n3A_26 = arith.select %and3A, %sub3A_25, %div3A : i32
    "tpu.trace_start"() <{level = 10 : i32, message = "agg_init"}> : () -> ()
    "tpu.region"() ({
      %run_scoped3A = tpu.sem_alloc : memref<!tpu.dma_semaphore, #tpu.memory_space<semaphore_mem>>
      %dma_start3A = arith.constant 0 : i32
      %dma_start3A_87 = tpu.memref_slice %arg3[%select_n3A, %dma_start3A] : memref<1312x256xi32, #tpu.memory_space<hbm>> -> memref<56x256xi32, #tpu.memory_space<hbm>>
      %dma_start3A_88 = arith.constant 0 : i32
      %dma_start3A_89 = tpu.memref_slice %arg3[%select_n3A, %dma_start3A_88] : memref<1312x256xi32, #tpu.memory_space<hbm>> -> memref<56x256xi32, #tpu.memory_space<hbm>>
      tpu.enqueue_dma source(%dma_start3A_89 : memref<56x256xi32, #tpu.memory_space<hbm>>) target(%arg7 : memref<56x256xi32, #tpu.memory_space<vmem>>) target_semaphore(%run_scoped3A : memref<!tpu.dma_semaphore, #tpu.memory_space<semaphore_mem>>)
      %dma_wait3A = arith.constant 0 : i32
      %dma_wait3A_90 = tpu.memref_slice %arg3[%select_n3A, %dma_wait3A] : memref<1312x256xi32, #tpu.memory_space<hbm>> -> memref<56x256xi32, #tpu.memory_space<hbm>>
      %dma_wait3A_91 = arith.constant 0 : i32
      %dma_wait3A_92 = tpu.memref_slice %arg3[%select_n3A, %dma_wait3A_91] : memref<1312x256xi32, #tpu.memory_space<hbm>> -> memref<56x256xi32, #tpu.memory_space<hbm>>
      tpu.wait_dma2 semaphore(%run_scoped3A : memref<!tpu.dma_semaphore, #tpu.memory_space<semaphore_mem>>) src(%dma_wait3A_92 : memref<56x256xi32, #tpu.memory_space<hbm>>) dst(%arg7 : memref<56x256xi32, #tpu.memory_space<vmem>>)
      tpu.yield
    }) : () -> ()
    "tpu.region"() ({
      %run_scoped3A = tpu.sem_alloc : memref<!tpu.dma_semaphore, #tpu.memory_space<semaphore_mem>>
      %dma_start3A = arith.constant 0 : i32
      %dma_start3A_87 = tpu.memref_slice %arg4[%select_n3A, %dma_start3A] : memref<1312x256xi32, #tpu.memory_space<hbm>> -> memref<56x256xi32, #tpu.memory_space<hbm>>
      %dma_start3A_88 = arith.constant 0 : i32
      %dma_start3A_89 = tpu.memref_slice %arg4[%select_n3A, %dma_start3A_88] : memref<1312x256xi32, #tpu.memory_space<hbm>> -> memref<56x256xi32, #tpu.memory_space<hbm>>
      tpu.enqueue_dma source(%dma_start3A_89 : memref<56x256xi32, #tpu.memory_space<hbm>>) target(%arg8 : memref<56x256xi32, #tpu.memory_space<vmem>>) target_semaphore(%run_scoped3A : memref<!tpu.dma_semaphore, #tpu.memory_space<semaphore_mem>>)
      %dma_wait3A = arith.constant 0 : i32
      %dma_wait3A_90 = tpu.memref_slice %arg4[%select_n3A, %dma_wait3A] : memref<1312x256xi32, #tpu.memory_space<hbm>> -> memref<56x256xi32, #tpu.memory_space<hbm>>
      %dma_wait3A_91 = arith.constant 0 : i32
      %dma_wait3A_92 = tpu.memref_slice %arg4[%select_n3A, %dma_wait3A_91] : memref<1312x256xi32, #tpu.memory_space<hbm>> -> memref<56x256xi32, #tpu.memory_space<hbm>>
      tpu.wait_dma2 semaphore(%run_scoped3A : memref<!tpu.dma_semaphore, #tpu.memory_space<semaphore_mem>>) src(%dma_wait3A_92 : memref<56x256xi32, #tpu.memory_space<hbm>>) dst(%arg8 : memref<56x256xi32, #tpu.memory_space<vmem>>)
      tpu.yield
    }) : () -> ()
    "tpu.region"() ({
      %run_scoped3A = tpu.sem_alloc : memref<!tpu.dma_semaphore, #tpu.memory_space<semaphore_mem>>
      %dma_start3A = arith.constant 0 : i32
      %dma_start3A_87 = arith.constant 0 : i32
      %dma_start3A_88 = tpu.memref_slice %arg9[%dma_start3A, %dma_start3A_87] : memref<768x32xbf16, #tpu.memory_space<vmem>> -> memref<632x32xbf16, #tpu.memory_space<vmem>>
      %dma_start3A_89 = arith.constant 0 : i32
      %dma_start3A_90 = arith.constant 0 : i32
      %dma_start3A_91 = tpu.memref_slice %arg9[%dma_start3A_89, %dma_start3A_90] : memref<768x32xbf16, #tpu.memory_space<vmem>> -> memref<632x32xbf16, #tpu.memory_space<vmem>>
      tpu.enqueue_dma source(%arg5 : memref<632x32xbf16, #tpu.memory_space<hbm>>) target(%dma_start3A_91 : memref<632x32xbf16, #tpu.memory_space<vmem>>) target_semaphore(%run_scoped3A : memref<!tpu.dma_semaphore, #tpu.memory_space<semaphore_mem>>)
      %dma_wait3A = arith.constant 0 : i32
      %dma_wait3A_92 = arith.constant 0 : i32
      %dma_wait3A_93 = tpu.memref_slice %arg9[%dma_wait3A, %dma_wait3A_92] : memref<768x32xbf16, #tpu.memory_space<vmem>> -> memref<632x32xbf16, #tpu.memory_space<vmem>>
      %dma_wait3A_94 = arith.constant 0 : i32
      %dma_wait3A_95 = arith.constant 0 : i32
      %dma_wait3A_96 = tpu.memref_slice %arg9[%dma_wait3A_94, %dma_wait3A_95] : memref<768x32xbf16, #tpu.memory_space<vmem>> -> memref<632x32xbf16, #tpu.memory_space<vmem>>
      tpu.wait_dma2 semaphore(%run_scoped3A : memref<!tpu.dma_semaphore, #tpu.memory_space<semaphore_mem>>) src(%arg5 : memref<632x32xbf16, #tpu.memory_space<hbm>>) dst(%dma_wait3A_96 : memref<632x32xbf16, #tpu.memory_space<vmem>>)
      tpu.yield
    }) : () -> ()
    %mul3A_27 = arith.constant 632 : i32
    %mul3A_28 = arith.muli %arg1, %mul3A_27 : i32
    "tpu.region"() ({
      %run_scoped3A = tpu.sem_alloc : memref<!tpu.dma_semaphore, #tpu.memory_space<semaphore_mem>>
      %dma_start3A = arith.constant 0 : i32
      %dma_start3A_87 = arith.constant 0 : i32
      %dma_start3A_88 = tpu.memref_slice %arg9[%dma_start3A, %dma_start3A_87] : memref<768x32xbf16, #tpu.memory_space<vmem>> -> memref<632x32xbf16, #tpu.memory_space<vmem>>
      %dma_start3A_89 = arith.constant 0 : i32
      %dma_start3A_90 = tpu.memref_slice %arg10[%mul3A_28, %dma_start3A_89] : memref<10112x32xbf16, #tpu.memory_space<vmem_shared>> -> memref<632x32xbf16, #tpu.memory_space<vmem_shared>>
      %dma_start3A_91 = arith.constant 0 : i32
      %dma_start3A_92 = tpu.memref_slice %arg10[%mul3A_28, %dma_start3A_91] : memref<10112x32xbf16, #tpu.memory_space<vmem_shared>> -> memref<632x32xbf16, #tpu.memory_space<vmem_shared>>
      %dma_start3A_93 = arith.constant 0 : i32
      %dma_start3A_94 = arith.constant 0 : i32
      %dma_start3A_95 = tpu.memref_slice %arg9[%dma_start3A_93, %dma_start3A_94] : memref<768x32xbf16, #tpu.memory_space<vmem>> -> memref<632x32xbf16, #tpu.memory_space<vmem>>
      tpu.enqueue_dma source(%dma_start3A_95 : memref<632x32xbf16, #tpu.memory_space<vmem>>) target(%dma_start3A_92 : memref<632x32xbf16, #tpu.memory_space<vmem_shared>>) target_semaphore(%run_scoped3A : memref<!tpu.dma_semaphore, #tpu.memory_space<semaphore_mem>>)
      %dma_wait3A = arith.constant 0 : i32
      %dma_wait3A_96 = arith.constant 0 : i32
      %dma_wait3A_97 = tpu.memref_slice %arg9[%dma_wait3A, %dma_wait3A_96] : memref<768x32xbf16, #tpu.memory_space<vmem>> -> memref<632x32xbf16, #tpu.memory_space<vmem>>
      %dma_wait3A_98 = arith.constant 0 : i32
      %dma_wait3A_99 = tpu.memref_slice %arg10[%mul3A_28, %dma_wait3A_98] : memref<10112x32xbf16, #tpu.memory_space<vmem_shared>> -> memref<632x32xbf16, #tpu.memory_space<vmem_shared>>
      %dma_wait3A_100 = arith.constant 0 : i32
      %dma_wait3A_101 = tpu.memref_slice %arg10[%mul3A_28, %dma_wait3A_100] : memref<10112x32xbf16, #tpu.memory_space<vmem_shared>> -> memref<632x32xbf16, #tpu.memory_space<vmem_shared>>
      %dma_wait3A_102 = arith.constant 0 : i32
      %dma_wait3A_103 = arith.constant 0 : i32
      %dma_wait3A_104 = tpu.memref_slice %arg9[%dma_wait3A_102, %dma_wait3A_103] : memref<768x32xbf16, #tpu.memory_space<vmem>> -> memref<632x32xbf16, #tpu.memory_space<vmem>>
      tpu.wait_dma2 semaphore(%run_scoped3A : memref<!tpu.dma_semaphore, #tpu.memory_space<semaphore_mem>>) src(%dma_wait3A_104 : memref<632x32xbf16, #tpu.memory_space<vmem>>) dst(%dma_wait3A_101 : memref<632x32xbf16, #tpu.memory_space<vmem_shared>>)
      tpu.yield
    }) : () -> ()
    %barrier3A = arith.constant 0 : index
    tpu.barrier barrier_id(%barrier3A)
    %ge3A = arith.constant 1 : i32
    "tpu.trace_stop"() : () -> ()
    %ge3A_29 = arith.cmpi sge, %select_n3A_26, %ge3A : i32
    %convert_element_type3A = arith.extui %ge3A_29 : i1 to i32
    %cond3A = arith.constant 0 : i32
    %cond3A_30 = arith.cmpi ne, %convert_element_type3A, %cond3A : i32
    scf.if %cond3A_30 {
      %dma_start3A = arith.constant 0 : i32
      %dma_start3A_87 = arith.constant 0 : i32
      %dma_start3A_88 = arith.constant 0 : i32
      %dma_start3A_89 = tpu.memref_slice %arg9[%dma_start3A_87, %dma_start3A_88] : memref<768x32xbf16, #tpu.memory_space<vmem>> -> memref<256x32xbf16, #tpu.memory_space<vmem>>
      %dma_start3A_90 = arith.constant 0 : i32
      %dma_start3A_91 = tpu.memref_slice %arg7[%dma_start3A, %dma_start3A_90] : memref<56x256xi32, #tpu.memory_space<vmem>> -> memref<1x256xi32, #tpu.memory_space<vmem>>
      %dma_start3A_92 = tpu.memref_squeeze %dma_start3A_91 : memref<1x256xi32, #tpu.memory_space<vmem>> -> memref<256xi32, #tpu.memory_space<vmem>>
      %dma_start3A_93 = arith.constant 0 : i32
      %dma_start3A_94 = arith.constant 0 : i32
      %dma_start3A_95 = tpu.memref_slice %arg2[%dma_start3A_93, %dma_start3A_94] : memref<10112x32xbf16, #tpu.memory_space<hbm>> -> memref<10112x32xbf16, #tpu.memory_space<hbm>>
      tpu.enqueue_indirect_dma source(%dma_start3A_95 : memref<10112x32xbf16, #tpu.memory_space<hbm>>) target(%dma_start3A_89 : memref<256x32xbf16, #tpu.memory_space<vmem>>) offsets(%dma_start3A_92 : memref<256xi32, #tpu.memory_space<vmem>>) semaphore(%arg11 : memref<!tpu.dma_semaphore, #tpu.memory_space<semaphore_mem>>)
    } else {
    }
    %ge3A_31 = arith.constant 2 : i32
    %ge3A_32 = arith.cmpi sge, %select_n3A_26, %ge3A_31 : i32
    %convert_element_type3A_33 = arith.extui %ge3A_32 : i1 to i32
    %cond3A_34 = arith.constant 0 : i32
    %cond3A_35 = arith.cmpi ne, %convert_element_type3A_33, %cond3A_34 : i32
    scf.if %cond3A_35 {
      %dma_start3A = arith.constant 1 : i32
      %dma_start3A_87 = arith.constant 256 : i32
      %dma_start3A_88 = arith.constant 0 : i32
      %dma_start3A_89 = tpu.memref_slice %arg9[%dma_start3A_87, %dma_start3A_88] : memref<768x32xbf16, #tpu.memory_space<vmem>> -> memref<256x32xbf16, #tpu.memory_space<vmem>>
      %dma_start3A_90 = arith.constant 0 : i32
      %dma_start3A_91 = tpu.memref_slice %arg7[%dma_start3A, %dma_start3A_90] : memref<56x256xi32, #tpu.memory_space<vmem>> -> memref<1x256xi32, #tpu.memory_space<vmem>>
      %dma_start3A_92 = tpu.memref_squeeze %dma_start3A_91 : memref<1x256xi32, #tpu.memory_space<vmem>> -> memref<256xi32, #tpu.memory_space<vmem>>
      %dma_start3A_93 = arith.constant 0 : i32
      %dma_start3A_94 = arith.constant 0 : i32
      %dma_start3A_95 = tpu.memref_slice %arg2[%dma_start3A_93, %dma_start3A_94] : memref<10112x32xbf16, #tpu.memory_space<hbm>> -> memref<10112x32xbf16, #tpu.memory_space<hbm>>
      tpu.enqueue_indirect_dma source(%dma_start3A_95 : memref<10112x32xbf16, #tpu.memory_space<hbm>>) target(%dma_start3A_89 : memref<256x32xbf16, #tpu.memory_space<vmem>>) offsets(%dma_start3A_92 : memref<256xi32, #tpu.memory_space<vmem>>) semaphore(%arg12 : memref<!tpu.dma_semaphore, #tpu.memory_space<semaphore_mem>>)
    } else {
    }
    %while3A = arith.constant 0 : i32
    %while3A_36 = arith.constant 0 : i32
    "tpu.trace_start"() <{level = 10 : i32, message = "agg_loop"}> : () -> ()
    %while3A_37 = arith.subi %select_n3A_26, %while3A_36 : i32
    %while3A_38 = arith.addi %while3A_36, %while3A_37 : i32
    %while3A_39 = arith.constant 1 : i32
    %while3A_40 = arith.divsi %while3A_37, %while3A_39 : i32
    %while3A_41 = arith.muli %while3A_40, %while3A_39 : i32
    %while3A_42 = arith.addi %while3A_36, %while3A_41 : i32
    %while3A_43 = arith.constant 1 : i32
    scf.for %while3A_87 = %while3A_36 to %while3A_42 step %while3A_43  : i32 {
      %rem3A_88 = arith.constant 3 : i32
      %rem3A_89 = arith.remsi %while3A_87, %rem3A_88 : i32
      %eq3A_90 = arith.constant 0 : i32
      %eq3A_91 = arith.cmpi eq, %rem3A_89, %eq3A_90 : i32
      %convert_element_type3A_92 = arith.extui %eq3A_91 : i1 to i32
      %cond3A_93 = arith.constant 0 : i32
      %cond3A_94 = arith.cmpi ne, %convert_element_type3A_92, %cond3A_93 : i32
      scf.if %cond3A_94 {
        %dma_wait3A = arith.constant 0 : i32
        %dma_wait3A_109 = arith.constant 0 : i32
        %dma_wait3A_110 = arith.constant 0 : i32
        %dma_wait3A_111 = tpu.memref_slice %arg9[%dma_wait3A_109, %dma_wait3A_110] : memref<768x32xbf16, #tpu.memory_space<vmem>> -> memref<256x32xbf16, #tpu.memory_space<vmem>>
        %dma_wait3A_112 = arith.constant 0 : i32
        %dma_wait3A_113 = tpu.memref_slice %arg7[%dma_wait3A, %dma_wait3A_112] : memref<56x256xi32, #tpu.memory_space<vmem>> -> memref<1x256xi32, #tpu.memory_space<vmem>>
        %dma_wait3A_114 = tpu.memref_squeeze %dma_wait3A_113 : memref<1x256xi32, #tpu.memory_space<vmem>> -> memref<256xi32, #tpu.memory_space<vmem>>
        %dma_wait3A_115 = arith.constant 0 : i32
        %dma_wait3A_116 = arith.constant 0 : i32
        %dma_wait3A_117 = tpu.memref_slice %arg2[%dma_wait3A_115, %dma_wait3A_116] : memref<10112x32xbf16, #tpu.memory_space<hbm>> -> memref<10112x32xbf16, #tpu.memory_space<hbm>>
        tpu.wait_indirect_dma semaphore(%arg11 : memref<!tpu.dma_semaphore, #tpu.memory_space<semaphore_mem>>) src(%dma_wait3A_117 : memref<10112x32xbf16, #tpu.memory_space<hbm>>) dst(%dma_wait3A_111 : memref<256x32xbf16, #tpu.memory_space<vmem>>)
        %mul3A_118 = arith.constant 1 : i32
        %mul3A_119 = arith.muli %while3A_87, %mul3A_118 : i32
        %add3A_120 = arith.constant 0 : i32
        %add3A_121 = arith.addi %mul3A_119, %add3A_120 : i32
        %dma_start3A = arith.constant 0 : i32
        %dma_start3A_122 = arith.constant 0 : i32
        %dma_start3A_123 = tpu.memref_slice %arg9[%dma_start3A, %dma_start3A_122] : memref<768x32xbf16, #tpu.memory_space<vmem>> -> memref<256x32xbf16, #tpu.memory_space<vmem>>
        %dma_start3A_124 = arith.constant 0 : i32
        %dma_start3A_125 = tpu.memref_slice %arg8[%add3A_121, %dma_start3A_124] : memref<56x256xi32, #tpu.memory_space<vmem>> -> memref<1x256xi32, #tpu.memory_space<vmem>>
        %dma_start3A_126 = tpu.memref_squeeze %dma_start3A_125 : memref<1x256xi32, #tpu.memory_space<vmem>> -> memref<256xi32, #tpu.memory_space<vmem>>
        %dma_start3A_127 = arith.constant 0 : i32
        %dma_start3A_128 = arith.constant 0 : i32
        %dma_start3A_129 = tpu.memref_slice %arg10[%dma_start3A_127, %dma_start3A_128] : memref<10112x32xbf16, #tpu.memory_space<vmem_shared>> -> memref<10112x32xbf16, #tpu.memory_space<vmem_shared>>
        tpu.enqueue_indirect_dma source(%dma_start3A_123 : memref<256x32xbf16, #tpu.memory_space<vmem>>) target(%dma_start3A_129 : memref<10112x32xbf16, #tpu.memory_space<vmem_shared>>) offsets(%dma_start3A_126 : memref<256xi32, #tpu.memory_space<vmem>>) semaphore(%arg14 : memref<!tpu.dma_semaphore, #tpu.memory_space<semaphore_mem>>) {add = true}
        %ge3A_130 = arith.constant 1 : i32
        %ge3A_131 = arith.cmpi sge, %while3A_87, %ge3A_130 : i32
        %convert_element_type3A_132 = arith.extui %ge3A_131 : i1 to i32
        %cond3A_133 = arith.constant 0 : i32
        %cond3A_134 = arith.cmpi ne, %convert_element_type3A_132, %cond3A_133 : i32
        scf.if %cond3A_134 {
          %dma_wait3A_140 = arith.constant 0 : i32
          %dma_wait3A_141 = arith.constant 512 : i32
          %dma_wait3A_142 = arith.constant 0 : i32
          %dma_wait3A_143 = tpu.memref_slice %arg9[%dma_wait3A_141, %dma_wait3A_142] : memref<768x32xbf16, #tpu.memory_space<vmem>> -> memref<256x32xbf16, #tpu.memory_space<vmem>>
          %dma_wait3A_144 = arith.constant 0 : i32
          %dma_wait3A_145 = tpu.memref_slice %arg8[%dma_wait3A_140, %dma_wait3A_144] : memref<56x256xi32, #tpu.memory_space<vmem>> -> memref<1x256xi32, #tpu.memory_space<vmem>>
          %dma_wait3A_146 = tpu.memref_squeeze %dma_wait3A_145 : memref<1x256xi32, #tpu.memory_space<vmem>> -> memref<256xi32, #tpu.memory_space<vmem>>
          %dma_wait3A_147 = arith.constant 0 : i32
          %dma_wait3A_148 = arith.constant 0 : i32
          %dma_wait3A_149 = tpu.memref_slice %arg10[%dma_wait3A_147, %dma_wait3A_148] : memref<10112x32xbf16, #tpu.memory_space<vmem_shared>> -> memref<10112x32xbf16, #tpu.memory_space<vmem_shared>>
          tpu.wait_indirect_dma semaphore(%arg16 : memref<!tpu.dma_semaphore, #tpu.memory_space<semaphore_mem>>) src(%dma_wait3A_143 : memref<256x32xbf16, #tpu.memory_space<vmem>>) dst(%dma_wait3A_149 : memref<10112x32xbf16, #tpu.memory_space<vmem_shared>>)
        } else {
        }
        %add3A_135 = arith.constant 2 : i32
        %add3A_136 = arith.addi %while3A_87, %add3A_135 : i32
        %lt3A = arith.cmpi slt, %add3A_136, %select_n3A_26 : i32
        %convert_element_type3A_137 = arith.extui %lt3A : i1 to i32
        %cond3A_138 = arith.constant 0 : i32
        %cond3A_139 = arith.cmpi ne, %convert_element_type3A_137, %cond3A_138 : i32
        scf.if %cond3A_139 {
          %add3A_140 = arith.constant 2 : i32
          %add3A_141 = arith.addi %while3A_87, %add3A_140 : i32
          %mul3A_142 = arith.constant 1 : i32
          %mul3A_143 = arith.muli %add3A_141, %mul3A_142 : i32
          %add3A_144 = arith.constant 0 : i32
          %add3A_145 = arith.addi %mul3A_143, %add3A_144 : i32
          %dma_start3A_146 = arith.constant 512 : i32
          %dma_start3A_147 = arith.constant 0 : i32
          %dma_start3A_148 = tpu.memref_slice %arg9[%dma_start3A_146, %dma_start3A_147] : memref<768x32xbf16, #tpu.memory_space<vmem>> -> memref<256x32xbf16, #tpu.memory_space<vmem>>
          %dma_start3A_149 = arith.constant 0 : i32
          %dma_start3A_150 = tpu.memref_slice %arg7[%add3A_145, %dma_start3A_149] : memref<56x256xi32, #tpu.memory_space<vmem>> -> memref<1x256xi32, #tpu.memory_space<vmem>>
          %dma_start3A_151 = tpu.memref_squeeze %dma_start3A_150 : memref<1x256xi32, #tpu.memory_space<vmem>> -> memref<256xi32, #tpu.memory_space<vmem>>
          %dma_start3A_152 = arith.constant 0 : i32
          %dma_start3A_153 = arith.constant 0 : i32
          %dma_start3A_154 = tpu.memref_slice %arg2[%dma_start3A_152, %dma_start3A_153] : memref<10112x32xbf16, #tpu.memory_space<hbm>> -> memref<10112x32xbf16, #tpu.memory_space<hbm>>
          tpu.enqueue_indirect_dma source(%dma_start3A_154 : memref<10112x32xbf16, #tpu.memory_space<hbm>>) target(%dma_start3A_148 : memref<256x32xbf16, #tpu.memory_space<vmem>>) offsets(%dma_start3A_151 : memref<256xi32, #tpu.memory_space<vmem>>) semaphore(%arg13 : memref<!tpu.dma_semaphore, #tpu.memory_space<semaphore_mem>>)
        } else {
        }
      } else {
      }
      %rem3A_95 = arith.constant 3 : i32
      %rem3A_96 = arith.remsi %while3A_87, %rem3A_95 : i32
      %eq3A_97 = arith.constant 1 : i32
      %eq3A_98 = arith.cmpi eq, %rem3A_96, %eq3A_97 : i32
      %convert_element_type3A_99 = arith.extui %eq3A_98 : i1 to i32
      %cond3A_100 = arith.constant 0 : i32
      %cond3A_101 = arith.cmpi ne, %convert_element_type3A_99, %cond3A_100 : i32
      scf.if %cond3A_101 {
        %dma_wait3A = arith.constant 0 : i32
        %dma_wait3A_109 = arith.constant 256 : i32
        %dma_wait3A_110 = arith.constant 0 : i32
        %dma_wait3A_111 = tpu.memref_slice %arg9[%dma_wait3A_109, %dma_wait3A_110] : memref<768x32xbf16, #tpu.memory_space<vmem>> -> memref<256x32xbf16, #tpu.memory_space<vmem>>
        %dma_wait3A_112 = arith.constant 0 : i32
        %dma_wait3A_113 = tpu.memref_slice %arg7[%dma_wait3A, %dma_wait3A_112] : memref<56x256xi32, #tpu.memory_space<vmem>> -> memref<1x256xi32, #tpu.memory_space<vmem>>
        %dma_wait3A_114 = tpu.memref_squeeze %dma_wait3A_113 : memref<1x256xi32, #tpu.memory_space<vmem>> -> memref<256xi32, #tpu.memory_space<vmem>>
        %dma_wait3A_115 = arith.constant 0 : i32
        %dma_wait3A_116 = arith.constant 0 : i32
        %dma_wait3A_117 = tpu.memref_slice %arg2[%dma_wait3A_115, %dma_wait3A_116] : memref<10112x32xbf16, #tpu.memory_space<hbm>> -> memref<10112x32xbf16, #tpu.memory_space<hbm>>
        tpu.wait_indirect_dma semaphore(%arg12 : memref<!tpu.dma_semaphore, #tpu.memory_space<semaphore_mem>>) src(%dma_wait3A_117 : memref<10112x32xbf16, #tpu.memory_space<hbm>>) dst(%dma_wait3A_111 : memref<256x32xbf16, #tpu.memory_space<vmem>>)
        %mul3A_118 = arith.constant 1 : i32
        %mul3A_119 = arith.muli %while3A_87, %mul3A_118 : i32
        %add3A_120 = arith.constant 0 : i32
        %add3A_121 = arith.addi %mul3A_119, %add3A_120 : i32
        %dma_start3A = arith.constant 256 : i32
        %dma_start3A_122 = arith.constant 0 : i32
        %dma_start3A_123 = tpu.memref_slice %arg9[%dma_start3A, %dma_start3A_122] : memref<768x32xbf16, #tpu.memory_space<vmem>> -> memref<256x32xbf16, #tpu.memory_space<vmem>>
        %dma_start3A_124 = arith.constant 0 : i32
        %dma_start3A_125 = tpu.memref_slice %arg8[%add3A_121, %dma_start3A_124] : memref<56x256xi32, #tpu.memory_space<vmem>> -> memref<1x256xi32, #tpu.memory_space<vmem>>
        %dma_start3A_126 = tpu.memref_squeeze %dma_start3A_125 : memref<1x256xi32, #tpu.memory_space<vmem>> -> memref<256xi32, #tpu.memory_space<vmem>>
        %dma_start3A_127 = arith.constant 0 : i32
        %dma_start3A_128 = arith.constant 0 : i32
        %dma_start3A_129 = tpu.memref_slice %arg10[%dma_start3A_127, %dma_start3A_128] : memref<10112x32xbf16, #tpu.memory_space<vmem_shared>> -> memref<10112x32xbf16, #tpu.memory_space<vmem_shared>>
        tpu.enqueue_indirect_dma source(%dma_start3A_123 : memref<256x32xbf16, #tpu.memory_space<vmem>>) target(%dma_start3A_129 : memref<10112x32xbf16, #tpu.memory_space<vmem_shared>>) offsets(%dma_start3A_126 : memref<256xi32, #tpu.memory_space<vmem>>) semaphore(%arg15 : memref<!tpu.dma_semaphore, #tpu.memory_space<semaphore_mem>>) {add = true}
        %ge3A_130 = arith.constant 1 : i32
        %ge3A_131 = arith.cmpi sge, %while3A_87, %ge3A_130 : i32
        %convert_element_type3A_132 = arith.extui %ge3A_131 : i1 to i32
        %cond3A_133 = arith.constant 0 : i32
        %cond3A_134 = arith.cmpi ne, %convert_element_type3A_132, %cond3A_133 : i32
        scf.if %cond3A_134 {
          %dma_wait3A_140 = arith.constant 0 : i32
          %dma_wait3A_141 = arith.constant 0 : i32
          %dma_wait3A_142 = arith.constant 0 : i32
          %dma_wait3A_143 = tpu.memref_slice %arg9[%dma_wait3A_141, %dma_wait3A_142] : memref<768x32xbf16, #tpu.memory_space<vmem>> -> memref<256x32xbf16, #tpu.memory_space<vmem>>
          %dma_wait3A_144 = arith.constant 0 : i32
          %dma_wait3A_145 = tpu.memref_slice %arg8[%dma_wait3A_140, %dma_wait3A_144] : memref<56x256xi32, #tpu.memory_space<vmem>> -> memref<1x256xi32, #tpu.memory_space<vmem>>
          %dma_wait3A_146 = tpu.memref_squeeze %dma_wait3A_145 : memref<1x256xi32, #tpu.memory_space<vmem>> -> memref<256xi32, #tpu.memory_space<vmem>>
          %dma_wait3A_147 = arith.constant 0 : i32
          %dma_wait3A_148 = arith.constant 0 : i32
          %dma_wait3A_149 = tpu.memref_slice %arg10[%dma_wait3A_147, %dma_wait3A_148] : memref<10112x32xbf16, #tpu.memory_space<vmem_shared>> -> memref<10112x32xbf16, #tpu.memory_space<vmem_shared>>
          tpu.wait_indirect_dma semaphore(%arg14 : memref<!tpu.dma_semaphore, #tpu.memory_space<semaphore_mem>>) src(%dma_wait3A_143 : memref<256x32xbf16, #tpu.memory_space<vmem>>) dst(%dma_wait3A_149 : memref<10112x32xbf16, #tpu.memory_space<vmem_shared>>)
        } else {
        }
        %add3A_135 = arith.constant 2 : i32
        %add3A_136 = arith.addi %while3A_87, %add3A_135 : i32
        %lt3A = arith.cmpi slt, %add3A_136, %select_n3A_26 : i32
        %convert_element_type3A_137 = arith.extui %lt3A : i1 to i32
        %cond3A_138 = arith.constant 0 : i32
        %cond3A_139 = arith.cmpi ne, %convert_element_type3A_137, %cond3A_138 : i32
        scf.if %cond3A_139 {
          %add3A_140 = arith.constant 2 : i32
          %add3A_141 = arith.addi %while3A_87, %add3A_140 : i32
          %mul3A_142 = arith.constant 1 : i32
          %mul3A_143 = arith.muli %add3A_141, %mul3A_142 : i32
          %add3A_144 = arith.constant 0 : i32
          %add3A_145 = arith.addi %mul3A_143, %add3A_144 : i32
          %dma_start3A_146 = arith.constant 0 : i32
          %dma_start3A_147 = arith.constant 0 : i32
          %dma_start3A_148 = tpu.memref_slice %arg9[%dma_start3A_146, %dma_start3A_147] : memref<768x32xbf16, #tpu.memory_space<vmem>> -> memref<256x32xbf16, #tpu.memory_space<vmem>>
          %dma_start3A_149 = arith.constant 0 : i32
          %dma_start3A_150 = tpu.memref_slice %arg7[%add3A_145, %dma_start3A_149] : memref<56x256xi32, #tpu.memory_space<vmem>> -> memref<1x256xi32, #tpu.memory_space<vmem>>
          %dma_start3A_151 = tpu.memref_squeeze %dma_start3A_150 : memref<1x256xi32, #tpu.memory_space<vmem>> -> memref<256xi32, #tpu.memory_space<vmem>>
          %dma_start3A_152 = arith.constant 0 : i32
          %dma_start3A_153 = arith.constant 0 : i32
          %dma_start3A_154 = tpu.memref_slice %arg2[%dma_start3A_152, %dma_start3A_153] : memref<10112x32xbf16, #tpu.memory_space<hbm>> -> memref<10112x32xbf16, #tpu.memory_space<hbm>>
          tpu.enqueue_indirect_dma source(%dma_start3A_154 : memref<10112x32xbf16, #tpu.memory_space<hbm>>) target(%dma_start3A_148 : memref<256x32xbf16, #tpu.memory_space<vmem>>) offsets(%dma_start3A_151 : memref<256xi32, #tpu.memory_space<vmem>>) semaphore(%arg11 : memref<!tpu.dma_semaphore, #tpu.memory_space<semaphore_mem>>)
        } else {
        }
      } else {
      }
      %rem3A_102 = arith.constant 3 : i32
      %rem3A_103 = arith.remsi %while3A_87, %rem3A_102 : i32
      %eq3A_104 = arith.constant 2 : i32
      %eq3A_105 = arith.cmpi eq, %rem3A_103, %eq3A_104 : i32
      %convert_element_type3A_106 = arith.extui %eq3A_105 : i1 to i32
      %cond3A_107 = arith.constant 0 : i32
      %cond3A_108 = arith.cmpi ne, %convert_element_type3A_106, %cond3A_107 : i32
      scf.if %cond3A_108 {
        %dma_wait3A = arith.constant 0 : i32
        %dma_wait3A_109 = arith.constant 512 : i32
        %dma_wait3A_110 = arith.constant 0 : i32
        %dma_wait3A_111 = tpu.memref_slice %arg9[%dma_wait3A_109, %dma_wait3A_110] : memref<768x32xbf16, #tpu.memory_space<vmem>> -> memref<256x32xbf16, #tpu.memory_space<vmem>>
        %dma_wait3A_112 = arith.constant 0 : i32
        %dma_wait3A_113 = tpu.memref_slice %arg7[%dma_wait3A, %dma_wait3A_112] : memref<56x256xi32, #tpu.memory_space<vmem>> -> memref<1x256xi32, #tpu.memory_space<vmem>>
        %dma_wait3A_114 = tpu.memref_squeeze %dma_wait3A_113 : memref<1x256xi32, #tpu.memory_space<vmem>> -> memref<256xi32, #tpu.memory_space<vmem>>
        %dma_wait3A_115 = arith.constant 0 : i32
        %dma_wait3A_116 = arith.constant 0 : i32
        %dma_wait3A_117 = tpu.memref_slice %arg2[%dma_wait3A_115, %dma_wait3A_116] : memref<10112x32xbf16, #tpu.memory_space<hbm>> -> memref<10112x32xbf16, #tpu.memory_space<hbm>>
        tpu.wait_indirect_dma semaphore(%arg13 : memref<!tpu.dma_semaphore, #tpu.memory_space<semaphore_mem>>) src(%dma_wait3A_117 : memref<10112x32xbf16, #tpu.memory_space<hbm>>) dst(%dma_wait3A_111 : memref<256x32xbf16, #tpu.memory_space<vmem>>)
        %mul3A_118 = arith.constant 1 : i32
        %mul3A_119 = arith.muli %while3A_87, %mul3A_118 : i32
        %add3A_120 = arith.constant 0 : i32
        %add3A_121 = arith.addi %mul3A_119, %add3A_120 : i32
        %dma_start3A = arith.constant 512 : i32
        %dma_start3A_122 = arith.constant 0 : i32
        %dma_start3A_123 = tpu.memref_slice %arg9[%dma_start3A, %dma_start3A_122] : memref<768x32xbf16, #tpu.memory_space<vmem>> -> memref<256x32xbf16, #tpu.memory_space<vmem>>
        %dma_start3A_124 = arith.constant 0 : i32
        %dma_start3A_125 = tpu.memref_slice %arg8[%add3A_121, %dma_start3A_124] : memref<56x256xi32, #tpu.memory_space<vmem>> -> memref<1x256xi32, #tpu.memory_space<vmem>>
        %dma_start3A_126 = tpu.memref_squeeze %dma_start3A_125 : memref<1x256xi32, #tpu.memory_space<vmem>> -> memref<256xi32, #tpu.memory_space<vmem>>
        %dma_start3A_127 = arith.constant 0 : i32
        %dma_start3A_128 = arith.constant 0 : i32
        %dma_start3A_129 = tpu.memref_slice %arg10[%dma_start3A_127, %dma_start3A_128] : memref<10112x32xbf16, #tpu.memory_space<vmem_shared>> -> memref<10112x32xbf16, #tpu.memory_space<vmem_shared>>
        tpu.enqueue_indirect_dma source(%dma_start3A_123 : memref<256x32xbf16, #tpu.memory_space<vmem>>) target(%dma_start3A_129 : memref<10112x32xbf16, #tpu.memory_space<vmem_shared>>) offsets(%dma_start3A_126 : memref<256xi32, #tpu.memory_space<vmem>>) semaphore(%arg16 : memref<!tpu.dma_semaphore, #tpu.memory_space<semaphore_mem>>) {add = true}
        %ge3A_130 = arith.constant 1 : i32
        %ge3A_131 = arith.cmpi sge, %while3A_87, %ge3A_130 : i32
        %convert_element_type3A_132 = arith.extui %ge3A_131 : i1 to i32
        %cond3A_133 = arith.constant 0 : i32
        %cond3A_134 = arith.cmpi ne, %convert_element_type3A_132, %cond3A_133 : i32
        scf.if %cond3A_134 {
          %dma_wait3A_140 = arith.constant 0 : i32
          %dma_wait3A_141 = arith.constant 256 : i32
          %dma_wait3A_142 = arith.constant 0 : i32
          %dma_wait3A_143 = tpu.memref_slice %arg9[%dma_wait3A_141, %dma_wait3A_142] : memref<768x32xbf16, #tpu.memory_space<vmem>> -> memref<256x32xbf16, #tpu.memory_space<vmem>>
          %dma_wait3A_144 = arith.constant 0 : i32
          %dma_wait3A_145 = tpu.memref_slice %arg8[%dma_wait3A_140, %dma_wait3A_144] : memref<56x256xi32, #tpu.memory_space<vmem>> -> memref<1x256xi32, #tpu.memory_space<vmem>>
          %dma_wait3A_146 = tpu.memref_squeeze %dma_wait3A_145 : memref<1x256xi32, #tpu.memory_space<vmem>> -> memref<256xi32, #tpu.memory_space<vmem>>
          %dma_wait3A_147 = arith.constant 0 : i32
          %dma_wait3A_148 = arith.constant 0 : i32
          %dma_wait3A_149 = tpu.memref_slice %arg10[%dma_wait3A_147, %dma_wait3A_148] : memref<10112x32xbf16, #tpu.memory_space<vmem_shared>> -> memref<10112x32xbf16, #tpu.memory_space<vmem_shared>>
          tpu.wait_indirect_dma semaphore(%arg15 : memref<!tpu.dma_semaphore, #tpu.memory_space<semaphore_mem>>) src(%dma_wait3A_143 : memref<256x32xbf16, #tpu.memory_space<vmem>>) dst(%dma_wait3A_149 : memref<10112x32xbf16, #tpu.memory_space<vmem_shared>>)
        } else {
        }
        %add3A_135 = arith.constant 2 : i32
        %add3A_136 = arith.addi %while3A_87, %add3A_135 : i32
        %lt3A = arith.cmpi slt, %add3A_136, %select_n3A_26 : i32
        %convert_element_type3A_137 = arith.extui %lt3A : i1 to i32
        %cond3A_138 = arith.constant 0 : i32
        %cond3A_139 = arith.cmpi ne, %convert_element_type3A_137, %cond3A_138 : i32
        scf.if %cond3A_139 {
          %add3A_140 = arith.constant 2 : i32
          %add3A_141 = arith.addi %while3A_87, %add3A_140 : i32
          %mul3A_142 = arith.constant 1 : i32
          %mul3A_143 = arith.muli %add3A_141, %mul3A_142 : i32
          %add3A_144 = arith.constant 0 : i32
          %add3A_145 = arith.addi %mul3A_143, %add3A_144 : i32
          %dma_start3A_146 = arith.constant 256 : i32
          %dma_start3A_147 = arith.constant 0 : i32
          %dma_start3A_148 = tpu.memref_slice %arg9[%dma_start3A_146, %dma_start3A_147] : memref<768x32xbf16, #tpu.memory_space<vmem>> -> memref<256x32xbf16, #tpu.memory_space<vmem>>
          %dma_start3A_149 = arith.constant 0 : i32
          %dma_start3A_150 = tpu.memref_slice %arg7[%add3A_145, %dma_start3A_149] : memref<56x256xi32, #tpu.memory_space<vmem>> -> memref<1x256xi32, #tpu.memory_space<vmem>>
          %dma_start3A_151 = tpu.memref_squeeze %dma_start3A_150 : memref<1x256xi32, #tpu.memory_space<vmem>> -> memref<256xi32, #tpu.memory_space<vmem>>
          %dma_start3A_152 = arith.constant 0 : i32
          %dma_start3A_153 = arith.constant 0 : i32
          %dma_start3A_154 = tpu.memref_slice %arg2[%dma_start3A_152, %dma_start3A_153] : memref<10112x32xbf16, #tpu.memory_space<hbm>> -> memref<10112x32xbf16, #tpu.memory_space<hbm>>
          tpu.enqueue_indirect_dma source(%dma_start3A_154 : memref<10112x32xbf16, #tpu.memory_space<hbm>>) target(%dma_start3A_148 : memref<256x32xbf16, #tpu.memory_space<vmem>>) offsets(%dma_start3A_151 : memref<256xi32, #tpu.memory_space<vmem>>) semaphore(%arg12 : memref<!tpu.dma_semaphore, #tpu.memory_space<semaphore_mem>>)
        } else {
        }
      } else {
      }
    }
    %while3A_44 = arith.constant 1 : i32
    scf.for %while3A_87 = %while3A_42 to %while3A_38 step %while3A_44  : i32 {
      %rem3A_88 = arith.constant 3 : i32
      %rem3A_89 = arith.remsi %while3A_87, %rem3A_88 : i32
      %eq3A_90 = arith.constant 0 : i32
      %eq3A_91 = arith.cmpi eq, %rem3A_89, %eq3A_90 : i32
      %convert_element_type3A_92 = arith.extui %eq3A_91 : i1 to i32
      %cond3A_93 = arith.constant 0 : i32
      %cond3A_94 = arith.cmpi ne, %convert_element_type3A_92, %cond3A_93 : i32
      scf.if %cond3A_94 {
        %dma_wait3A = arith.constant 0 : i32
        %dma_wait3A_109 = arith.constant 0 : i32
        %dma_wait3A_110 = arith.constant 0 : i32
        %dma_wait3A_111 = tpu.memref_slice %arg9[%dma_wait3A_109, %dma_wait3A_110] : memref<768x32xbf16, #tpu.memory_space<vmem>> -> memref<256x32xbf16, #tpu.memory_space<vmem>>
        %dma_wait3A_112 = arith.constant 0 : i32
        %dma_wait3A_113 = tpu.memref_slice %arg7[%dma_wait3A, %dma_wait3A_112] : memref<56x256xi32, #tpu.memory_space<vmem>> -> memref<1x256xi32, #tpu.memory_space<vmem>>
        %dma_wait3A_114 = tpu.memref_squeeze %dma_wait3A_113 : memref<1x256xi32, #tpu.memory_space<vmem>> -> memref<256xi32, #tpu.memory_space<vmem>>
        %dma_wait3A_115 = arith.constant 0 : i32
        %dma_wait3A_116 = arith.constant 0 : i32
        %dma_wait3A_117 = tpu.memref_slice %arg2[%dma_wait3A_115, %dma_wait3A_116] : memref<10112x32xbf16, #tpu.memory_space<hbm>> -> memref<10112x32xbf16, #tpu.memory_space<hbm>>
        tpu.wait_indirect_dma semaphore(%arg11 : memref<!tpu.dma_semaphore, #tpu.memory_space<semaphore_mem>>) src(%dma_wait3A_117 : memref<10112x32xbf16, #tpu.memory_space<hbm>>) dst(%dma_wait3A_111 : memref<256x32xbf16, #tpu.memory_space<vmem>>)
        %mul3A_118 = arith.constant 1 : i32
        %mul3A_119 = arith.muli %while3A_87, %mul3A_118 : i32
        %add3A_120 = arith.constant 0 : i32
        %add3A_121 = arith.addi %mul3A_119, %add3A_120 : i32
        %dma_start3A = arith.constant 0 : i32
        %dma_start3A_122 = arith.constant 0 : i32
        %dma_start3A_123 = tpu.memref_slice %arg9[%dma_start3A, %dma_start3A_122] : memref<768x32xbf16, #tpu.memory_space<vmem>> -> memref<256x32xbf16, #tpu.memory_space<vmem>>
        %dma_start3A_124 = arith.constant 0 : i32
        %dma_start3A_125 = tpu.memref_slice %arg8[%add3A_121, %dma_start3A_124] : memref<56x256xi32, #tpu.memory_space<vmem>> -> memref<1x256xi32, #tpu.memory_space<vmem>>
        %dma_start3A_126 = tpu.memref_squeeze %dma_start3A_125 : memref<1x256xi32, #tpu.memory_space<vmem>> -> memref<256xi32, #tpu.memory_space<vmem>>
        %dma_start3A_127 = arith.constant 0 : i32
        %dma_start3A_128 = arith.constant 0 : i32
        %dma_start3A_129 = tpu.memref_slice %arg10[%dma_start3A_127, %dma_start3A_128] : memref<10112x32xbf16, #tpu.memory_space<vmem_shared>> -> memref<10112x32xbf16, #tpu.memory_space<vmem_shared>>
        tpu.enqueue_indirect_dma source(%dma_start3A_123 : memref<256x32xbf16, #tpu.memory_space<vmem>>) target(%dma_start3A_129 : memref<10112x32xbf16, #tpu.memory_space<vmem_shared>>) offsets(%dma_start3A_126 : memref<256xi32, #tpu.memory_space<vmem>>) semaphore(%arg14 : memref<!tpu.dma_semaphore, #tpu.memory_space<semaphore_mem>>) {add = true}
        %ge3A_130 = arith.constant 1 : i32
        %ge3A_131 = arith.cmpi sge, %while3A_87, %ge3A_130 : i32
        %convert_element_type3A_132 = arith.extui %ge3A_131 : i1 to i32
        %cond3A_133 = arith.constant 0 : i32
        %cond3A_134 = arith.cmpi ne, %convert_element_type3A_132, %cond3A_133 : i32
        scf.if %cond3A_134 {
          %dma_wait3A_140 = arith.constant 0 : i32
          %dma_wait3A_141 = arith.constant 512 : i32
          %dma_wait3A_142 = arith.constant 0 : i32
          %dma_wait3A_143 = tpu.memref_slice %arg9[%dma_wait3A_141, %dma_wait3A_142] : memref<768x32xbf16, #tpu.memory_space<vmem>> -> memref<256x32xbf16, #tpu.memory_space<vmem>>
          %dma_wait3A_144 = arith.constant 0 : i32
          %dma_wait3A_145 = tpu.memref_slice %arg8[%dma_wait3A_140, %dma_wait3A_144] : memref<56x256xi32, #tpu.memory_space<vmem>> -> memref<1x256xi32, #tpu.memory_space<vmem>>
          %dma_wait3A_146 = tpu.memref_squeeze %dma_wait3A_145 : memref<1x256xi32, #tpu.memory_space<vmem>> -> memref<256xi32, #tpu.memory_space<vmem>>
          %dma_wait3A_147 = arith.constant 0 : i32
          %dma_wait3A_148 = arith.constant 0 : i32
          %dma_wait3A_149 = tpu.memref_slice %arg10[%dma_wait3A_147, %dma_wait3A_148] : memref<10112x32xbf16, #tpu.memory_space<vmem_shared>> -> memref<10112x32xbf16, #tpu.memory_space<vmem_shared>>
          tpu.wait_indirect_dma semaphore(%arg16 : memref<!tpu.dma_semaphore, #tpu.memory_space<semaphore_mem>>) src(%dma_wait3A_143 : memref<256x32xbf16, #tpu.memory_space<vmem>>) dst(%dma_wait3A_149 : memref<10112x32xbf16, #tpu.memory_space<vmem_shared>>)
        } else {
        }
        %add3A_135 = arith.constant 2 : i32
        %add3A_136 = arith.addi %while3A_87, %add3A_135 : i32
        %lt3A = arith.cmpi slt, %add3A_136, %select_n3A_26 : i32
        %convert_element_type3A_137 = arith.extui %lt3A : i1 to i32
        %cond3A_138 = arith.constant 0 : i32
        %cond3A_139 = arith.cmpi ne, %convert_element_type3A_137, %cond3A_138 : i32
        scf.if %cond3A_139 {
          %add3A_140 = arith.constant 2 : i32
          %add3A_141 = arith.addi %while3A_87, %add3A_140 : i32
          %mul3A_142 = arith.constant 1 : i32
          %mul3A_143 = arith.muli %add3A_141, %mul3A_142 : i32
          %add3A_144 = arith.constant 0 : i32
          %add3A_145 = arith.addi %mul3A_143, %add3A_144 : i32
          %dma_start3A_146 = arith.constant 512 : i32
          %dma_start3A_147 = arith.constant 0 : i32
          %dma_start3A_148 = tpu.memref_slice %arg9[%dma_start3A_146, %dma_start3A_147] : memref<768x32xbf16, #tpu.memory_space<vmem>> -> memref<256x32xbf16, #tpu.memory_space<vmem>>
          %dma_start3A_149 = arith.constant 0 : i32
          %dma_start3A_150 = tpu.memref_slice %arg7[%add3A_145, %dma_start3A_149] : memref<56x256xi32, #tpu.memory_space<vmem>> -> memref<1x256xi32, #tpu.memory_space<vmem>>
          %dma_start3A_151 = tpu.memref_squeeze %dma_start3A_150 : memref<1x256xi32, #tpu.memory_space<vmem>> -> memref<256xi32, #tpu.memory_space<vmem>>
          %dma_start3A_152 = arith.constant 0 : i32
          %dma_start3A_153 = arith.constant 0 : i32
          %dma_start3A_154 = tpu.memref_slice %arg2[%dma_start3A_152, %dma_start3A_153] : memref<10112x32xbf16, #tpu.memory_space<hbm>> -> memref<10112x32xbf16, #tpu.memory_space<hbm>>
          tpu.enqueue_indirect_dma source(%dma_start3A_154 : memref<10112x32xbf16, #tpu.memory_space<hbm>>) target(%dma_start3A_148 : memref<256x32xbf16, #tpu.memory_space<vmem>>) offsets(%dma_start3A_151 : memref<256xi32, #tpu.memory_space<vmem>>) semaphore(%arg13 : memref<!tpu.dma_semaphore, #tpu.memory_space<semaphore_mem>>)
        } else {
        }
      } else {
      }
      %rem3A_95 = arith.constant 3 : i32
      %rem3A_96 = arith.remsi %while3A_87, %rem3A_95 : i32
      %eq3A_97 = arith.constant 1 : i32
      %eq3A_98 = arith.cmpi eq, %rem3A_96, %eq3A_97 : i32
      %convert_element_type3A_99 = arith.extui %eq3A_98 : i1 to i32
      %cond3A_100 = arith.constant 0 : i32
      %cond3A_101 = arith.cmpi ne, %convert_element_type3A_99, %cond3A_100 : i32
      scf.if %cond3A_101 {
        %dma_wait3A = arith.constant 0 : i32
        %dma_wait3A_109 = arith.constant 256 : i32
        %dma_wait3A_110 = arith.constant 0 : i32
        %dma_wait3A_111 = tpu.memref_slice %arg9[%dma_wait3A_109, %dma_wait3A_110] : memref<768x32xbf16, #tpu.memory_space<vmem>> -> memref<256x32xbf16, #tpu.memory_space<vmem>>
        %dma_wait3A_112 = arith.constant 0 : i32
        %dma_wait3A_113 = tpu.memref_slice %arg7[%dma_wait3A, %dma_wait3A_112] : memref<56x256xi32, #tpu.memory_space<vmem>> -> memref<1x256xi32, #tpu.memory_space<vmem>>
        %dma_wait3A_114 = tpu.memref_squeeze %dma_wait3A_113 : memref<1x256xi32, #tpu.memory_space<vmem>> -> memref<256xi32, #tpu.memory_space<vmem>>
        %dma_wait3A_115 = arith.constant 0 : i32
        %dma_wait3A_116 = arith.constant 0 : i32
        %dma_wait3A_117 = tpu.memref_slice %arg2[%dma_wait3A_115, %dma_wait3A_116] : memref<10112x32xbf16, #tpu.memory_space<hbm>> -> memref<10112x32xbf16, #tpu.memory_space<hbm>>
        tpu.wait_indirect_dma semaphore(%arg12 : memref<!tpu.dma_semaphore, #tpu.memory_space<semaphore_mem>>) src(%dma_wait3A_117 : memref<10112x32xbf16, #tpu.memory_space<hbm>>) dst(%dma_wait3A_111 : memref<256x32xbf16, #tpu.memory_space<vmem>>)
        %mul3A_118 = arith.constant 1 : i32
        %mul3A_119 = arith.muli %while3A_87, %mul3A_118 : i32
        %add3A_120 = arith.constant 0 : i32
        %add3A_121 = arith.addi %mul3A_119, %add3A_120 : i32
        %dma_start3A = arith.constant 256 : i32
        %dma_start3A_122 = arith.constant 0 : i32
        %dma_start3A_123 = tpu.memref_slice %arg9[%dma_start3A, %dma_start3A_122] : memref<768x32xbf16, #tpu.memory_space<vmem>> -> memref<256x32xbf16, #tpu.memory_space<vmem>>
        %dma_start3A_124 = arith.constant 0 : i32
        %dma_start3A_125 = tpu.memref_slice %arg8[%add3A_121, %dma_start3A_124] : memref<56x256xi32, #tpu.memory_space<vmem>> -> memref<1x256xi32, #tpu.memory_space<vmem>>
        %dma_start3A_126 = tpu.memref_squeeze %dma_start3A_125 : memref<1x256xi32, #tpu.memory_space<vmem>> -> memref<256xi32, #tpu.memory_space<vmem>>
        %dma_start3A_127 = arith.constant 0 : i32
        %dma_start3A_128 = arith.constant 0 : i32
        %dma_start3A_129 = tpu.memref_slice %arg10[%dma_start3A_127, %dma_start3A_128] : memref<10112x32xbf16, #tpu.memory_space<vmem_shared>> -> memref<10112x32xbf16, #tpu.memory_space<vmem_shared>>
        tpu.enqueue_indirect_dma source(%dma_start3A_123 : memref<256x32xbf16, #tpu.memory_space<vmem>>) target(%dma_start3A_129 : memref<10112x32xbf16, #tpu.memory_space<vmem_shared>>) offsets(%dma_start3A_126 : memref<256xi32, #tpu.memory_space<vmem>>) semaphore(%arg15 : memref<!tpu.dma_semaphore, #tpu.memory_space<semaphore_mem>>) {add = true}
        %ge3A_130 = arith.constant 1 : i32
        %ge3A_131 = arith.cmpi sge, %while3A_87, %ge3A_130 : i32
        %convert_element_type3A_132 = arith.extui %ge3A_131 : i1 to i32
        %cond3A_133 = arith.constant 0 : i32
        %cond3A_134 = arith.cmpi ne, %convert_element_type3A_132, %cond3A_133 : i32
        scf.if %cond3A_134 {
          %dma_wait3A_140 = arith.constant 0 : i32
          %dma_wait3A_141 = arith.constant 0 : i32
          %dma_wait3A_142 = arith.constant 0 : i32
          %dma_wait3A_143 = tpu.memref_slice %arg9[%dma_wait3A_141, %dma_wait3A_142] : memref<768x32xbf16, #tpu.memory_space<vmem>> -> memref<256x32xbf16, #tpu.memory_space<vmem>>
          %dma_wait3A_144 = arith.constant 0 : i32
          %dma_wait3A_145 = tpu.memref_slice %arg8[%dma_wait3A_140, %dma_wait3A_144] : memref<56x256xi32, #tpu.memory_space<vmem>> -> memref<1x256xi32, #tpu.memory_space<vmem>>
          %dma_wait3A_146 = tpu.memref_squeeze %dma_wait3A_145 : memref<1x256xi32, #tpu.memory_space<vmem>> -> memref<256xi32, #tpu.memory_space<vmem>>
          %dma_wait3A_147 = arith.constant 0 : i32
          %dma_wait3A_148 = arith.constant 0 : i32
          %dma_wait3A_149 = tpu.memref_slice %arg10[%dma_wait3A_147, %dma_wait3A_148] : memref<10112x32xbf16, #tpu.memory_space<vmem_shared>> -> memref<10112x32xbf16, #tpu.memory_space<vmem_shared>>
          tpu.wait_indirect_dma semaphore(%arg14 : memref<!tpu.dma_semaphore, #tpu.memory_space<semaphore_mem>>) src(%dma_wait3A_143 : memref<256x32xbf16, #tpu.memory_space<vmem>>) dst(%dma_wait3A_149 : memref<10112x32xbf16, #tpu.memory_space<vmem_shared>>)
        } else {
        }
        %add3A_135 = arith.constant 2 : i32
        %add3A_136 = arith.addi %while3A_87, %add3A_135 : i32
        %lt3A = arith.cmpi slt, %add3A_136, %select_n3A_26 : i32
        %convert_element_type3A_137 = arith.extui %lt3A : i1 to i32
        %cond3A_138 = arith.constant 0 : i32
        %cond3A_139 = arith.cmpi ne, %convert_element_type3A_137, %cond3A_138 : i32
        scf.if %cond3A_139 {
          %add3A_140 = arith.constant 2 : i32
          %add3A_141 = arith.addi %while3A_87, %add3A_140 : i32
          %mul3A_142 = arith.constant 1 : i32
          %mul3A_143 = arith.muli %add3A_141, %mul3A_142 : i32
          %add3A_144 = arith.constant 0 : i32
          %add3A_145 = arith.addi %mul3A_143, %add3A_144 : i32
          %dma_start3A_146 = arith.constant 0 : i32
          %dma_start3A_147 = arith.constant 0 : i32
          %dma_start3A_148 = tpu.memref_slice %arg9[%dma_start3A_146, %dma_start3A_147] : memref<768x32xbf16, #tpu.memory_space<vmem>> -> memref<256x32xbf16, #tpu.memory_space<vmem>>
          %dma_start3A_149 = arith.constant 0 : i32
          %dma_start3A_150 = tpu.memref_slice %arg7[%add3A_145, %dma_start3A_149] : memref<56x256xi32, #tpu.memory_space<vmem>> -> memref<1x256xi32, #tpu.memory_space<vmem>>
          %dma_start3A_151 = tpu.memref_squeeze %dma_start3A_150 : memref<1x256xi32, #tpu.memory_space<vmem>> -> memref<256xi32, #tpu.memory_space<vmem>>
          %dma_start3A_152 = arith.constant 0 : i32
          %dma_start3A_153 = arith.constant 0 : i32
          %dma_start3A_154 = tpu.memref_slice %arg2[%dma_start3A_152, %dma_start3A_153] : memref<10112x32xbf16, #tpu.memory_space<hbm>> -> memref<10112x32xbf16, #tpu.memory_space<hbm>>
          tpu.enqueue_indirect_dma source(%dma_start3A_154 : memref<10112x32xbf16, #tpu.memory_space<hbm>>) target(%dma_start3A_148 : memref<256x32xbf16, #tpu.memory_space<vmem>>) offsets(%dma_start3A_151 : memref<256xi32, #tpu.memory_space<vmem>>) semaphore(%arg11 : memref<!tpu.dma_semaphore, #tpu.memory_space<semaphore_mem>>)
        } else {
        }
      } else {
      }
      %rem3A_102 = arith.constant 3 : i32
      %rem3A_103 = arith.remsi %while3A_87, %rem3A_102 : i32
      %eq3A_104 = arith.constant 2 : i32
      %eq3A_105 = arith.cmpi eq, %rem3A_103, %eq3A_104 : i32
      %convert_element_type3A_106 = arith.extui %eq3A_105 : i1 to i32
      %cond3A_107 = arith.constant 0 : i32
      %cond3A_108 = arith.cmpi ne, %convert_element_type3A_106, %cond3A_107 : i32
      scf.if %cond3A_108 {
        %dma_wait3A = arith.constant 0 : i32
        %dma_wait3A_109 = arith.constant 512 : i32
        %dma_wait3A_110 = arith.constant 0 : i32
        %dma_wait3A_111 = tpu.memref_slice %arg9[%dma_wait3A_109, %dma_wait3A_110] : memref<768x32xbf16, #tpu.memory_space<vmem>> -> memref<256x32xbf16, #tpu.memory_space<vmem>>
        %dma_wait3A_112 = arith.constant 0 : i32
        %dma_wait3A_113 = tpu.memref_slice %arg7[%dma_wait3A, %dma_wait3A_112] : memref<56x256xi32, #tpu.memory_space<vmem>> -> memref<1x256xi32, #tpu.memory_space<vmem>>
        %dma_wait3A_114 = tpu.memref_squeeze %dma_wait3A_113 : memref<1x256xi32, #tpu.memory_space<vmem>> -> memref<256xi32, #tpu.memory_space<vmem>>
        %dma_wait3A_115 = arith.constant 0 : i32
        %dma_wait3A_116 = arith.constant 0 : i32
        %dma_wait3A_117 = tpu.memref_slice %arg2[%dma_wait3A_115, %dma_wait3A_116] : memref<10112x32xbf16, #tpu.memory_space<hbm>> -> memref<10112x32xbf16, #tpu.memory_space<hbm>>
        tpu.wait_indirect_dma semaphore(%arg13 : memref<!tpu.dma_semaphore, #tpu.memory_space<semaphore_mem>>) src(%dma_wait3A_117 : memref<10112x32xbf16, #tpu.memory_space<hbm>>) dst(%dma_wait3A_111 : memref<256x32xbf16, #tpu.memory_space<vmem>>)
        %mul3A_118 = arith.constant 1 : i32
        %mul3A_119 = arith.muli %while3A_87, %mul3A_118 : i32
        %add3A_120 = arith.constant 0 : i32
        %add3A_121 = arith.addi %mul3A_119, %add3A_120 : i32
        %dma_start3A = arith.constant 512 : i32
        %dma_start3A_122 = arith.constant 0 : i32
        %dma_start3A_123 = tpu.memref_slice %arg9[%dma_start3A, %dma_start3A_122] : memref<768x32xbf16, #tpu.memory_space<vmem>> -> memref<256x32xbf16, #tpu.memory_space<vmem>>
        %dma_start3A_124 = arith.constant 0 : i32
        %dma_start3A_125 = tpu.memref_slice %arg8[%add3A_121, %dma_start3A_124] : memref<56x256xi32, #tpu.memory_space<vmem>> -> memref<1x256xi32, #tpu.memory_space<vmem>>
        %dma_start3A_126 = tpu.memref_squeeze %dma_start3A_125 : memref<1x256xi32, #tpu.memory_space<vmem>> -> memref<256xi32, #tpu.memory_space<vmem>>
        %dma_start3A_127 = arith.constant 0 : i32
        %dma_start3A_128 = arith.constant 0 : i32
        %dma_start3A_129 = tpu.memref_slice %arg10[%dma_start3A_127, %dma_start3A_128] : memref<10112x32xbf16, #tpu.memory_space<vmem_shared>> -> memref<10112x32xbf16, #tpu.memory_space<vmem_shared>>
        tpu.enqueue_indirect_dma source(%dma_start3A_123 : memref<256x32xbf16, #tpu.memory_space<vmem>>) target(%dma_start3A_129 : memref<10112x32xbf16, #tpu.memory_space<vmem_shared>>) offsets(%dma_start3A_126 : memref<256xi32, #tpu.memory_space<vmem>>) semaphore(%arg16 : memref<!tpu.dma_semaphore, #tpu.memory_space<semaphore_mem>>) {add = true}
        %ge3A_130 = arith.constant 1 : i32
        %ge3A_131 = arith.cmpi sge, %while3A_87, %ge3A_130 : i32
        %convert_element_type3A_132 = arith.extui %ge3A_131 : i1 to i32
        %cond3A_133 = arith.constant 0 : i32
        %cond3A_134 = arith.cmpi ne, %convert_element_type3A_132, %cond3A_133 : i32
        scf.if %cond3A_134 {
          %dma_wait3A_140 = arith.constant 0 : i32
          %dma_wait3A_141 = arith.constant 256 : i32
          %dma_wait3A_142 = arith.constant 0 : i32
          %dma_wait3A_143 = tpu.memref_slice %arg9[%dma_wait3A_141, %dma_wait3A_142] : memref<768x32xbf16, #tpu.memory_space<vmem>> -> memref<256x32xbf16, #tpu.memory_space<vmem>>
          %dma_wait3A_144 = arith.constant 0 : i32
          %dma_wait3A_145 = tpu.memref_slice %arg8[%dma_wait3A_140, %dma_wait3A_144] : memref<56x256xi32, #tpu.memory_space<vmem>> -> memref<1x256xi32, #tpu.memory_space<vmem>>
          %dma_wait3A_146 = tpu.memref_squeeze %dma_wait3A_145 : memref<1x256xi32, #tpu.memory_space<vmem>> -> memref<256xi32, #tpu.memory_space<vmem>>
          %dma_wait3A_147 = arith.constant 0 : i32
          %dma_wait3A_148 = arith.constant 0 : i32
          %dma_wait3A_149 = tpu.memref_slice %arg10[%dma_wait3A_147, %dma_wait3A_148] : memref<10112x32xbf16, #tpu.memory_space<vmem_shared>> -> memref<10112x32xbf16, #tpu.memory_space<vmem_shared>>
          tpu.wait_indirect_dma semaphore(%arg15 : memref<!tpu.dma_semaphore, #tpu.memory_space<semaphore_mem>>) src(%dma_wait3A_143 : memref<256x32xbf16, #tpu.memory_space<vmem>>) dst(%dma_wait3A_149 : memref<10112x32xbf16, #tpu.memory_space<vmem_shared>>)
        } else {
        }
        %add3A_135 = arith.constant 2 : i32
        %add3A_136 = arith.addi %while3A_87, %add3A_135 : i32
        %lt3A = arith.cmpi slt, %add3A_136, %select_n3A_26 : i32
        %convert_element_type3A_137 = arith.extui %lt3A : i1 to i32
        %cond3A_138 = arith.constant 0 : i32
        %cond3A_139 = arith.cmpi ne, %convert_element_type3A_137, %cond3A_138 : i32
        scf.if %cond3A_139 {
          %add3A_140 = arith.constant 2 : i32
          %add3A_141 = arith.addi %while3A_87, %add3A_140 : i32
          %mul3A_142 = arith.constant 1 : i32
          %mul3A_143 = arith.muli %add3A_141, %mul3A_142 : i32
          %add3A_144 = arith.constant 0 : i32
          %add3A_145 = arith.addi %mul3A_143, %add3A_144 : i32
          %dma_start3A_146 = arith.constant 256 : i32
          %dma_start3A_147 = arith.constant 0 : i32
          %dma_start3A_148 = tpu.memref_slice %arg9[%dma_start3A_146, %dma_start3A_147] : memref<768x32xbf16, #tpu.memory_space<vmem>> -> memref<256x32xbf16, #tpu.memory_space<vmem>>
          %dma_start3A_149 = arith.constant 0 : i32
          %dma_start3A_150 = tpu.memref_slice %arg7[%add3A_145, %dma_start3A_149] : memref<56x256xi32, #tpu.memory_space<vmem>> -> memref<1x256xi32, #tpu.memory_space<vmem>>
          %dma_start3A_151 = tpu.memref_squeeze %dma_start3A_150 : memref<1x256xi32, #tpu.memory_space<vmem>> -> memref<256xi32, #tpu.memory_space<vmem>>
          %dma_start3A_152 = arith.constant 0 : i32
          %dma_start3A_153 = arith.constant 0 : i32
          %dma_start3A_154 = tpu.memref_slice %arg2[%dma_start3A_152, %dma_start3A_153] : memref<10112x32xbf16, #tpu.memory_space<hbm>> -> memref<10112x32xbf16, #tpu.memory_space<hbm>>
          tpu.enqueue_indirect_dma source(%dma_start3A_154 : memref<10112x32xbf16, #tpu.memory_space<hbm>>) target(%dma_start3A_148 : memref<256x32xbf16, #tpu.memory_space<vmem>>) offsets(%dma_start3A_151 : memref<256xi32, #tpu.memory_space<vmem>>) semaphore(%arg12 : memref<!tpu.dma_semaphore, #tpu.memory_space<semaphore_mem>>)
        } else {
        }
      } else {
      }
    }
    %ge3A_45 = arith.constant 1 : i32
    %ge3A_46 = arith.cmpi sge, %select_n3A_26, %ge3A_45 : i32
    %sub3A_47 = arith.constant 1 : i32
    %sub3A_48 = arith.subi %select_n3A_26, %sub3A_47 : i32
    %rem3A_49 = arith.constant 3 : i32
    %rem3A_50 = arith.remsi %sub3A_48, %rem3A_49 : i32
    %eq3A_51 = arith.constant 0 : i32
    %eq3A_52 = arith.cmpi eq, %rem3A_50, %eq3A_51 : i32
    %and3A_53 = arith.andi %ge3A_46, %eq3A_52 : i1
    %convert_element_type3A_54 = arith.extui %and3A_53 : i1 to i32
    %cond3A_55 = arith.constant 0 : i32
    %cond3A_56 = arith.cmpi ne, %convert_element_type3A_54, %cond3A_55 : i32
    scf.if %cond3A_56 {
      %dma_wait3A = arith.constant 0 : i32
      %dma_wait3A_87 = arith.constant 0 : i32
      %dma_wait3A_88 = arith.constant 0 : i32
      %dma_wait3A_89 = tpu.memref_slice %arg9[%dma_wait3A_87, %dma_wait3A_88] : memref<768x32xbf16, #tpu.memory_space<vmem>> -> memref<256x32xbf16, #tpu.memory_space<vmem>>
      %dma_wait3A_90 = arith.constant 0 : i32
      %dma_wait3A_91 = tpu.memref_slice %arg8[%dma_wait3A, %dma_wait3A_90] : memref<56x256xi32, #tpu.memory_space<vmem>> -> memref<1x256xi32, #tpu.memory_space<vmem>>
      %dma_wait3A_92 = tpu.memref_squeeze %dma_wait3A_91 : memref<1x256xi32, #tpu.memory_space<vmem>> -> memref<256xi32, #tpu.memory_space<vmem>>
      %dma_wait3A_93 = arith.constant 0 : i32
      %dma_wait3A_94 = arith.constant 0 : i32
      %dma_wait3A_95 = tpu.memref_slice %arg10[%dma_wait3A_93, %dma_wait3A_94] : memref<10112x32xbf16, #tpu.memory_space<vmem_shared>> -> memref<10112x32xbf16, #tpu.memory_space<vmem_shared>>
      tpu.wait_indirect_dma semaphore(%arg14 : memref<!tpu.dma_semaphore, #tpu.memory_space<semaphore_mem>>) src(%dma_wait3A_89 : memref<256x32xbf16, #tpu.memory_space<vmem>>) dst(%dma_wait3A_95 : memref<10112x32xbf16, #tpu.memory_space<vmem_shared>>)
    } else {
    }
    %ge3A_57 = arith.constant 1 : i32
    %ge3A_58 = arith.cmpi sge, %select_n3A_26, %ge3A_57 : i32
    %sub3A_59 = arith.constant 1 : i32
    %sub3A_60 = arith.subi %select_n3A_26, %sub3A_59 : i32
    %rem3A_61 = arith.constant 3 : i32
    %rem3A_62 = arith.remsi %sub3A_60, %rem3A_61 : i32
    %eq3A_63 = arith.constant 1 : i32
    %eq3A_64 = arith.cmpi eq, %rem3A_62, %eq3A_63 : i32
    %and3A_65 = arith.andi %ge3A_58, %eq3A_64 : i1
    %convert_element_type3A_66 = arith.extui %and3A_65 : i1 to i32
    %cond3A_67 = arith.constant 0 : i32
    %cond3A_68 = arith.cmpi ne, %convert_element_type3A_66, %cond3A_67 : i32
    scf.if %cond3A_68 {
      %dma_wait3A = arith.constant 0 : i32
      %dma_wait3A_87 = arith.constant 256 : i32
      %dma_wait3A_88 = arith.constant 0 : i32
      %dma_wait3A_89 = tpu.memref_slice %arg9[%dma_wait3A_87, %dma_wait3A_88] : memref<768x32xbf16, #tpu.memory_space<vmem>> -> memref<256x32xbf16, #tpu.memory_space<vmem>>
      %dma_wait3A_90 = arith.constant 0 : i32
      %dma_wait3A_91 = tpu.memref_slice %arg8[%dma_wait3A, %dma_wait3A_90] : memref<56x256xi32, #tpu.memory_space<vmem>> -> memref<1x256xi32, #tpu.memory_space<vmem>>
      %dma_wait3A_92 = tpu.memref_squeeze %dma_wait3A_91 : memref<1x256xi32, #tpu.memory_space<vmem>> -> memref<256xi32, #tpu.memory_space<vmem>>
      %dma_wait3A_93 = arith.constant 0 : i32
      %dma_wait3A_94 = arith.constant 0 : i32
      %dma_wait3A_95 = tpu.memref_slice %arg10[%dma_wait3A_93, %dma_wait3A_94] : memref<10112x32xbf16, #tpu.memory_space<vmem_shared>> -> memref<10112x32xbf16, #tpu.memory_space<vmem_shared>>
      tpu.wait_indirect_dma semaphore(%arg15 : memref<!tpu.dma_semaphore, #tpu.memory_space<semaphore_mem>>) src(%dma_wait3A_89 : memref<256x32xbf16, #tpu.memory_space<vmem>>) dst(%dma_wait3A_95 : memref<10112x32xbf16, #tpu.memory_space<vmem_shared>>)
    } else {
    }
    %ge3A_69 = arith.constant 1 : i32
    %ge3A_70 = arith.cmpi sge, %select_n3A_26, %ge3A_69 : i32
    %sub3A_71 = arith.constant 1 : i32
    %sub3A_72 = arith.subi %select_n3A_26, %sub3A_71 : i32
    %rem3A_73 = arith.constant 3 : i32
    %rem3A_74 = arith.remsi %sub3A_72, %rem3A_73 : i32
    %eq3A_75 = arith.constant 2 : i32
    %eq3A_76 = arith.cmpi eq, %rem3A_74, %eq3A_75 : i32
    %and3A_77 = arith.andi %ge3A_70, %eq3A_76 : i1
    %convert_element_type3A_78 = arith.extui %and3A_77 : i1 to i32
    %cond3A_79 = arith.constant 0 : i32
    %cond3A_80 = arith.cmpi ne, %convert_element_type3A_78, %cond3A_79 : i32
    scf.if %cond3A_80 {
      %dma_wait3A = arith.constant 0 : i32
      %dma_wait3A_87 = arith.constant 512 : i32
      %dma_wait3A_88 = arith.constant 0 : i32
      %dma_wait3A_89 = tpu.memref_slice %arg9[%dma_wait3A_87, %dma_wait3A_88] : memref<768x32xbf16, #tpu.memory_space<vmem>> -> memref<256x32xbf16, #tpu.memory_space<vmem>>
      %dma_wait3A_90 = arith.constant 0 : i32
      %dma_wait3A_91 = tpu.memref_slice %arg8[%dma_wait3A, %dma_wait3A_90] : memref<56x256xi32, #tpu.memory_space<vmem>> -> memref<1x256xi32, #tpu.memory_space<vmem>>
      %dma_wait3A_92 = tpu.memref_squeeze %dma_wait3A_91 : memref<1x256xi32, #tpu.memory_space<vmem>> -> memref<256xi32, #tpu.memory_space<vmem>>
      %dma_wait3A_93 = arith.constant 0 : i32
      %dma_wait3A_94 = arith.constant 0 : i32
      %dma_wait3A_95 = tpu.memref_slice %arg10[%dma_wait3A_93, %dma_wait3A_94] : memref<10112x32xbf16, #tpu.memory_space<vmem_shared>> -> memref<10112x32xbf16, #tpu.memory_space<vmem_shared>>
      tpu.wait_indirect_dma semaphore(%arg16 : memref<!tpu.dma_semaphore, #tpu.memory_space<semaphore_mem>>) src(%dma_wait3A_89 : memref<256x32xbf16, #tpu.memory_space<vmem>>) dst(%dma_wait3A_95 : memref<10112x32xbf16, #tpu.memory_space<vmem_shared>>)
    } else {
    }
    %barrier3A_81 = arith.constant 0 : index
    tpu.barrier barrier_id(%barrier3A_81)
    "tpu.trace_stop"() : () -> ()
    "tpu.trace_start"() <{level = 10 : i32, message = "agg_wb"}> : () -> ()
    %mul3A_82 = arith.constant 632 : i32
    %mul3A_83 = arith.muli %arg1, %mul3A_82 : i32
    "tpu.region"() ({
      %run_scoped3A = tpu.sem_alloc : memref<!tpu.dma_semaphore, #tpu.memory_space<semaphore_mem>>
      %dma_start3A = arith.constant 0 : i32
      %dma_start3A_87 = arith.constant 0 : i32
      %dma_start3A_88 = tpu.memref_slice %arg9[%dma_start3A, %dma_start3A_87] : memref<768x32xbf16, #tpu.memory_space<vmem>> -> memref<632x32xbf16, #tpu.memory_space<vmem>>
      %dma_start3A_89 = arith.constant 0 : i32
      %dma_start3A_90 = tpu.memref_slice %arg10[%mul3A_83, %dma_start3A_89] : memref<10112x32xbf16, #tpu.memory_space<vmem_shared>> -> memref<632x32xbf16, #tpu.memory_space<vmem_shared>>
      %dma_start3A_91 = arith.constant 0 : i32
      %dma_start3A_92 = arith.constant 0 : i32
      %dma_start3A_93 = tpu.memref_slice %arg9[%dma_start3A_91, %dma_start3A_92] : memref<768x32xbf16, #tpu.memory_space<vmem>> -> memref<632x32xbf16, #tpu.memory_space<vmem>>
      %dma_start3A_94 = arith.constant 0 : i32
      %dma_start3A_95 = tpu.memref_slice %arg10[%mul3A_83, %dma_start3A_94] : memref<10112x32xbf16, #tpu.memory_space<vmem_shared>> -> memref<632x32xbf16, #tpu.memory_space<vmem_shared>>
      tpu.enqueue_dma source(%dma_start3A_95 : memref<632x32xbf16, #tpu.memory_space<vmem_shared>>) target(%dma_start3A_93 : memref<632x32xbf16, #tpu.memory_space<vmem>>) target_semaphore(%run_scoped3A : memref<!tpu.dma_semaphore, #tpu.memory_space<semaphore_mem>>)
      %dma_wait3A = arith.constant 0 : i32
      %dma_wait3A_96 = arith.constant 0 : i32
      %dma_wait3A_97 = tpu.memref_slice %arg9[%dma_wait3A, %dma_wait3A_96] : memref<768x32xbf16, #tpu.memory_space<vmem>> -> memref<632x32xbf16, #tpu.memory_space<vmem>>
      %dma_wait3A_98 = arith.constant 0 : i32
      %dma_wait3A_99 = tpu.memref_slice %arg10[%mul3A_83, %dma_wait3A_98] : memref<10112x32xbf16, #tpu.memory_space<vmem_shared>> -> memref<632x32xbf16, #tpu.memory_space<vmem_shared>>
      %dma_wait3A_100 = arith.constant 0 : i32
      %dma_wait3A_101 = arith.constant 0 : i32
      %dma_wait3A_102 = tpu.memref_slice %arg9[%dma_wait3A_100, %dma_wait3A_101] : memref<768x32xbf16, #tpu.memory_space<vmem>> -> memref<632x32xbf16, #tpu.memory_space<vmem>>
      %dma_wait3A_103 = arith.constant 0 : i32
      %dma_wait3A_104 = tpu.memref_slice %arg10[%mul3A_83, %dma_wait3A_103] : memref<10112x32xbf16, #tpu.memory_space<vmem_shared>> -> memref<632x32xbf16, #tpu.memory_space<vmem_shared>>
      tpu.wait_dma2 semaphore(%run_scoped3A : memref<!tpu.dma_semaphore, #tpu.memory_space<semaphore_mem>>) src(%dma_wait3A_104 : memref<632x32xbf16, #tpu.memory_space<vmem_shared>>) dst(%dma_wait3A_102 : memref<632x32xbf16, #tpu.memory_space<vmem>>)
      tpu.yield
    }) : () -> ()
    %mul3A_84 = arith.constant 10112 : i32
    %mul3A_85 = arith.muli %arg0, %mul3A_84 : i32
    %add3A_86 = arith.addi %mul3A_85, %mul3A_83 : i32
    "tpu.region"() ({
      %run_scoped3A = tpu.sem_alloc : memref<!tpu.dma_semaphore, #tpu.memory_space<semaphore_mem>>
      %dma_start3A = arith.constant 0 : i32
      %dma_start3A_87 = arith.constant 0 : i32
      %dma_start3A_88 = tpu.memref_slice %arg9[%dma_start3A, %dma_start3A_87] : memref<768x32xbf16, #tpu.memory_space<vmem>> -> memref<632x32xbf16, #tpu.memory_space<vmem>>
      %dma_start3A_89 = arith.constant 0 : i32
      %dma_start3A_90 = tpu.memref_slice %arg6[%add3A_86, %dma_start3A_89] : memref<20224x32xbf16, #tpu.memory_space<hbm>> -> memref<632x32xbf16, #tpu.memory_space<hbm>>
      %dma_start3A_91 = arith.constant 0 : i32
      %dma_start3A_92 = tpu.memref_slice %arg6[%add3A_86, %dma_start3A_91] : memref<20224x32xbf16, #tpu.memory_space<hbm>> -> memref<632x32xbf16, #tpu.memory_space<hbm>>
      %dma_start3A_93 = arith.constant 0 : i32
      %dma_start3A_94 = arith.constant 0 : i32
      %dma_start3A_95 = tpu.memref_slice %arg9[%dma_start3A_93, %dma_start3A_94] : memref<768x32xbf16, #tpu.memory_space<vmem>> -> memref<632x32xbf16, #tpu.memory_space<vmem>>
      tpu.enqueue_dma source(%dma_start3A_95 : memref<632x32xbf16, #tpu.memory_space<vmem>>) target(%dma_start3A_92 : memref<632x32xbf16, #tpu.memory_space<hbm>>) target_semaphore(%run_scoped3A : memref<!tpu.dma_semaphore, #tpu.memory_space<semaphore_mem>>)
      %dma_wait3A = arith.constant 0 : i32
      %dma_wait3A_96 = arith.constant 0 : i32
      %dma_wait3A_97 = tpu.memref_slice %arg9[%dma_wait3A, %dma_wait3A_96] : memref<768x32xbf16, #tpu.memory_space<vmem>> -> memref<632x32xbf16, #tpu.memory_space<vmem>>
      %dma_wait3A_98 = arith.constant 0 : i32
      %dma_wait3A_99 = tpu.memref_slice %arg6[%add3A_86, %dma_wait3A_98] : memref<20224x32xbf16, #tpu.memory_space<hbm>> -> memref<632x32xbf16, #tpu.memory_space<hbm>>
      %dma_wait3A_100 = arith.constant 0 : i32
      %dma_wait3A_101 = tpu.memref_slice %arg6[%add3A_86, %dma_wait3A_100] : memref<20224x32xbf16, #tpu.memory_space<hbm>> -> memref<632x32xbf16, #tpu.memory_space<hbm>>
      %dma_wait3A_102 = arith.constant 0 : i32
      %dma_wait3A_103 = arith.constant 0 : i32
      %dma_wait3A_104 = tpu.memref_slice %arg9[%dma_wait3A_102, %dma_wait3A_103] : memref<768x32xbf16, #tpu.memory_space<vmem>> -> memref<632x32xbf16, #tpu.memory_space<vmem>>
      tpu.wait_dma2 semaphore(%run_scoped3A : memref<!tpu.dma_semaphore, #tpu.memory_space<semaphore_mem>>) src(%dma_wait3A_104 : memref<632x32xbf16, #tpu.memory_space<vmem>>) dst(%dma_wait3A_101 : memref<632x32xbf16, #tpu.memory_space<hbm>>)
      tpu.yield
    }) : () -> ()
    "tpu.trace_stop"() : () -> ()
    return
  }
}

#map = affine_map<(d0, d1) -> (0, 0)>
module attributes {stable_mosaic.version = 14 : i64} {
  func.func @deg_kernel(%arg0: i32, %arg1: i32, %arg2: memref<1312x256xi32, #tpu.memory_space<hbm>>, %arg3: memref<256x8xf32, #tpu.memory_space<hbm>>, %arg4: memref<632x8xf32, #tpu.memory_space<hbm>>, %arg5: memref<20224x8xf32, #tpu.memory_space<hbm>>, %arg6: memref<56x256xi32, #tpu.memory_space<vmem>>, %arg7: memref<256x8xf32, #tpu.memory_space<vmem>>, %arg8: memref<632x8xf32, #tpu.memory_space<vmem>>, %arg9: memref<10112x8xf32, #tpu.memory_space<vmem_shared>>, %arg10: memref<!tpu.dma_semaphore, #tpu.memory_space<semaphore_mem>>) attributes {dimension_semantics = [#tpu.dimension_semantics<core_parallel>, #tpu.dimension_semantics<subcore_parallel>], iteration_bounds = array<i64: 2, 16>, scalar_prefetch = 0 : i64, scratch_operands = 5 : i64, tpu.core_type = #tpu.core_type<sc_vector_subcore>, window_params = [{transform_indices = #map}, {transform_indices = #map}, {transform_indices = #map}, {transform_indices = #map}]} {
    %eq3A = arith.constant 0 : i32
    %eq3A_0 = arith.cmpi eq, %arg0, %eq3A : i32
    %mul3A = arith.constant 56 : i32
    %mul3A_1 = arith.muli %arg1, %mul3A : i32
    %mul3A_2 = arith.constant 24 : i32
    %mul3A_3 = arith.muli %arg1, %mul3A_2 : i32
    %add3A = arith.constant 896 : i32
    %add3A_4 = arith.addi %add3A, %mul3A_3 : i32
    %select_n3A = arith.select %eq3A_0, %mul3A_1, %add3A_4 : i32
    %eq3A_5 = arith.constant 0 : i32
    %eq3A_6 = arith.cmpi eq, %arg0, %eq3A_5 : i32
    %jit3A = arith.constant 56 : i32
    %jit3A_7 = arith.constant 24 : i32
    %select_n3A_8 = arith.select %eq3A_6, %jit3A, %jit3A_7 : i32
    "tpu.region"() ({
      %run_scoped3A = tpu.sem_alloc : memref<!tpu.dma_semaphore, #tpu.memory_space<semaphore_mem>>
      %dma_start3A = arith.constant 0 : i32
      %dma_start3A_137 = tpu.memref_slice %arg2[%select_n3A, %dma_start3A] : memref<1312x256xi32, #tpu.memory_space<hbm>> -> memref<56x256xi32, #tpu.memory_space<hbm>>
      %dma_start3A_138 = arith.constant 0 : i32
      %dma_start3A_139 = tpu.memref_slice %arg2[%select_n3A, %dma_start3A_138] : memref<1312x256xi32, #tpu.memory_space<hbm>> -> memref<56x256xi32, #tpu.memory_space<hbm>>
      tpu.enqueue_dma source(%dma_start3A_139 : memref<56x256xi32, #tpu.memory_space<hbm>>) target(%arg6 : memref<56x256xi32, #tpu.memory_space<vmem>>) target_semaphore(%run_scoped3A : memref<!tpu.dma_semaphore, #tpu.memory_space<semaphore_mem>>)
      %dma_wait3A_140 = arith.constant 0 : i32
      %dma_wait3A_141 = tpu.memref_slice %arg2[%select_n3A, %dma_wait3A_140] : memref<1312x256xi32, #tpu.memory_space<hbm>> -> memref<56x256xi32, #tpu.memory_space<hbm>>
      %dma_wait3A_142 = arith.constant 0 : i32
      %dma_wait3A_143 = tpu.memref_slice %arg2[%select_n3A, %dma_wait3A_142] : memref<1312x256xi32, #tpu.memory_space<hbm>> -> memref<56x256xi32, #tpu.memory_space<hbm>>
      tpu.wait_dma2 semaphore(%run_scoped3A : memref<!tpu.dma_semaphore, #tpu.memory_space<semaphore_mem>>) src(%dma_wait3A_143 : memref<56x256xi32, #tpu.memory_space<hbm>>) dst(%arg6 : memref<56x256xi32, #tpu.memory_space<vmem>>)
      tpu.yield
    }) : () -> ()
    "tpu.region"() ({
      %run_scoped3A = tpu.sem_alloc : memref<!tpu.dma_semaphore, #tpu.memory_space<semaphore_mem>>
      tpu.enqueue_dma source(%arg3 : memref<256x8xf32, #tpu.memory_space<hbm>>) target(%arg7 : memref<256x8xf32, #tpu.memory_space<vmem>>) target_semaphore(%run_scoped3A : memref<!tpu.dma_semaphore, #tpu.memory_space<semaphore_mem>>)
      tpu.wait_dma2 semaphore(%run_scoped3A : memref<!tpu.dma_semaphore, #tpu.memory_space<semaphore_mem>>) src(%arg3 : memref<256x8xf32, #tpu.memory_space<hbm>>) dst(%arg7 : memref<256x8xf32, #tpu.memory_space<vmem>>)
      tpu.yield
    }) : () -> ()
    "tpu.region"() ({
      %run_scoped3A = tpu.sem_alloc : memref<!tpu.dma_semaphore, #tpu.memory_space<semaphore_mem>>
      tpu.enqueue_dma source(%arg4 : memref<632x8xf32, #tpu.memory_space<hbm>>) target(%arg8 : memref<632x8xf32, #tpu.memory_space<vmem>>) target_semaphore(%run_scoped3A : memref<!tpu.dma_semaphore, #tpu.memory_space<semaphore_mem>>)
      tpu.wait_dma2 semaphore(%run_scoped3A : memref<!tpu.dma_semaphore, #tpu.memory_space<semaphore_mem>>) src(%arg4 : memref<632x8xf32, #tpu.memory_space<hbm>>) dst(%arg8 : memref<632x8xf32, #tpu.memory_space<vmem>>)
      tpu.yield
    }) : () -> ()
    %mul3A_9 = arith.constant 632 : i32
    %mul3A_10 = arith.muli %arg1, %mul3A_9 : i32
    "tpu.region"() ({
      %run_scoped3A = tpu.sem_alloc : memref<!tpu.dma_semaphore, #tpu.memory_space<semaphore_mem>>
      %dma_start3A = arith.constant 0 : i32
      %dma_start3A_137 = tpu.memref_slice %arg9[%mul3A_10, %dma_start3A] : memref<10112x8xf32, #tpu.memory_space<vmem_shared>> -> memref<632x8xf32, #tpu.memory_space<vmem_shared>>
      %dma_start3A_138 = arith.constant 0 : i32
      %dma_start3A_139 = tpu.memref_slice %arg9[%mul3A_10, %dma_start3A_138] : memref<10112x8xf32, #tpu.memory_space<vmem_shared>> -> memref<632x8xf32, #tpu.memory_space<vmem_shared>>
      tpu.enqueue_dma source(%arg8 : memref<632x8xf32, #tpu.memory_space<vmem>>) target(%dma_start3A_139 : memref<632x8xf32, #tpu.memory_space<vmem_shared>>) target_semaphore(%run_scoped3A : memref<!tpu.dma_semaphore, #tpu.memory_space<semaphore_mem>>)
      %dma_wait3A_140 = arith.constant 0 : i32
      %dma_wait3A_141 = tpu.memref_slice %arg9[%mul3A_10, %dma_wait3A_140] : memref<10112x8xf32, #tpu.memory_space<vmem_shared>> -> memref<632x8xf32, #tpu.memory_space<vmem_shared>>
      %dma_wait3A_142 = arith.constant 0 : i32
      %dma_wait3A_143 = tpu.memref_slice %arg9[%mul3A_10, %dma_wait3A_142] : memref<10112x8xf32, #tpu.memory_space<vmem_shared>> -> memref<632x8xf32, #tpu.memory_space<vmem_shared>>
      tpu.wait_dma2 semaphore(%run_scoped3A : memref<!tpu.dma_semaphore, #tpu.memory_space<semaphore_mem>>) src(%arg8 : memref<632x8xf32, #tpu.memory_space<vmem>>) dst(%dma_wait3A_143 : memref<632x8xf32, #tpu.memory_space<vmem_shared>>)
      tpu.yield
    }) : () -> ()
    %barrier3A = arith.constant 0 : index
    tpu.barrier barrier_id(%barrier3A)
    %while3A = arith.constant 0 : i32
    %while3A_11 = arith.constant 0 : i32
    %while3A_12 = arith.subi %select_n3A_8, %while3A_11 : i32
    %while3A_13 = arith.addi %while3A_11, %while3A_12 : i32
    %while3A_14 = arith.constant 1 : i32
    %while3A_15 = arith.divsi %while3A_12, %while3A_14 : i32
    %while3A_16 = arith.muli %while3A_15, %while3A_14 : i32
    %while3A_17 = arith.addi %while3A_11, %while3A_16 : i32
    %while3A_18 = arith.constant 1 : i32
    scf.for %while3A_137 = %while3A_11 to %while3A_17 step %while3A_18  : i32 {
      %dma_start3A = arith.constant 0 : i32
      %dma_start3A_138 = tpu.memref_slice %arg6[%while3A_137, %dma_start3A] : memref<56x256xi32, #tpu.memory_space<vmem>> -> memref<1x256xi32, #tpu.memory_space<vmem>>
      %dma_start3A_139 = tpu.memref_squeeze %dma_start3A_138 : memref<1x256xi32, #tpu.memory_space<vmem>> -> memref<256xi32, #tpu.memory_space<vmem>>
      %dma_start3A_140 = arith.constant 0 : i32
      %dma_start3A_141 = arith.constant 0 : i32
      %dma_start3A_142 = tpu.memref_slice %arg9[%dma_start3A_140, %dma_start3A_141] : memref<10112x8xf32, #tpu.memory_space<vmem_shared>> -> memref<10112x8xf32, #tpu.memory_space<vmem_shared>>
      tpu.enqueue_indirect_dma source(%arg7 : memref<256x8xf32, #tpu.memory_space<vmem>>) target(%dma_start3A_142 : memref<10112x8xf32, #tpu.memory_space<vmem_shared>>) offsets(%dma_start3A_139 : memref<256xi32, #tpu.memory_space<vmem>>) semaphore(%arg10 : memref<!tpu.dma_semaphore, #tpu.memory_space<semaphore_mem>>) {add = true}
      %ge3A = arith.constant 16 : i32
      %ge3A_143 = arith.cmpi sge, %while3A_137, %ge3A : i32
      %convert_element_type3A = arith.extui %ge3A_143 : i1 to i32
      %cond3A = arith.constant 0 : i32
      %cond3A_144 = arith.cmpi ne, %convert_element_type3A, %cond3A : i32
      scf.if %cond3A_144 {
        %dma_wait3A_145 = arith.constant 0 : i32
        %dma_wait3A_146 = arith.constant 0 : i32
        %dma_wait3A_147 = tpu.memref_slice %arg6[%dma_wait3A_145, %dma_wait3A_146] : memref<56x256xi32, #tpu.memory_space<vmem>> -> memref<1x256xi32, #tpu.memory_space<vmem>>
        %dma_wait3A_148 = tpu.memref_squeeze %dma_wait3A_147 : memref<1x256xi32, #tpu.memory_space<vmem>> -> memref<256xi32, #tpu.memory_space<vmem>>
        %dma_wait3A_149 = arith.constant 0 : i32
        %dma_wait3A_150 = arith.constant 0 : i32
        %dma_wait3A_151 = tpu.memref_slice %arg9[%dma_wait3A_149, %dma_wait3A_150] : memref<10112x8xf32, #tpu.memory_space<vmem_shared>> -> memref<10112x8xf32, #tpu.memory_space<vmem_shared>>
        tpu.wait_indirect_dma semaphore(%arg10 : memref<!tpu.dma_semaphore, #tpu.memory_space<semaphore_mem>>) src(%arg7 : memref<256x8xf32, #tpu.memory_space<vmem>>) dst(%dma_wait3A_151 : memref<10112x8xf32, #tpu.memory_space<vmem_shared>>)
      } else {
      }
    }
    %while3A_19 = arith.constant 1 : i32
    scf.for %while3A_137 = %while3A_17 to %while3A_13 step %while3A_19  : i32 {
      %dma_start3A = arith.constant 0 : i32
      %dma_start3A_138 = tpu.memref_slice %arg6[%while3A_137, %dma_start3A] : memref<56x256xi32, #tpu.memory_space<vmem>> -> memref<1x256xi32, #tpu.memory_space<vmem>>
      %dma_start3A_139 = tpu.memref_squeeze %dma_start3A_138 : memref<1x256xi32, #tpu.memory_space<vmem>> -> memref<256xi32, #tpu.memory_space<vmem>>
      %dma_start3A_140 = arith.constant 0 : i32
      %dma_start3A_141 = arith.constant 0 : i32
      %dma_start3A_142 = tpu.memref_slice %arg9[%dma_start3A_140, %dma_start3A_141] : memref<10112x8xf32, #tpu.memory_space<vmem_shared>> -> memref<10112x8xf32, #tpu.memory_space<vmem_shared>>
      tpu.enqueue_indirect_dma source(%arg7 : memref<256x8xf32, #tpu.memory_space<vmem>>) target(%dma_start3A_142 : memref<10112x8xf32, #tpu.memory_space<vmem_shared>>) offsets(%dma_start3A_139 : memref<256xi32, #tpu.memory_space<vmem>>) semaphore(%arg10 : memref<!tpu.dma_semaphore, #tpu.memory_space<semaphore_mem>>) {add = true}
      %ge3A = arith.constant 16 : i32
      %ge3A_143 = arith.cmpi sge, %while3A_137, %ge3A : i32
      %convert_element_type3A = arith.extui %ge3A_143 : i1 to i32
      %cond3A = arith.constant 0 : i32
      %cond3A_144 = arith.cmpi ne, %convert_element_type3A, %cond3A : i32
      scf.if %cond3A_144 {
        %dma_wait3A_145 = arith.constant 0 : i32
        %dma_wait3A_146 = arith.constant 0 : i32
        %dma_wait3A_147 = tpu.memref_slice %arg6[%dma_wait3A_145, %dma_wait3A_146] : memref<56x256xi32, #tpu.memory_space<vmem>> -> memref<1x256xi32, #tpu.memory_space<vmem>>
        %dma_wait3A_148 = tpu.memref_squeeze %dma_wait3A_147 : memref<1x256xi32, #tpu.memory_space<vmem>> -> memref<256xi32, #tpu.memory_space<vmem>>
        %dma_wait3A_149 = arith.constant 0 : i32
        %dma_wait3A_150 = arith.constant 0 : i32
        %dma_wait3A_151 = tpu.memref_slice %arg9[%dma_wait3A_149, %dma_wait3A_150] : memref<10112x8xf32, #tpu.memory_space<vmem_shared>> -> memref<10112x8xf32, #tpu.memory_space<vmem_shared>>
        tpu.wait_indirect_dma semaphore(%arg10 : memref<!tpu.dma_semaphore, #tpu.memory_space<semaphore_mem>>) src(%arg7 : memref<256x8xf32, #tpu.memory_space<vmem>>) dst(%dma_wait3A_151 : memref<10112x8xf32, #tpu.memory_space<vmem_shared>>)
      } else {
      }
    }
    %dma_wait3A = arith.constant 0 : i32
    %dma_wait3A_20 = arith.constant 0 : i32
    %dma_wait3A_21 = tpu.memref_slice %arg6[%dma_wait3A, %dma_wait3A_20] : memref<56x256xi32, #tpu.memory_space<vmem>> -> memref<1x256xi32, #tpu.memory_space<vmem>>
    %dma_wait3A_22 = tpu.memref_squeeze %dma_wait3A_21 : memref<1x256xi32, #tpu.memory_space<vmem>> -> memref<256xi32, #tpu.memory_space<vmem>>
    %dma_wait3A_23 = arith.constant 0 : i32
    %dma_wait3A_24 = arith.constant 0 : i32
    %dma_wait3A_25 = tpu.memref_slice %arg9[%dma_wait3A_23, %dma_wait3A_24] : memref<10112x8xf32, #tpu.memory_space<vmem_shared>> -> memref<10112x8xf32, #tpu.memory_space<vmem_shared>>
    tpu.wait_indirect_dma semaphore(%arg10 : memref<!tpu.dma_semaphore, #tpu.memory_space<semaphore_mem>>) src(%arg7 : memref<256x8xf32, #tpu.memory_space<vmem>>) dst(%dma_wait3A_25 : memref<10112x8xf32, #tpu.memory_space<vmem_shared>>)
    %dma_wait3A_26 = arith.constant 0 : i32
    %dma_wait3A_27 = arith.constant 0 : i32
    %dma_wait3A_28 = tpu.memref_slice %arg6[%dma_wait3A_26, %dma_wait3A_27] : memref<56x256xi32, #tpu.memory_space<vmem>> -> memref<1x256xi32, #tpu.memory_space<vmem>>
    %dma_wait3A_29 = tpu.memref_squeeze %dma_wait3A_28 : memref<1x256xi32, #tpu.memory_space<vmem>> -> memref<256xi32, #tpu.memory_space<vmem>>
    %dma_wait3A_30 = arith.constant 0 : i32
    %dma_wait3A_31 = arith.constant 0 : i32
    %dma_wait3A_32 = tpu.memref_slice %arg9[%dma_wait3A_30, %dma_wait3A_31] : memref<10112x8xf32, #tpu.memory_space<vmem_shared>> -> memref<10112x8xf32, #tpu.memory_space<vmem_shared>>
    tpu.wait_indirect_dma semaphore(%arg10 : memref<!tpu.dma_semaphore, #tpu.memory_space<semaphore_mem>>) src(%arg7 : memref<256x8xf32, #tpu.memory_space<vmem>>) dst(%dma_wait3A_32 : memref<10112x8xf32, #tpu.memory_space<vmem_shared>>)
    %dma_wait3A_33 = arith.constant 0 : i32
    %dma_wait3A_34 = arith.constant 0 : i32
    %dma_wait3A_35 = tpu.memref_slice %arg6[%dma_wait3A_33, %dma_wait3A_34] : memref<56x256xi32, #tpu.memory_space<vmem>> -> memref<1x256xi32, #tpu.memory_space<vmem>>
    %dma_wait3A_36 = tpu.memref_squeeze %dma_wait3A_35 : memref<1x256xi32, #tpu.memory_space<vmem>> -> memref<256xi32, #tpu.memory_space<vmem>>
    %dma_wait3A_37 = arith.constant 0 : i32
    %dma_wait3A_38 = arith.constant 0 : i32
    %dma_wait3A_39 = tpu.memref_slice %arg9[%dma_wait3A_37, %dma_wait3A_38] : memref<10112x8xf32, #tpu.memory_space<vmem_shared>> -> memref<10112x8xf32, #tpu.memory_space<vmem_shared>>
    tpu.wait_indirect_dma semaphore(%arg10 : memref<!tpu.dma_semaphore, #tpu.memory_space<semaphore_mem>>) src(%arg7 : memref<256x8xf32, #tpu.memory_space<vmem>>) dst(%dma_wait3A_39 : memref<10112x8xf32, #tpu.memory_space<vmem_shared>>)
    %dma_wait3A_40 = arith.constant 0 : i32
    %dma_wait3A_41 = arith.constant 0 : i32
    %dma_wait3A_42 = tpu.memref_slice %arg6[%dma_wait3A_40, %dma_wait3A_41] : memref<56x256xi32, #tpu.memory_space<vmem>> -> memref<1x256xi32, #tpu.memory_space<vmem>>
    %dma_wait3A_43 = tpu.memref_squeeze %dma_wait3A_42 : memref<1x256xi32, #tpu.memory_space<vmem>> -> memref<256xi32, #tpu.memory_space<vmem>>
    %dma_wait3A_44 = arith.constant 0 : i32
    %dma_wait3A_45 = arith.constant 0 : i32
    %dma_wait3A_46 = tpu.memref_slice %arg9[%dma_wait3A_44, %dma_wait3A_45] : memref<10112x8xf32, #tpu.memory_space<vmem_shared>> -> memref<10112x8xf32, #tpu.memory_space<vmem_shared>>
    tpu.wait_indirect_dma semaphore(%arg10 : memref<!tpu.dma_semaphore, #tpu.memory_space<semaphore_mem>>) src(%arg7 : memref<256x8xf32, #tpu.memory_space<vmem>>) dst(%dma_wait3A_46 : memref<10112x8xf32, #tpu.memory_space<vmem_shared>>)
    %dma_wait3A_47 = arith.constant 0 : i32
    %dma_wait3A_48 = arith.constant 0 : i32
    %dma_wait3A_49 = tpu.memref_slice %arg6[%dma_wait3A_47, %dma_wait3A_48] : memref<56x256xi32, #tpu.memory_space<vmem>> -> memref<1x256xi32, #tpu.memory_space<vmem>>
    %dma_wait3A_50 = tpu.memref_squeeze %dma_wait3A_49 : memref<1x256xi32, #tpu.memory_space<vmem>> -> memref<256xi32, #tpu.memory_space<vmem>>
    %dma_wait3A_51 = arith.constant 0 : i32
    %dma_wait3A_52 = arith.constant 0 : i32
    %dma_wait3A_53 = tpu.memref_slice %arg9[%dma_wait3A_51, %dma_wait3A_52] : memref<10112x8xf32, #tpu.memory_space<vmem_shared>> -> memref<10112x8xf32, #tpu.memory_space<vmem_shared>>
    tpu.wait_indirect_dma semaphore(%arg10 : memref<!tpu.dma_semaphore, #tpu.memory_space<semaphore_mem>>) src(%arg7 : memref<256x8xf32, #tpu.memory_space<vmem>>) dst(%dma_wait3A_53 : memref<10112x8xf32, #tpu.memory_space<vmem_shared>>)
    %dma_wait3A_54 = arith.constant 0 : i32
    %dma_wait3A_55 = arith.constant 0 : i32
    %dma_wait3A_56 = tpu.memref_slice %arg6[%dma_wait3A_54, %dma_wait3A_55] : memref<56x256xi32, #tpu.memory_space<vmem>> -> memref<1x256xi32, #tpu.memory_space<vmem>>
    %dma_wait3A_57 = tpu.memref_squeeze %dma_wait3A_56 : memref<1x256xi32, #tpu.memory_space<vmem>> -> memref<256xi32, #tpu.memory_space<vmem>>
    %dma_wait3A_58 = arith.constant 0 : i32
    %dma_wait3A_59 = arith.constant 0 : i32
    %dma_wait3A_60 = tpu.memref_slice %arg9[%dma_wait3A_58, %dma_wait3A_59] : memref<10112x8xf32, #tpu.memory_space<vmem_shared>> -> memref<10112x8xf32, #tpu.memory_space<vmem_shared>>
    tpu.wait_indirect_dma semaphore(%arg10 : memref<!tpu.dma_semaphore, #tpu.memory_space<semaphore_mem>>) src(%arg7 : memref<256x8xf32, #tpu.memory_space<vmem>>) dst(%dma_wait3A_60 : memref<10112x8xf32, #tpu.memory_space<vmem_shared>>)
    %dma_wait3A_61 = arith.constant 0 : i32
    %dma_wait3A_62 = arith.constant 0 : i32
    %dma_wait3A_63 = tpu.memref_slice %arg6[%dma_wait3A_61, %dma_wait3A_62] : memref<56x256xi32, #tpu.memory_space<vmem>> -> memref<1x256xi32, #tpu.memory_space<vmem>>
    %dma_wait3A_64 = tpu.memref_squeeze %dma_wait3A_63 : memref<1x256xi32, #tpu.memory_space<vmem>> -> memref<256xi32, #tpu.memory_space<vmem>>
    %dma_wait3A_65 = arith.constant 0 : i32
    %dma_wait3A_66 = arith.constant 0 : i32
    %dma_wait3A_67 = tpu.memref_slice %arg9[%dma_wait3A_65, %dma_wait3A_66] : memref<10112x8xf32, #tpu.memory_space<vmem_shared>> -> memref<10112x8xf32, #tpu.memory_space<vmem_shared>>
    tpu.wait_indirect_dma semaphore(%arg10 : memref<!tpu.dma_semaphore, #tpu.memory_space<semaphore_mem>>) src(%arg7 : memref<256x8xf32, #tpu.memory_space<vmem>>) dst(%dma_wait3A_67 : memref<10112x8xf32, #tpu.memory_space<vmem_shared>>)
    %dma_wait3A_68 = arith.constant 0 : i32
    %dma_wait3A_69 = arith.constant 0 : i32
    %dma_wait3A_70 = tpu.memref_slice %arg6[%dma_wait3A_68, %dma_wait3A_69] : memref<56x256xi32, #tpu.memory_space<vmem>> -> memref<1x256xi32, #tpu.memory_space<vmem>>
    %dma_wait3A_71 = tpu.memref_squeeze %dma_wait3A_70 : memref<1x256xi32, #tpu.memory_space<vmem>> -> memref<256xi32, #tpu.memory_space<vmem>>
    %dma_wait3A_72 = arith.constant 0 : i32
    %dma_wait3A_73 = arith.constant 0 : i32
    %dma_wait3A_74 = tpu.memref_slice %arg9[%dma_wait3A_72, %dma_wait3A_73] : memref<10112x8xf32, #tpu.memory_space<vmem_shared>> -> memref<10112x8xf32, #tpu.memory_space<vmem_shared>>
    tpu.wait_indirect_dma semaphore(%arg10 : memref<!tpu.dma_semaphore, #tpu.memory_space<semaphore_mem>>) src(%arg7 : memref<256x8xf32, #tpu.memory_space<vmem>>) dst(%dma_wait3A_74 : memref<10112x8xf32, #tpu.memory_space<vmem_shared>>)
    %dma_wait3A_75 = arith.constant 0 : i32
    %dma_wait3A_76 = arith.constant 0 : i32
    %dma_wait3A_77 = tpu.memref_slice %arg6[%dma_wait3A_75, %dma_wait3A_76] : memref<56x256xi32, #tpu.memory_space<vmem>> -> memref<1x256xi32, #tpu.memory_space<vmem>>
    %dma_wait3A_78 = tpu.memref_squeeze %dma_wait3A_77 : memref<1x256xi32, #tpu.memory_space<vmem>> -> memref<256xi32, #tpu.memory_space<vmem>>
    %dma_wait3A_79 = arith.constant 0 : i32
    %dma_wait3A_80 = arith.constant 0 : i32
    %dma_wait3A_81 = tpu.memref_slice %arg9[%dma_wait3A_79, %dma_wait3A_80] : memref<10112x8xf32, #tpu.memory_space<vmem_shared>> -> memref<10112x8xf32, #tpu.memory_space<vmem_shared>>
    tpu.wait_indirect_dma semaphore(%arg10 : memref<!tpu.dma_semaphore, #tpu.memory_space<semaphore_mem>>) src(%arg7 : memref<256x8xf32, #tpu.memory_space<vmem>>) dst(%dma_wait3A_81 : memref<10112x8xf32, #tpu.memory_space<vmem_shared>>)
    %dma_wait3A_82 = arith.constant 0 : i32
    %dma_wait3A_83 = arith.constant 0 : i32
    %dma_wait3A_84 = tpu.memref_slice %arg6[%dma_wait3A_82, %dma_wait3A_83] : memref<56x256xi32, #tpu.memory_space<vmem>> -> memref<1x256xi32, #tpu.memory_space<vmem>>
    %dma_wait3A_85 = tpu.memref_squeeze %dma_wait3A_84 : memref<1x256xi32, #tpu.memory_space<vmem>> -> memref<256xi32, #tpu.memory_space<vmem>>
    %dma_wait3A_86 = arith.constant 0 : i32
    %dma_wait3A_87 = arith.constant 0 : i32
    %dma_wait3A_88 = tpu.memref_slice %arg9[%dma_wait3A_86, %dma_wait3A_87] : memref<10112x8xf32, #tpu.memory_space<vmem_shared>> -> memref<10112x8xf32, #tpu.memory_space<vmem_shared>>
    tpu.wait_indirect_dma semaphore(%arg10 : memref<!tpu.dma_semaphore, #tpu.memory_space<semaphore_mem>>) src(%arg7 : memref<256x8xf32, #tpu.memory_space<vmem>>) dst(%dma_wait3A_88 : memref<10112x8xf32, #tpu.memory_space<vmem_shared>>)
    %dma_wait3A_89 = arith.constant 0 : i32
    %dma_wait3A_90 = arith.constant 0 : i32
    %dma_wait3A_91 = tpu.memref_slice %arg6[%dma_wait3A_89, %dma_wait3A_90] : memref<56x256xi32, #tpu.memory_space<vmem>> -> memref<1x256xi32, #tpu.memory_space<vmem>>
    %dma_wait3A_92 = tpu.memref_squeeze %dma_wait3A_91 : memref<1x256xi32, #tpu.memory_space<vmem>> -> memref<256xi32, #tpu.memory_space<vmem>>
    %dma_wait3A_93 = arith.constant 0 : i32
    %dma_wait3A_94 = arith.constant 0 : i32
    %dma_wait3A_95 = tpu.memref_slice %arg9[%dma_wait3A_93, %dma_wait3A_94] : memref<10112x8xf32, #tpu.memory_space<vmem_shared>> -> memref<10112x8xf32, #tpu.memory_space<vmem_shared>>
    tpu.wait_indirect_dma semaphore(%arg10 : memref<!tpu.dma_semaphore, #tpu.memory_space<semaphore_mem>>) src(%arg7 : memref<256x8xf32, #tpu.memory_space<vmem>>) dst(%dma_wait3A_95 : memref<10112x8xf32, #tpu.memory_space<vmem_shared>>)
    %dma_wait3A_96 = arith.constant 0 : i32
    %dma_wait3A_97 = arith.constant 0 : i32
    %dma_wait3A_98 = tpu.memref_slice %arg6[%dma_wait3A_96, %dma_wait3A_97] : memref<56x256xi32, #tpu.memory_space<vmem>> -> memref<1x256xi32, #tpu.memory_space<vmem>>
    %dma_wait3A_99 = tpu.memref_squeeze %dma_wait3A_98 : memref<1x256xi32, #tpu.memory_space<vmem>> -> memref<256xi32, #tpu.memory_space<vmem>>
    %dma_wait3A_100 = arith.constant 0 : i32
    %dma_wait3A_101 = arith.constant 0 : i32
    %dma_wait3A_102 = tpu.memref_slice %arg9[%dma_wait3A_100, %dma_wait3A_101] : memref<10112x8xf32, #tpu.memory_space<vmem_shared>> -> memref<10112x8xf32, #tpu.memory_space<vmem_shared>>
    tpu.wait_indirect_dma semaphore(%arg10 : memref<!tpu.dma_semaphore, #tpu.memory_space<semaphore_mem>>) src(%arg7 : memref<256x8xf32, #tpu.memory_space<vmem>>) dst(%dma_wait3A_102 : memref<10112x8xf32, #tpu.memory_space<vmem_shared>>)
    %dma_wait3A_103 = arith.constant 0 : i32
    %dma_wait3A_104 = arith.constant 0 : i32
    %dma_wait3A_105 = tpu.memref_slice %arg6[%dma_wait3A_103, %dma_wait3A_104] : memref<56x256xi32, #tpu.memory_space<vmem>> -> memref<1x256xi32, #tpu.memory_space<vmem>>
    %dma_wait3A_106 = tpu.memref_squeeze %dma_wait3A_105 : memref<1x256xi32, #tpu.memory_space<vmem>> -> memref<256xi32, #tpu.memory_space<vmem>>
    %dma_wait3A_107 = arith.constant 0 : i32
    %dma_wait3A_108 = arith.constant 0 : i32
    %dma_wait3A_109 = tpu.memref_slice %arg9[%dma_wait3A_107, %dma_wait3A_108] : memref<10112x8xf32, #tpu.memory_space<vmem_shared>> -> memref<10112x8xf32, #tpu.memory_space<vmem_shared>>
    tpu.wait_indirect_dma semaphore(%arg10 : memref<!tpu.dma_semaphore, #tpu.memory_space<semaphore_mem>>) src(%arg7 : memref<256x8xf32, #tpu.memory_space<vmem>>) dst(%dma_wait3A_109 : memref<10112x8xf32, #tpu.memory_space<vmem_shared>>)
    %dma_wait3A_110 = arith.constant 0 : i32
    %dma_wait3A_111 = arith.constant 0 : i32
    %dma_wait3A_112 = tpu.memref_slice %arg6[%dma_wait3A_110, %dma_wait3A_111] : memref<56x256xi32, #tpu.memory_space<vmem>> -> memref<1x256xi32, #tpu.memory_space<vmem>>
    %dma_wait3A_113 = tpu.memref_squeeze %dma_wait3A_112 : memref<1x256xi32, #tpu.memory_space<vmem>> -> memref<256xi32, #tpu.memory_space<vmem>>
    %dma_wait3A_114 = arith.constant 0 : i32
    %dma_wait3A_115 = arith.constant 0 : i32
    %dma_wait3A_116 = tpu.memref_slice %arg9[%dma_wait3A_114, %dma_wait3A_115] : memref<10112x8xf32, #tpu.memory_space<vmem_shared>> -> memref<10112x8xf32, #tpu.memory_space<vmem_shared>>
    tpu.wait_indirect_dma semaphore(%arg10 : memref<!tpu.dma_semaphore, #tpu.memory_space<semaphore_mem>>) src(%arg7 : memref<256x8xf32, #tpu.memory_space<vmem>>) dst(%dma_wait3A_116 : memref<10112x8xf32, #tpu.memory_space<vmem_shared>>)
    %dma_wait3A_117 = arith.constant 0 : i32
    %dma_wait3A_118 = arith.constant 0 : i32
    %dma_wait3A_119 = tpu.memref_slice %arg6[%dma_wait3A_117, %dma_wait3A_118] : memref<56x256xi32, #tpu.memory_space<vmem>> -> memref<1x256xi32, #tpu.memory_space<vmem>>
    %dma_wait3A_120 = tpu.memref_squeeze %dma_wait3A_119 : memref<1x256xi32, #tpu.memory_space<vmem>> -> memref<256xi32, #tpu.memory_space<vmem>>
    %dma_wait3A_121 = arith.constant 0 : i32
    %dma_wait3A_122 = arith.constant 0 : i32
    %dma_wait3A_123 = tpu.memref_slice %arg9[%dma_wait3A_121, %dma_wait3A_122] : memref<10112x8xf32, #tpu.memory_space<vmem_shared>> -> memref<10112x8xf32, #tpu.memory_space<vmem_shared>>
    tpu.wait_indirect_dma semaphore(%arg10 : memref<!tpu.dma_semaphore, #tpu.memory_space<semaphore_mem>>) src(%arg7 : memref<256x8xf32, #tpu.memory_space<vmem>>) dst(%dma_wait3A_123 : memref<10112x8xf32, #tpu.memory_space<vmem_shared>>)
    %dma_wait3A_124 = arith.constant 0 : i32
    %dma_wait3A_125 = arith.constant 0 : i32
    %dma_wait3A_126 = tpu.memref_slice %arg6[%dma_wait3A_124, %dma_wait3A_125] : memref<56x256xi32, #tpu.memory_space<vmem>> -> memref<1x256xi32, #tpu.memory_space<vmem>>
    %dma_wait3A_127 = tpu.memref_squeeze %dma_wait3A_126 : memref<1x256xi32, #tpu.memory_space<vmem>> -> memref<256xi32, #tpu.memory_space<vmem>>
    %dma_wait3A_128 = arith.constant 0 : i32
    %dma_wait3A_129 = arith.constant 0 : i32
    %dma_wait3A_130 = tpu.memref_slice %arg9[%dma_wait3A_128, %dma_wait3A_129] : memref<10112x8xf32, #tpu.memory_space<vmem_shared>> -> memref<10112x8xf32, #tpu.memory_space<vmem_shared>>
    tpu.wait_indirect_dma semaphore(%arg10 : memref<!tpu.dma_semaphore, #tpu.memory_space<semaphore_mem>>) src(%arg7 : memref<256x8xf32, #tpu.memory_space<vmem>>) dst(%dma_wait3A_130 : memref<10112x8xf32, #tpu.memory_space<vmem_shared>>)
    %barrier3A_131 = arith.constant 0 : index
    tpu.barrier barrier_id(%barrier3A_131)
    %mul3A_132 = arith.constant 632 : i32
    %mul3A_133 = arith.muli %arg1, %mul3A_132 : i32
    "tpu.region"() ({
      %run_scoped3A = tpu.sem_alloc : memref<!tpu.dma_semaphore, #tpu.memory_space<semaphore_mem>>
      %dma_start3A = arith.constant 0 : i32
      %dma_start3A_137 = tpu.memref_slice %arg9[%mul3A_133, %dma_start3A] : memref<10112x8xf32, #tpu.memory_space<vmem_shared>> -> memref<632x8xf32, #tpu.memory_space<vmem_shared>>
      %dma_start3A_138 = arith.constant 0 : i32
      %dma_start3A_139 = tpu.memref_slice %arg9[%mul3A_133, %dma_start3A_138] : memref<10112x8xf32, #tpu.memory_space<vmem_shared>> -> memref<632x8xf32, #tpu.memory_space<vmem_shared>>
      tpu.enqueue_dma source(%dma_start3A_139 : memref<632x8xf32, #tpu.memory_space<vmem_shared>>) target(%arg8 : memref<632x8xf32, #tpu.memory_space<vmem>>) target_semaphore(%run_scoped3A : memref<!tpu.dma_semaphore, #tpu.memory_space<semaphore_mem>>)
      %dma_wait3A_140 = arith.constant 0 : i32
      %dma_wait3A_141 = tpu.memref_slice %arg9[%mul3A_133, %dma_wait3A_140] : memref<10112x8xf32, #tpu.memory_space<vmem_shared>> -> memref<632x8xf32, #tpu.memory_space<vmem_shared>>
      %dma_wait3A_142 = arith.constant 0 : i32
      %dma_wait3A_143 = tpu.memref_slice %arg9[%mul3A_133, %dma_wait3A_142] : memref<10112x8xf32, #tpu.memory_space<vmem_shared>> -> memref<632x8xf32, #tpu.memory_space<vmem_shared>>
      tpu.wait_dma2 semaphore(%run_scoped3A : memref<!tpu.dma_semaphore, #tpu.memory_space<semaphore_mem>>) src(%dma_wait3A_143 : memref<632x8xf32, #tpu.memory_space<vmem_shared>>) dst(%arg8 : memref<632x8xf32, #tpu.memory_space<vmem>>)
      tpu.yield
    }) : () -> ()
    %mul3A_134 = arith.constant 10112 : i32
    %mul3A_135 = arith.muli %arg0, %mul3A_134 : i32
    %add3A_136 = arith.addi %mul3A_135, %mul3A_133 : i32
    "tpu.region"() ({
      %run_scoped3A = tpu.sem_alloc : memref<!tpu.dma_semaphore, #tpu.memory_space<semaphore_mem>>
      %dma_start3A = arith.constant 0 : i32
      %dma_start3A_137 = tpu.memref_slice %arg5[%add3A_136, %dma_start3A] : memref<20224x8xf32, #tpu.memory_space<hbm>> -> memref<632x8xf32, #tpu.memory_space<hbm>>
      %dma_start3A_138 = arith.constant 0 : i32
      %dma_start3A_139 = tpu.memref_slice %arg5[%add3A_136, %dma_start3A_138] : memref<20224x8xf32, #tpu.memory_space<hbm>> -> memref<632x8xf32, #tpu.memory_space<hbm>>
      tpu.enqueue_dma source(%arg8 : memref<632x8xf32, #tpu.memory_space<vmem>>) target(%dma_start3A_139 : memref<632x8xf32, #tpu.memory_space<hbm>>) target_semaphore(%run_scoped3A : memref<!tpu.dma_semaphore, #tpu.memory_space<semaphore_mem>>)
      %dma_wait3A_140 = arith.constant 0 : i32
      %dma_wait3A_141 = tpu.memref_slice %arg5[%add3A_136, %dma_wait3A_140] : memref<20224x8xf32, #tpu.memory_space<hbm>> -> memref<632x8xf32, #tpu.memory_space<hbm>>
      %dma_wait3A_142 = arith.constant 0 : i32
      %dma_wait3A_143 = tpu.memref_slice %arg5[%add3A_136, %dma_wait3A_142] : memref<20224x8xf32, #tpu.memory_space<hbm>> -> memref<632x8xf32, #tpu.memory_space<hbm>>
      tpu.wait_dma2 semaphore(%run_scoped3A : memref<!tpu.dma_semaphore, #tpu.memory_space<semaphore_mem>>) src(%arg8 : memref<632x8xf32, #tpu.memory_space<vmem>>) dst(%dma_wait3A_143 : memref<632x8xf32, #tpu.memory_space<hbm>>)
      tpu.yield
    }) : () -> ()
    return
  }
}

#map = affine_map<(d0, d1) -> (0, 0)>
module attributes {stable_mosaic.version = 14 : i64} {
  func.func @agg_kernel(%arg0: i32, %arg1: i32, %arg2: memref<10112x64xbf16, #tpu.memory_space<hbm>>, %arg3: memref<1312x256xi32, #tpu.memory_space<hbm>>, %arg4: memref<1312x256xi32, #tpu.memory_space<hbm>>, %arg5: memref<632x64xbf16, #tpu.memory_space<hbm>>, %arg6: memref<20224x64xbf16, #tpu.memory_space<hbm>>, %arg7: memref<56x256xi32, #tpu.memory_space<vmem>>, %arg8: memref<56x256xi32, #tpu.memory_space<vmem>>, %arg9: memref<768x64xbf16, #tpu.memory_space<vmem>>, %arg10: memref<10112x64xbf16, #tpu.memory_space<vmem_shared>>, %arg11: memref<!tpu.dma_semaphore, #tpu.memory_space<semaphore_mem>>, %arg12: memref<!tpu.dma_semaphore, #tpu.memory_space<semaphore_mem>>, %arg13: memref<!tpu.dma_semaphore, #tpu.memory_space<semaphore_mem>>, %arg14: memref<!tpu.dma_semaphore, #tpu.memory_space<semaphore_mem>>, %arg15: memref<!tpu.dma_semaphore, #tpu.memory_space<semaphore_mem>>, %arg16: memref<!tpu.dma_semaphore, #tpu.memory_space<semaphore_mem>>) attributes {dimension_semantics = [#tpu.dimension_semantics<core_parallel>, #tpu.dimension_semantics<subcore_parallel>], iteration_bounds = array<i64: 2, 16>, scalar_prefetch = 0 : i64, scratch_operands = 10 : i64, tpu.core_type = #tpu.core_type<sc_vector_subcore>, window_params = [{transform_indices = #map}, {transform_indices = #map}, {transform_indices = #map}, {transform_indices = #map}, {transform_indices = #map}]} {
    %eq3A = arith.constant 0 : i32
    %eq3A_0 = arith.cmpi eq, %arg0, %eq3A : i32
    %mul3A = arith.constant 56 : i32
    %mul3A_1 = arith.muli %arg1, %mul3A : i32
    %mul3A_2 = arith.constant 24 : i32
    %mul3A_3 = arith.muli %arg1, %mul3A_2 : i32
    %add3A = arith.constant 896 : i32
    %add3A_4 = arith.addi %add3A, %mul3A_3 : i32
    %select_n3A = arith.select %eq3A_0, %mul3A_1, %add3A_4 : i32
    %eq3A_5 = arith.constant 0 : i32
    %eq3A_6 = arith.cmpi eq, %arg0, %eq3A_5 : i32
    %jit3A = arith.constant 56 : i32
    %jit3A_7 = arith.constant 24 : i32
    %select_n3A_8 = arith.select %eq3A_6, %jit3A, %jit3A_7 : i32
    %jit3A_9 = arith.constant 1 : i32
    %div3A = arith.divsi %select_n3A_8, %jit3A_9 : i32
    %sign3A = arith.constant 0 : i32
    %sign3A_10 = arith.cmpi sgt, %select_n3A_8, %sign3A : i32
    %sign3A_11 = arith.extui %sign3A_10 : i1 to i32
    %sign3A_12 = arith.constant 0 : i32
    %sign3A_13 = arith.cmpi slt, %select_n3A_8, %sign3A_12 : i32
    %sign3A_14 = arith.extui %sign3A_13 : i1 to i32
    %sign3A_15 = arith.subi %sign3A_11, %sign3A_14 : i32
    %sign3A_16 = arith.constant 0 : i32
    %sign3A_17 = arith.cmpi sgt, %jit3A_9, %sign3A_16 : i32
    %sign3A_18 = arith.extui %sign3A_17 : i1 to i32
    %sign3A_19 = arith.constant 0 : i32
    %sign3A_20 = arith.cmpi slt, %jit3A_9, %sign3A_19 : i32
    %sign3A_21 = arith.extui %sign3A_20 : i1 to i32
    %sign3A_22 = arith.subi %sign3A_18, %sign3A_21 : i32
    %ne3A = arith.cmpi ne, %sign3A_15, %sign3A_22 : i32
    %rem3A = arith.remsi %select_n3A_8, %jit3A_9 : i32
    %ne3A_23 = arith.constant 0 : i32
    %ne3A_24 = arith.cmpi ne, %rem3A, %ne3A_23 : i32
    %and3A = arith.andi %ne3A, %ne3A_24 : i1
    %sub3A = arith.constant 1 : i32
    %sub3A_25 = arith.subi %div3A, %sub3A : i32
    %select_n3A_26 = arith.select %and3A, %sub3A_25, %div3A : i32
    "tpu.trace_start"() <{level = 10 : i32, message = "agg_init"}> : () -> ()
    "tpu.region"() ({
      %run_scoped3A = tpu.sem_alloc : memref<!tpu.dma_semaphore, #tpu.memory_space<semaphore_mem>>
      %dma_start3A = arith.constant 0 : i32
      %dma_start3A_87 = tpu.memref_slice %arg3[%select_n3A, %dma_start3A] : memref<1312x256xi32, #tpu.memory_space<hbm>> -> memref<56x256xi32, #tpu.memory_space<hbm>>
      %dma_start3A_88 = arith.constant 0 : i32
      %dma_start3A_89 = tpu.memref_slice %arg3[%select_n3A, %dma_start3A_88] : memref<1312x256xi32, #tpu.memory_space<hbm>> -> memref<56x256xi32, #tpu.memory_space<hbm>>
      tpu.enqueue_dma source(%dma_start3A_89 : memref<56x256xi32, #tpu.memory_space<hbm>>) target(%arg7 : memref<56x256xi32, #tpu.memory_space<vmem>>) target_semaphore(%run_scoped3A : memref<!tpu.dma_semaphore, #tpu.memory_space<semaphore_mem>>)
      %dma_wait3A = arith.constant 0 : i32
      %dma_wait3A_90 = tpu.memref_slice %arg3[%select_n3A, %dma_wait3A] : memref<1312x256xi32, #tpu.memory_space<hbm>> -> memref<56x256xi32, #tpu.memory_space<hbm>>
      %dma_wait3A_91 = arith.constant 0 : i32
      %dma_wait3A_92 = tpu.memref_slice %arg3[%select_n3A, %dma_wait3A_91] : memref<1312x256xi32, #tpu.memory_space<hbm>> -> memref<56x256xi32, #tpu.memory_space<hbm>>
      tpu.wait_dma2 semaphore(%run_scoped3A : memref<!tpu.dma_semaphore, #tpu.memory_space<semaphore_mem>>) src(%dma_wait3A_92 : memref<56x256xi32, #tpu.memory_space<hbm>>) dst(%arg7 : memref<56x256xi32, #tpu.memory_space<vmem>>)
      tpu.yield
    }) : () -> ()
    "tpu.region"() ({
      %run_scoped3A = tpu.sem_alloc : memref<!tpu.dma_semaphore, #tpu.memory_space<semaphore_mem>>
      %dma_start3A = arith.constant 0 : i32
      %dma_start3A_87 = tpu.memref_slice %arg4[%select_n3A, %dma_start3A] : memref<1312x256xi32, #tpu.memory_space<hbm>> -> memref<56x256xi32, #tpu.memory_space<hbm>>
      %dma_start3A_88 = arith.constant 0 : i32
      %dma_start3A_89 = tpu.memref_slice %arg4[%select_n3A, %dma_start3A_88] : memref<1312x256xi32, #tpu.memory_space<hbm>> -> memref<56x256xi32, #tpu.memory_space<hbm>>
      tpu.enqueue_dma source(%dma_start3A_89 : memref<56x256xi32, #tpu.memory_space<hbm>>) target(%arg8 : memref<56x256xi32, #tpu.memory_space<vmem>>) target_semaphore(%run_scoped3A : memref<!tpu.dma_semaphore, #tpu.memory_space<semaphore_mem>>)
      %dma_wait3A = arith.constant 0 : i32
      %dma_wait3A_90 = tpu.memref_slice %arg4[%select_n3A, %dma_wait3A] : memref<1312x256xi32, #tpu.memory_space<hbm>> -> memref<56x256xi32, #tpu.memory_space<hbm>>
      %dma_wait3A_91 = arith.constant 0 : i32
      %dma_wait3A_92 = tpu.memref_slice %arg4[%select_n3A, %dma_wait3A_91] : memref<1312x256xi32, #tpu.memory_space<hbm>> -> memref<56x256xi32, #tpu.memory_space<hbm>>
      tpu.wait_dma2 semaphore(%run_scoped3A : memref<!tpu.dma_semaphore, #tpu.memory_space<semaphore_mem>>) src(%dma_wait3A_92 : memref<56x256xi32, #tpu.memory_space<hbm>>) dst(%arg8 : memref<56x256xi32, #tpu.memory_space<vmem>>)
      tpu.yield
    }) : () -> ()
    "tpu.region"() ({
      %run_scoped3A = tpu.sem_alloc : memref<!tpu.dma_semaphore, #tpu.memory_space<semaphore_mem>>
      %dma_start3A = arith.constant 0 : i32
      %dma_start3A_87 = arith.constant 0 : i32
      %dma_start3A_88 = tpu.memref_slice %arg9[%dma_start3A, %dma_start3A_87] : memref<768x64xbf16, #tpu.memory_space<vmem>> -> memref<632x64xbf16, #tpu.memory_space<vmem>>
      %dma_start3A_89 = arith.constant 0 : i32
      %dma_start3A_90 = arith.constant 0 : i32
      %dma_start3A_91 = tpu.memref_slice %arg9[%dma_start3A_89, %dma_start3A_90] : memref<768x64xbf16, #tpu.memory_space<vmem>> -> memref<632x64xbf16, #tpu.memory_space<vmem>>
      tpu.enqueue_dma source(%arg5 : memref<632x64xbf16, #tpu.memory_space<hbm>>) target(%dma_start3A_91 : memref<632x64xbf16, #tpu.memory_space<vmem>>) target_semaphore(%run_scoped3A : memref<!tpu.dma_semaphore, #tpu.memory_space<semaphore_mem>>)
      %dma_wait3A = arith.constant 0 : i32
      %dma_wait3A_92 = arith.constant 0 : i32
      %dma_wait3A_93 = tpu.memref_slice %arg9[%dma_wait3A, %dma_wait3A_92] : memref<768x64xbf16, #tpu.memory_space<vmem>> -> memref<632x64xbf16, #tpu.memory_space<vmem>>
      %dma_wait3A_94 = arith.constant 0 : i32
      %dma_wait3A_95 = arith.constant 0 : i32
      %dma_wait3A_96 = tpu.memref_slice %arg9[%dma_wait3A_94, %dma_wait3A_95] : memref<768x64xbf16, #tpu.memory_space<vmem>> -> memref<632x64xbf16, #tpu.memory_space<vmem>>
      tpu.wait_dma2 semaphore(%run_scoped3A : memref<!tpu.dma_semaphore, #tpu.memory_space<semaphore_mem>>) src(%arg5 : memref<632x64xbf16, #tpu.memory_space<hbm>>) dst(%dma_wait3A_96 : memref<632x64xbf16, #tpu.memory_space<vmem>>)
      tpu.yield
    }) : () -> ()
    %mul3A_27 = arith.constant 632 : i32
    %mul3A_28 = arith.muli %arg1, %mul3A_27 : i32
    "tpu.region"() ({
      %run_scoped3A = tpu.sem_alloc : memref<!tpu.dma_semaphore, #tpu.memory_space<semaphore_mem>>
      %dma_start3A = arith.constant 0 : i32
      %dma_start3A_87 = arith.constant 0 : i32
      %dma_start3A_88 = tpu.memref_slice %arg9[%dma_start3A, %dma_start3A_87] : memref<768x64xbf16, #tpu.memory_space<vmem>> -> memref<632x64xbf16, #tpu.memory_space<vmem>>
      %dma_start3A_89 = arith.constant 0 : i32
      %dma_start3A_90 = tpu.memref_slice %arg10[%mul3A_28, %dma_start3A_89] : memref<10112x64xbf16, #tpu.memory_space<vmem_shared>> -> memref<632x64xbf16, #tpu.memory_space<vmem_shared>>
      %dma_start3A_91 = arith.constant 0 : i32
      %dma_start3A_92 = tpu.memref_slice %arg10[%mul3A_28, %dma_start3A_91] : memref<10112x64xbf16, #tpu.memory_space<vmem_shared>> -> memref<632x64xbf16, #tpu.memory_space<vmem_shared>>
      %dma_start3A_93 = arith.constant 0 : i32
      %dma_start3A_94 = arith.constant 0 : i32
      %dma_start3A_95 = tpu.memref_slice %arg9[%dma_start3A_93, %dma_start3A_94] : memref<768x64xbf16, #tpu.memory_space<vmem>> -> memref<632x64xbf16, #tpu.memory_space<vmem>>
      tpu.enqueue_dma source(%dma_start3A_95 : memref<632x64xbf16, #tpu.memory_space<vmem>>) target(%dma_start3A_92 : memref<632x64xbf16, #tpu.memory_space<vmem_shared>>) target_semaphore(%run_scoped3A : memref<!tpu.dma_semaphore, #tpu.memory_space<semaphore_mem>>)
      %dma_wait3A = arith.constant 0 : i32
      %dma_wait3A_96 = arith.constant 0 : i32
      %dma_wait3A_97 = tpu.memref_slice %arg9[%dma_wait3A, %dma_wait3A_96] : memref<768x64xbf16, #tpu.memory_space<vmem>> -> memref<632x64xbf16, #tpu.memory_space<vmem>>
      %dma_wait3A_98 = arith.constant 0 : i32
      %dma_wait3A_99 = tpu.memref_slice %arg10[%mul3A_28, %dma_wait3A_98] : memref<10112x64xbf16, #tpu.memory_space<vmem_shared>> -> memref<632x64xbf16, #tpu.memory_space<vmem_shared>>
      %dma_wait3A_100 = arith.constant 0 : i32
      %dma_wait3A_101 = tpu.memref_slice %arg10[%mul3A_28, %dma_wait3A_100] : memref<10112x64xbf16, #tpu.memory_space<vmem_shared>> -> memref<632x64xbf16, #tpu.memory_space<vmem_shared>>
      %dma_wait3A_102 = arith.constant 0 : i32
      %dma_wait3A_103 = arith.constant 0 : i32
      %dma_wait3A_104 = tpu.memref_slice %arg9[%dma_wait3A_102, %dma_wait3A_103] : memref<768x64xbf16, #tpu.memory_space<vmem>> -> memref<632x64xbf16, #tpu.memory_space<vmem>>
      tpu.wait_dma2 semaphore(%run_scoped3A : memref<!tpu.dma_semaphore, #tpu.memory_space<semaphore_mem>>) src(%dma_wait3A_104 : memref<632x64xbf16, #tpu.memory_space<vmem>>) dst(%dma_wait3A_101 : memref<632x64xbf16, #tpu.memory_space<vmem_shared>>)
      tpu.yield
    }) : () -> ()
    %barrier3A = arith.constant 0 : index
    tpu.barrier barrier_id(%barrier3A)
    %ge3A = arith.constant 1 : i32
    "tpu.trace_stop"() : () -> ()
    %ge3A_29 = arith.cmpi sge, %select_n3A_26, %ge3A : i32
    %convert_element_type3A = arith.extui %ge3A_29 : i1 to i32
    %cond3A = arith.constant 0 : i32
    %cond3A_30 = arith.cmpi ne, %convert_element_type3A, %cond3A : i32
    scf.if %cond3A_30 {
      %dma_start3A = arith.constant 0 : i32
      %dma_start3A_87 = arith.constant 0 : i32
      %dma_start3A_88 = arith.constant 0 : i32
      %dma_start3A_89 = tpu.memref_slice %arg9[%dma_start3A_87, %dma_start3A_88] : memref<768x64xbf16, #tpu.memory_space<vmem>> -> memref<256x64xbf16, #tpu.memory_space<vmem>>
      %dma_start3A_90 = arith.constant 0 : i32
      %dma_start3A_91 = tpu.memref_slice %arg7[%dma_start3A, %dma_start3A_90] : memref<56x256xi32, #tpu.memory_space<vmem>> -> memref<1x256xi32, #tpu.memory_space<vmem>>
      %dma_start3A_92 = tpu.memref_squeeze %dma_start3A_91 : memref<1x256xi32, #tpu.memory_space<vmem>> -> memref<256xi32, #tpu.memory_space<vmem>>
      %dma_start3A_93 = arith.constant 0 : i32
      %dma_start3A_94 = arith.constant 0 : i32
      %dma_start3A_95 = tpu.memref_slice %arg2[%dma_start3A_93, %dma_start3A_94] : memref<10112x64xbf16, #tpu.memory_space<hbm>> -> memref<10112x64xbf16, #tpu.memory_space<hbm>>
      tpu.enqueue_indirect_dma source(%dma_start3A_95 : memref<10112x64xbf16, #tpu.memory_space<hbm>>) target(%dma_start3A_89 : memref<256x64xbf16, #tpu.memory_space<vmem>>) offsets(%dma_start3A_92 : memref<256xi32, #tpu.memory_space<vmem>>) semaphore(%arg11 : memref<!tpu.dma_semaphore, #tpu.memory_space<semaphore_mem>>)
    } else {
    }
    %ge3A_31 = arith.constant 2 : i32
    %ge3A_32 = arith.cmpi sge, %select_n3A_26, %ge3A_31 : i32
    %convert_element_type3A_33 = arith.extui %ge3A_32 : i1 to i32
    %cond3A_34 = arith.constant 0 : i32
    %cond3A_35 = arith.cmpi ne, %convert_element_type3A_33, %cond3A_34 : i32
    scf.if %cond3A_35 {
      %dma_start3A = arith.constant 1 : i32
      %dma_start3A_87 = arith.constant 256 : i32
      %dma_start3A_88 = arith.constant 0 : i32
      %dma_start3A_89 = tpu.memref_slice %arg9[%dma_start3A_87, %dma_start3A_88] : memref<768x64xbf16, #tpu.memory_space<vmem>> -> memref<256x64xbf16, #tpu.memory_space<vmem>>
      %dma_start3A_90 = arith.constant 0 : i32
      %dma_start3A_91 = tpu.memref_slice %arg7[%dma_start3A, %dma_start3A_90] : memref<56x256xi32, #tpu.memory_space<vmem>> -> memref<1x256xi32, #tpu.memory_space<vmem>>
      %dma_start3A_92 = tpu.memref_squeeze %dma_start3A_91 : memref<1x256xi32, #tpu.memory_space<vmem>> -> memref<256xi32, #tpu.memory_space<vmem>>
      %dma_start3A_93 = arith.constant 0 : i32
      %dma_start3A_94 = arith.constant 0 : i32
      %dma_start3A_95 = tpu.memref_slice %arg2[%dma_start3A_93, %dma_start3A_94] : memref<10112x64xbf16, #tpu.memory_space<hbm>> -> memref<10112x64xbf16, #tpu.memory_space<hbm>>
      tpu.enqueue_indirect_dma source(%dma_start3A_95 : memref<10112x64xbf16, #tpu.memory_space<hbm>>) target(%dma_start3A_89 : memref<256x64xbf16, #tpu.memory_space<vmem>>) offsets(%dma_start3A_92 : memref<256xi32, #tpu.memory_space<vmem>>) semaphore(%arg12 : memref<!tpu.dma_semaphore, #tpu.memory_space<semaphore_mem>>)
    } else {
    }
    %while3A = arith.constant 0 : i32
    %while3A_36 = arith.constant 0 : i32
    "tpu.trace_start"() <{level = 10 : i32, message = "agg_loop"}> : () -> ()
    %while3A_37 = arith.subi %select_n3A_26, %while3A_36 : i32
    %while3A_38 = arith.addi %while3A_36, %while3A_37 : i32
    %while3A_39 = arith.constant 1 : i32
    %while3A_40 = arith.divsi %while3A_37, %while3A_39 : i32
    %while3A_41 = arith.muli %while3A_40, %while3A_39 : i32
    %while3A_42 = arith.addi %while3A_36, %while3A_41 : i32
    %while3A_43 = arith.constant 1 : i32
    scf.for %while3A_87 = %while3A_36 to %while3A_42 step %while3A_43  : i32 {
      %rem3A_88 = arith.constant 3 : i32
      %rem3A_89 = arith.remsi %while3A_87, %rem3A_88 : i32
      %eq3A_90 = arith.constant 0 : i32
      %eq3A_91 = arith.cmpi eq, %rem3A_89, %eq3A_90 : i32
      %convert_element_type3A_92 = arith.extui %eq3A_91 : i1 to i32
      %cond3A_93 = arith.constant 0 : i32
      %cond3A_94 = arith.cmpi ne, %convert_element_type3A_92, %cond3A_93 : i32
      scf.if %cond3A_94 {
        %dma_wait3A = arith.constant 0 : i32
        %dma_wait3A_109 = arith.constant 0 : i32
        %dma_wait3A_110 = arith.constant 0 : i32
        %dma_wait3A_111 = tpu.memref_slice %arg9[%dma_wait3A_109, %dma_wait3A_110] : memref<768x64xbf16, #tpu.memory_space<vmem>> -> memref<256x64xbf16, #tpu.memory_space<vmem>>
        %dma_wait3A_112 = arith.constant 0 : i32
        %dma_wait3A_113 = tpu.memref_slice %arg7[%dma_wait3A, %dma_wait3A_112] : memref<56x256xi32, #tpu.memory_space<vmem>> -> memref<1x256xi32, #tpu.memory_space<vmem>>
        %dma_wait3A_114 = tpu.memref_squeeze %dma_wait3A_113 : memref<1x256xi32, #tpu.memory_space<vmem>> -> memref<256xi32, #tpu.memory_space<vmem>>
        %dma_wait3A_115 = arith.constant 0 : i32
        %dma_wait3A_116 = arith.constant 0 : i32
        %dma_wait3A_117 = tpu.memref_slice %arg2[%dma_wait3A_115, %dma_wait3A_116] : memref<10112x64xbf16, #tpu.memory_space<hbm>> -> memref<10112x64xbf16, #tpu.memory_space<hbm>>
        tpu.wait_indirect_dma semaphore(%arg11 : memref<!tpu.dma_semaphore, #tpu.memory_space<semaphore_mem>>) src(%dma_wait3A_117 : memref<10112x64xbf16, #tpu.memory_space<hbm>>) dst(%dma_wait3A_111 : memref<256x64xbf16, #tpu.memory_space<vmem>>)
        %mul3A_118 = arith.constant 1 : i32
        %mul3A_119 = arith.muli %while3A_87, %mul3A_118 : i32
        %add3A_120 = arith.constant 0 : i32
        %add3A_121 = arith.addi %mul3A_119, %add3A_120 : i32
        %dma_start3A = arith.constant 0 : i32
        %dma_start3A_122 = arith.constant 0 : i32
        %dma_start3A_123 = tpu.memref_slice %arg9[%dma_start3A, %dma_start3A_122] : memref<768x64xbf16, #tpu.memory_space<vmem>> -> memref<256x64xbf16, #tpu.memory_space<vmem>>
        %dma_start3A_124 = arith.constant 0 : i32
        %dma_start3A_125 = tpu.memref_slice %arg8[%add3A_121, %dma_start3A_124] : memref<56x256xi32, #tpu.memory_space<vmem>> -> memref<1x256xi32, #tpu.memory_space<vmem>>
        %dma_start3A_126 = tpu.memref_squeeze %dma_start3A_125 : memref<1x256xi32, #tpu.memory_space<vmem>> -> memref<256xi32, #tpu.memory_space<vmem>>
        %dma_start3A_127 = arith.constant 0 : i32
        %dma_start3A_128 = arith.constant 0 : i32
        %dma_start3A_129 = tpu.memref_slice %arg10[%dma_start3A_127, %dma_start3A_128] : memref<10112x64xbf16, #tpu.memory_space<vmem_shared>> -> memref<10112x64xbf16, #tpu.memory_space<vmem_shared>>
        tpu.enqueue_indirect_dma source(%dma_start3A_123 : memref<256x64xbf16, #tpu.memory_space<vmem>>) target(%dma_start3A_129 : memref<10112x64xbf16, #tpu.memory_space<vmem_shared>>) offsets(%dma_start3A_126 : memref<256xi32, #tpu.memory_space<vmem>>) semaphore(%arg14 : memref<!tpu.dma_semaphore, #tpu.memory_space<semaphore_mem>>) {add = true}
        %ge3A_130 = arith.constant 1 : i32
        %ge3A_131 = arith.cmpi sge, %while3A_87, %ge3A_130 : i32
        %convert_element_type3A_132 = arith.extui %ge3A_131 : i1 to i32
        %cond3A_133 = arith.constant 0 : i32
        %cond3A_134 = arith.cmpi ne, %convert_element_type3A_132, %cond3A_133 : i32
        scf.if %cond3A_134 {
          %dma_wait3A_140 = arith.constant 0 : i32
          %dma_wait3A_141 = arith.constant 512 : i32
          %dma_wait3A_142 = arith.constant 0 : i32
          %dma_wait3A_143 = tpu.memref_slice %arg9[%dma_wait3A_141, %dma_wait3A_142] : memref<768x64xbf16, #tpu.memory_space<vmem>> -> memref<256x64xbf16, #tpu.memory_space<vmem>>
          %dma_wait3A_144 = arith.constant 0 : i32
          %dma_wait3A_145 = tpu.memref_slice %arg8[%dma_wait3A_140, %dma_wait3A_144] : memref<56x256xi32, #tpu.memory_space<vmem>> -> memref<1x256xi32, #tpu.memory_space<vmem>>
          %dma_wait3A_146 = tpu.memref_squeeze %dma_wait3A_145 : memref<1x256xi32, #tpu.memory_space<vmem>> -> memref<256xi32, #tpu.memory_space<vmem>>
          %dma_wait3A_147 = arith.constant 0 : i32
          %dma_wait3A_148 = arith.constant 0 : i32
          %dma_wait3A_149 = tpu.memref_slice %arg10[%dma_wait3A_147, %dma_wait3A_148] : memref<10112x64xbf16, #tpu.memory_space<vmem_shared>> -> memref<10112x64xbf16, #tpu.memory_space<vmem_shared>>
          tpu.wait_indirect_dma semaphore(%arg16 : memref<!tpu.dma_semaphore, #tpu.memory_space<semaphore_mem>>) src(%dma_wait3A_143 : memref<256x64xbf16, #tpu.memory_space<vmem>>) dst(%dma_wait3A_149 : memref<10112x64xbf16, #tpu.memory_space<vmem_shared>>)
        } else {
        }
        %add3A_135 = arith.constant 2 : i32
        %add3A_136 = arith.addi %while3A_87, %add3A_135 : i32
        %lt3A = arith.cmpi slt, %add3A_136, %select_n3A_26 : i32
        %convert_element_type3A_137 = arith.extui %lt3A : i1 to i32
        %cond3A_138 = arith.constant 0 : i32
        %cond3A_139 = arith.cmpi ne, %convert_element_type3A_137, %cond3A_138 : i32
        scf.if %cond3A_139 {
          %add3A_140 = arith.constant 2 : i32
          %add3A_141 = arith.addi %while3A_87, %add3A_140 : i32
          %mul3A_142 = arith.constant 1 : i32
          %mul3A_143 = arith.muli %add3A_141, %mul3A_142 : i32
          %add3A_144 = arith.constant 0 : i32
          %add3A_145 = arith.addi %mul3A_143, %add3A_144 : i32
          %dma_start3A_146 = arith.constant 512 : i32
          %dma_start3A_147 = arith.constant 0 : i32
          %dma_start3A_148 = tpu.memref_slice %arg9[%dma_start3A_146, %dma_start3A_147] : memref<768x64xbf16, #tpu.memory_space<vmem>> -> memref<256x64xbf16, #tpu.memory_space<vmem>>
          %dma_start3A_149 = arith.constant 0 : i32
          %dma_start3A_150 = tpu.memref_slice %arg7[%add3A_145, %dma_start3A_149] : memref<56x256xi32, #tpu.memory_space<vmem>> -> memref<1x256xi32, #tpu.memory_space<vmem>>
          %dma_start3A_151 = tpu.memref_squeeze %dma_start3A_150 : memref<1x256xi32, #tpu.memory_space<vmem>> -> memref<256xi32, #tpu.memory_space<vmem>>
          %dma_start3A_152 = arith.constant 0 : i32
          %dma_start3A_153 = arith.constant 0 : i32
          %dma_start3A_154 = tpu.memref_slice %arg2[%dma_start3A_152, %dma_start3A_153] : memref<10112x64xbf16, #tpu.memory_space<hbm>> -> memref<10112x64xbf16, #tpu.memory_space<hbm>>
          tpu.enqueue_indirect_dma source(%dma_start3A_154 : memref<10112x64xbf16, #tpu.memory_space<hbm>>) target(%dma_start3A_148 : memref<256x64xbf16, #tpu.memory_space<vmem>>) offsets(%dma_start3A_151 : memref<256xi32, #tpu.memory_space<vmem>>) semaphore(%arg13 : memref<!tpu.dma_semaphore, #tpu.memory_space<semaphore_mem>>)
        } else {
        }
      } else {
      }
      %rem3A_95 = arith.constant 3 : i32
      %rem3A_96 = arith.remsi %while3A_87, %rem3A_95 : i32
      %eq3A_97 = arith.constant 1 : i32
      %eq3A_98 = arith.cmpi eq, %rem3A_96, %eq3A_97 : i32
      %convert_element_type3A_99 = arith.extui %eq3A_98 : i1 to i32
      %cond3A_100 = arith.constant 0 : i32
      %cond3A_101 = arith.cmpi ne, %convert_element_type3A_99, %cond3A_100 : i32
      scf.if %cond3A_101 {
        %dma_wait3A = arith.constant 0 : i32
        %dma_wait3A_109 = arith.constant 256 : i32
        %dma_wait3A_110 = arith.constant 0 : i32
        %dma_wait3A_111 = tpu.memref_slice %arg9[%dma_wait3A_109, %dma_wait3A_110] : memref<768x64xbf16, #tpu.memory_space<vmem>> -> memref<256x64xbf16, #tpu.memory_space<vmem>>
        %dma_wait3A_112 = arith.constant 0 : i32
        %dma_wait3A_113 = tpu.memref_slice %arg7[%dma_wait3A, %dma_wait3A_112] : memref<56x256xi32, #tpu.memory_space<vmem>> -> memref<1x256xi32, #tpu.memory_space<vmem>>
        %dma_wait3A_114 = tpu.memref_squeeze %dma_wait3A_113 : memref<1x256xi32, #tpu.memory_space<vmem>> -> memref<256xi32, #tpu.memory_space<vmem>>
        %dma_wait3A_115 = arith.constant 0 : i32
        %dma_wait3A_116 = arith.constant 0 : i32
        %dma_wait3A_117 = tpu.memref_slice %arg2[%dma_wait3A_115, %dma_wait3A_116] : memref<10112x64xbf16, #tpu.memory_space<hbm>> -> memref<10112x64xbf16, #tpu.memory_space<hbm>>
        tpu.wait_indirect_dma semaphore(%arg12 : memref<!tpu.dma_semaphore, #tpu.memory_space<semaphore_mem>>) src(%dma_wait3A_117 : memref<10112x64xbf16, #tpu.memory_space<hbm>>) dst(%dma_wait3A_111 : memref<256x64xbf16, #tpu.memory_space<vmem>>)
        %mul3A_118 = arith.constant 1 : i32
        %mul3A_119 = arith.muli %while3A_87, %mul3A_118 : i32
        %add3A_120 = arith.constant 0 : i32
        %add3A_121 = arith.addi %mul3A_119, %add3A_120 : i32
        %dma_start3A = arith.constant 256 : i32
        %dma_start3A_122 = arith.constant 0 : i32
        %dma_start3A_123 = tpu.memref_slice %arg9[%dma_start3A, %dma_start3A_122] : memref<768x64xbf16, #tpu.memory_space<vmem>> -> memref<256x64xbf16, #tpu.memory_space<vmem>>
        %dma_start3A_124 = arith.constant 0 : i32
        %dma_start3A_125 = tpu.memref_slice %arg8[%add3A_121, %dma_start3A_124] : memref<56x256xi32, #tpu.memory_space<vmem>> -> memref<1x256xi32, #tpu.memory_space<vmem>>
        %dma_start3A_126 = tpu.memref_squeeze %dma_start3A_125 : memref<1x256xi32, #tpu.memory_space<vmem>> -> memref<256xi32, #tpu.memory_space<vmem>>
        %dma_start3A_127 = arith.constant 0 : i32
        %dma_start3A_128 = arith.constant 0 : i32
        %dma_start3A_129 = tpu.memref_slice %arg10[%dma_start3A_127, %dma_start3A_128] : memref<10112x64xbf16, #tpu.memory_space<vmem_shared>> -> memref<10112x64xbf16, #tpu.memory_space<vmem_shared>>
        tpu.enqueue_indirect_dma source(%dma_start3A_123 : memref<256x64xbf16, #tpu.memory_space<vmem>>) target(%dma_start3A_129 : memref<10112x64xbf16, #tpu.memory_space<vmem_shared>>) offsets(%dma_start3A_126 : memref<256xi32, #tpu.memory_space<vmem>>) semaphore(%arg15 : memref<!tpu.dma_semaphore, #tpu.memory_space<semaphore_mem>>) {add = true}
        %ge3A_130 = arith.constant 1 : i32
        %ge3A_131 = arith.cmpi sge, %while3A_87, %ge3A_130 : i32
        %convert_element_type3A_132 = arith.extui %ge3A_131 : i1 to i32
        %cond3A_133 = arith.constant 0 : i32
        %cond3A_134 = arith.cmpi ne, %convert_element_type3A_132, %cond3A_133 : i32
        scf.if %cond3A_134 {
          %dma_wait3A_140 = arith.constant 0 : i32
          %dma_wait3A_141 = arith.constant 0 : i32
          %dma_wait3A_142 = arith.constant 0 : i32
          %dma_wait3A_143 = tpu.memref_slice %arg9[%dma_wait3A_141, %dma_wait3A_142] : memref<768x64xbf16, #tpu.memory_space<vmem>> -> memref<256x64xbf16, #tpu.memory_space<vmem>>
          %dma_wait3A_144 = arith.constant 0 : i32
          %dma_wait3A_145 = tpu.memref_slice %arg8[%dma_wait3A_140, %dma_wait3A_144] : memref<56x256xi32, #tpu.memory_space<vmem>> -> memref<1x256xi32, #tpu.memory_space<vmem>>
          %dma_wait3A_146 = tpu.memref_squeeze %dma_wait3A_145 : memref<1x256xi32, #tpu.memory_space<vmem>> -> memref<256xi32, #tpu.memory_space<vmem>>
          %dma_wait3A_147 = arith.constant 0 : i32
          %dma_wait3A_148 = arith.constant 0 : i32
          %dma_wait3A_149 = tpu.memref_slice %arg10[%dma_wait3A_147, %dma_wait3A_148] : memref<10112x64xbf16, #tpu.memory_space<vmem_shared>> -> memref<10112x64xbf16, #tpu.memory_space<vmem_shared>>
          tpu.wait_indirect_dma semaphore(%arg14 : memref<!tpu.dma_semaphore, #tpu.memory_space<semaphore_mem>>) src(%dma_wait3A_143 : memref<256x64xbf16, #tpu.memory_space<vmem>>) dst(%dma_wait3A_149 : memref<10112x64xbf16, #tpu.memory_space<vmem_shared>>)
        } else {
        }
        %add3A_135 = arith.constant 2 : i32
        %add3A_136 = arith.addi %while3A_87, %add3A_135 : i32
        %lt3A = arith.cmpi slt, %add3A_136, %select_n3A_26 : i32
        %convert_element_type3A_137 = arith.extui %lt3A : i1 to i32
        %cond3A_138 = arith.constant 0 : i32
        %cond3A_139 = arith.cmpi ne, %convert_element_type3A_137, %cond3A_138 : i32
        scf.if %cond3A_139 {
          %add3A_140 = arith.constant 2 : i32
          %add3A_141 = arith.addi %while3A_87, %add3A_140 : i32
          %mul3A_142 = arith.constant 1 : i32
          %mul3A_143 = arith.muli %add3A_141, %mul3A_142 : i32
          %add3A_144 = arith.constant 0 : i32
          %add3A_145 = arith.addi %mul3A_143, %add3A_144 : i32
          %dma_start3A_146 = arith.constant 0 : i32
          %dma_start3A_147 = arith.constant 0 : i32
          %dma_start3A_148 = tpu.memref_slice %arg9[%dma_start3A_146, %dma_start3A_147] : memref<768x64xbf16, #tpu.memory_space<vmem>> -> memref<256x64xbf16, #tpu.memory_space<vmem>>
          %dma_start3A_149 = arith.constant 0 : i32
          %dma_start3A_150 = tpu.memref_slice %arg7[%add3A_145, %dma_start3A_149] : memref<56x256xi32, #tpu.memory_space<vmem>> -> memref<1x256xi32, #tpu.memory_space<vmem>>
          %dma_start3A_151 = tpu.memref_squeeze %dma_start3A_150 : memref<1x256xi32, #tpu.memory_space<vmem>> -> memref<256xi32, #tpu.memory_space<vmem>>
          %dma_start3A_152 = arith.constant 0 : i32
          %dma_start3A_153 = arith.constant 0 : i32
          %dma_start3A_154 = tpu.memref_slice %arg2[%dma_start3A_152, %dma_start3A_153] : memref<10112x64xbf16, #tpu.memory_space<hbm>> -> memref<10112x64xbf16, #tpu.memory_space<hbm>>
          tpu.enqueue_indirect_dma source(%dma_start3A_154 : memref<10112x64xbf16, #tpu.memory_space<hbm>>) target(%dma_start3A_148 : memref<256x64xbf16, #tpu.memory_space<vmem>>) offsets(%dma_start3A_151 : memref<256xi32, #tpu.memory_space<vmem>>) semaphore(%arg11 : memref<!tpu.dma_semaphore, #tpu.memory_space<semaphore_mem>>)
        } else {
        }
      } else {
      }
      %rem3A_102 = arith.constant 3 : i32
      %rem3A_103 = arith.remsi %while3A_87, %rem3A_102 : i32
      %eq3A_104 = arith.constant 2 : i32
      %eq3A_105 = arith.cmpi eq, %rem3A_103, %eq3A_104 : i32
      %convert_element_type3A_106 = arith.extui %eq3A_105 : i1 to i32
      %cond3A_107 = arith.constant 0 : i32
      %cond3A_108 = arith.cmpi ne, %convert_element_type3A_106, %cond3A_107 : i32
      scf.if %cond3A_108 {
        %dma_wait3A = arith.constant 0 : i32
        %dma_wait3A_109 = arith.constant 512 : i32
        %dma_wait3A_110 = arith.constant 0 : i32
        %dma_wait3A_111 = tpu.memref_slice %arg9[%dma_wait3A_109, %dma_wait3A_110] : memref<768x64xbf16, #tpu.memory_space<vmem>> -> memref<256x64xbf16, #tpu.memory_space<vmem>>
        %dma_wait3A_112 = arith.constant 0 : i32
        %dma_wait3A_113 = tpu.memref_slice %arg7[%dma_wait3A, %dma_wait3A_112] : memref<56x256xi32, #tpu.memory_space<vmem>> -> memref<1x256xi32, #tpu.memory_space<vmem>>
        %dma_wait3A_114 = tpu.memref_squeeze %dma_wait3A_113 : memref<1x256xi32, #tpu.memory_space<vmem>> -> memref<256xi32, #tpu.memory_space<vmem>>
        %dma_wait3A_115 = arith.constant 0 : i32
        %dma_wait3A_116 = arith.constant 0 : i32
        %dma_wait3A_117 = tpu.memref_slice %arg2[%dma_wait3A_115, %dma_wait3A_116] : memref<10112x64xbf16, #tpu.memory_space<hbm>> -> memref<10112x64xbf16, #tpu.memory_space<hbm>>
        tpu.wait_indirect_dma semaphore(%arg13 : memref<!tpu.dma_semaphore, #tpu.memory_space<semaphore_mem>>) src(%dma_wait3A_117 : memref<10112x64xbf16, #tpu.memory_space<hbm>>) dst(%dma_wait3A_111 : memref<256x64xbf16, #tpu.memory_space<vmem>>)
        %mul3A_118 = arith.constant 1 : i32
        %mul3A_119 = arith.muli %while3A_87, %mul3A_118 : i32
        %add3A_120 = arith.constant 0 : i32
        %add3A_121 = arith.addi %mul3A_119, %add3A_120 : i32
        %dma_start3A = arith.constant 512 : i32
        %dma_start3A_122 = arith.constant 0 : i32
        %dma_start3A_123 = tpu.memref_slice %arg9[%dma_start3A, %dma_start3A_122] : memref<768x64xbf16, #tpu.memory_space<vmem>> -> memref<256x64xbf16, #tpu.memory_space<vmem>>
        %dma_start3A_124 = arith.constant 0 : i32
        %dma_start3A_125 = tpu.memref_slice %arg8[%add3A_121, %dma_start3A_124] : memref<56x256xi32, #tpu.memory_space<vmem>> -> memref<1x256xi32, #tpu.memory_space<vmem>>
        %dma_start3A_126 = tpu.memref_squeeze %dma_start3A_125 : memref<1x256xi32, #tpu.memory_space<vmem>> -> memref<256xi32, #tpu.memory_space<vmem>>
        %dma_start3A_127 = arith.constant 0 : i32
        %dma_start3A_128 = arith.constant 0 : i32
        %dma_start3A_129 = tpu.memref_slice %arg10[%dma_start3A_127, %dma_start3A_128] : memref<10112x64xbf16, #tpu.memory_space<vmem_shared>> -> memref<10112x64xbf16, #tpu.memory_space<vmem_shared>>
        tpu.enqueue_indirect_dma source(%dma_start3A_123 : memref<256x64xbf16, #tpu.memory_space<vmem>>) target(%dma_start3A_129 : memref<10112x64xbf16, #tpu.memory_space<vmem_shared>>) offsets(%dma_start3A_126 : memref<256xi32, #tpu.memory_space<vmem>>) semaphore(%arg16 : memref<!tpu.dma_semaphore, #tpu.memory_space<semaphore_mem>>) {add = true}
        %ge3A_130 = arith.constant 1 : i32
        %ge3A_131 = arith.cmpi sge, %while3A_87, %ge3A_130 : i32
        %convert_element_type3A_132 = arith.extui %ge3A_131 : i1 to i32
        %cond3A_133 = arith.constant 0 : i32
        %cond3A_134 = arith.cmpi ne, %convert_element_type3A_132, %cond3A_133 : i32
        scf.if %cond3A_134 {
          %dma_wait3A_140 = arith.constant 0 : i32
          %dma_wait3A_141 = arith.constant 256 : i32
          %dma_wait3A_142 = arith.constant 0 : i32
          %dma_wait3A_143 = tpu.memref_slice %arg9[%dma_wait3A_141, %dma_wait3A_142] : memref<768x64xbf16, #tpu.memory_space<vmem>> -> memref<256x64xbf16, #tpu.memory_space<vmem>>
          %dma_wait3A_144 = arith.constant 0 : i32
          %dma_wait3A_145 = tpu.memref_slice %arg8[%dma_wait3A_140, %dma_wait3A_144] : memref<56x256xi32, #tpu.memory_space<vmem>> -> memref<1x256xi32, #tpu.memory_space<vmem>>
          %dma_wait3A_146 = tpu.memref_squeeze %dma_wait3A_145 : memref<1x256xi32, #tpu.memory_space<vmem>> -> memref<256xi32, #tpu.memory_space<vmem>>
          %dma_wait3A_147 = arith.constant 0 : i32
          %dma_wait3A_148 = arith.constant 0 : i32
          %dma_wait3A_149 = tpu.memref_slice %arg10[%dma_wait3A_147, %dma_wait3A_148] : memref<10112x64xbf16, #tpu.memory_space<vmem_shared>> -> memref<10112x64xbf16, #tpu.memory_space<vmem_shared>>
          tpu.wait_indirect_dma semaphore(%arg15 : memref<!tpu.dma_semaphore, #tpu.memory_space<semaphore_mem>>) src(%dma_wait3A_143 : memref<256x64xbf16, #tpu.memory_space<vmem>>) dst(%dma_wait3A_149 : memref<10112x64xbf16, #tpu.memory_space<vmem_shared>>)
        } else {
        }
        %add3A_135 = arith.constant 2 : i32
        %add3A_136 = arith.addi %while3A_87, %add3A_135 : i32
        %lt3A = arith.cmpi slt, %add3A_136, %select_n3A_26 : i32
        %convert_element_type3A_137 = arith.extui %lt3A : i1 to i32
        %cond3A_138 = arith.constant 0 : i32
        %cond3A_139 = arith.cmpi ne, %convert_element_type3A_137, %cond3A_138 : i32
        scf.if %cond3A_139 {
          %add3A_140 = arith.constant 2 : i32
          %add3A_141 = arith.addi %while3A_87, %add3A_140 : i32
          %mul3A_142 = arith.constant 1 : i32
          %mul3A_143 = arith.muli %add3A_141, %mul3A_142 : i32
          %add3A_144 = arith.constant 0 : i32
          %add3A_145 = arith.addi %mul3A_143, %add3A_144 : i32
          %dma_start3A_146 = arith.constant 256 : i32
          %dma_start3A_147 = arith.constant 0 : i32
          %dma_start3A_148 = tpu.memref_slice %arg9[%dma_start3A_146, %dma_start3A_147] : memref<768x64xbf16, #tpu.memory_space<vmem>> -> memref<256x64xbf16, #tpu.memory_space<vmem>>
          %dma_start3A_149 = arith.constant 0 : i32
          %dma_start3A_150 = tpu.memref_slice %arg7[%add3A_145, %dma_start3A_149] : memref<56x256xi32, #tpu.memory_space<vmem>> -> memref<1x256xi32, #tpu.memory_space<vmem>>
          %dma_start3A_151 = tpu.memref_squeeze %dma_start3A_150 : memref<1x256xi32, #tpu.memory_space<vmem>> -> memref<256xi32, #tpu.memory_space<vmem>>
          %dma_start3A_152 = arith.constant 0 : i32
          %dma_start3A_153 = arith.constant 0 : i32
          %dma_start3A_154 = tpu.memref_slice %arg2[%dma_start3A_152, %dma_start3A_153] : memref<10112x64xbf16, #tpu.memory_space<hbm>> -> memref<10112x64xbf16, #tpu.memory_space<hbm>>
          tpu.enqueue_indirect_dma source(%dma_start3A_154 : memref<10112x64xbf16, #tpu.memory_space<hbm>>) target(%dma_start3A_148 : memref<256x64xbf16, #tpu.memory_space<vmem>>) offsets(%dma_start3A_151 : memref<256xi32, #tpu.memory_space<vmem>>) semaphore(%arg12 : memref<!tpu.dma_semaphore, #tpu.memory_space<semaphore_mem>>)
        } else {
        }
      } else {
      }
    }
    %while3A_44 = arith.constant 1 : i32
    scf.for %while3A_87 = %while3A_42 to %while3A_38 step %while3A_44  : i32 {
      %rem3A_88 = arith.constant 3 : i32
      %rem3A_89 = arith.remsi %while3A_87, %rem3A_88 : i32
      %eq3A_90 = arith.constant 0 : i32
      %eq3A_91 = arith.cmpi eq, %rem3A_89, %eq3A_90 : i32
      %convert_element_type3A_92 = arith.extui %eq3A_91 : i1 to i32
      %cond3A_93 = arith.constant 0 : i32
      %cond3A_94 = arith.cmpi ne, %convert_element_type3A_92, %cond3A_93 : i32
      scf.if %cond3A_94 {
        %dma_wait3A = arith.constant 0 : i32
        %dma_wait3A_109 = arith.constant 0 : i32
        %dma_wait3A_110 = arith.constant 0 : i32
        %dma_wait3A_111 = tpu.memref_slice %arg9[%dma_wait3A_109, %dma_wait3A_110] : memref<768x64xbf16, #tpu.memory_space<vmem>> -> memref<256x64xbf16, #tpu.memory_space<vmem>>
        %dma_wait3A_112 = arith.constant 0 : i32
        %dma_wait3A_113 = tpu.memref_slice %arg7[%dma_wait3A, %dma_wait3A_112] : memref<56x256xi32, #tpu.memory_space<vmem>> -> memref<1x256xi32, #tpu.memory_space<vmem>>
        %dma_wait3A_114 = tpu.memref_squeeze %dma_wait3A_113 : memref<1x256xi32, #tpu.memory_space<vmem>> -> memref<256xi32, #tpu.memory_space<vmem>>
        %dma_wait3A_115 = arith.constant 0 : i32
        %dma_wait3A_116 = arith.constant 0 : i32
        %dma_wait3A_117 = tpu.memref_slice %arg2[%dma_wait3A_115, %dma_wait3A_116] : memref<10112x64xbf16, #tpu.memory_space<hbm>> -> memref<10112x64xbf16, #tpu.memory_space<hbm>>
        tpu.wait_indirect_dma semaphore(%arg11 : memref<!tpu.dma_semaphore, #tpu.memory_space<semaphore_mem>>) src(%dma_wait3A_117 : memref<10112x64xbf16, #tpu.memory_space<hbm>>) dst(%dma_wait3A_111 : memref<256x64xbf16, #tpu.memory_space<vmem>>)
        %mul3A_118 = arith.constant 1 : i32
        %mul3A_119 = arith.muli %while3A_87, %mul3A_118 : i32
        %add3A_120 = arith.constant 0 : i32
        %add3A_121 = arith.addi %mul3A_119, %add3A_120 : i32
        %dma_start3A = arith.constant 0 : i32
        %dma_start3A_122 = arith.constant 0 : i32
        %dma_start3A_123 = tpu.memref_slice %arg9[%dma_start3A, %dma_start3A_122] : memref<768x64xbf16, #tpu.memory_space<vmem>> -> memref<256x64xbf16, #tpu.memory_space<vmem>>
        %dma_start3A_124 = arith.constant 0 : i32
        %dma_start3A_125 = tpu.memref_slice %arg8[%add3A_121, %dma_start3A_124] : memref<56x256xi32, #tpu.memory_space<vmem>> -> memref<1x256xi32, #tpu.memory_space<vmem>>
        %dma_start3A_126 = tpu.memref_squeeze %dma_start3A_125 : memref<1x256xi32, #tpu.memory_space<vmem>> -> memref<256xi32, #tpu.memory_space<vmem>>
        %dma_start3A_127 = arith.constant 0 : i32
        %dma_start3A_128 = arith.constant 0 : i32
        %dma_start3A_129 = tpu.memref_slice %arg10[%dma_start3A_127, %dma_start3A_128] : memref<10112x64xbf16, #tpu.memory_space<vmem_shared>> -> memref<10112x64xbf16, #tpu.memory_space<vmem_shared>>
        tpu.enqueue_indirect_dma source(%dma_start3A_123 : memref<256x64xbf16, #tpu.memory_space<vmem>>) target(%dma_start3A_129 : memref<10112x64xbf16, #tpu.memory_space<vmem_shared>>) offsets(%dma_start3A_126 : memref<256xi32, #tpu.memory_space<vmem>>) semaphore(%arg14 : memref<!tpu.dma_semaphore, #tpu.memory_space<semaphore_mem>>) {add = true}
        %ge3A_130 = arith.constant 1 : i32
        %ge3A_131 = arith.cmpi sge, %while3A_87, %ge3A_130 : i32
        %convert_element_type3A_132 = arith.extui %ge3A_131 : i1 to i32
        %cond3A_133 = arith.constant 0 : i32
        %cond3A_134 = arith.cmpi ne, %convert_element_type3A_132, %cond3A_133 : i32
        scf.if %cond3A_134 {
          %dma_wait3A_140 = arith.constant 0 : i32
          %dma_wait3A_141 = arith.constant 512 : i32
          %dma_wait3A_142 = arith.constant 0 : i32
          %dma_wait3A_143 = tpu.memref_slice %arg9[%dma_wait3A_141, %dma_wait3A_142] : memref<768x64xbf16, #tpu.memory_space<vmem>> -> memref<256x64xbf16, #tpu.memory_space<vmem>>
          %dma_wait3A_144 = arith.constant 0 : i32
          %dma_wait3A_145 = tpu.memref_slice %arg8[%dma_wait3A_140, %dma_wait3A_144] : memref<56x256xi32, #tpu.memory_space<vmem>> -> memref<1x256xi32, #tpu.memory_space<vmem>>
          %dma_wait3A_146 = tpu.memref_squeeze %dma_wait3A_145 : memref<1x256xi32, #tpu.memory_space<vmem>> -> memref<256xi32, #tpu.memory_space<vmem>>
          %dma_wait3A_147 = arith.constant 0 : i32
          %dma_wait3A_148 = arith.constant 0 : i32
          %dma_wait3A_149 = tpu.memref_slice %arg10[%dma_wait3A_147, %dma_wait3A_148] : memref<10112x64xbf16, #tpu.memory_space<vmem_shared>> -> memref<10112x64xbf16, #tpu.memory_space<vmem_shared>>
          tpu.wait_indirect_dma semaphore(%arg16 : memref<!tpu.dma_semaphore, #tpu.memory_space<semaphore_mem>>) src(%dma_wait3A_143 : memref<256x64xbf16, #tpu.memory_space<vmem>>) dst(%dma_wait3A_149 : memref<10112x64xbf16, #tpu.memory_space<vmem_shared>>)
        } else {
        }
        %add3A_135 = arith.constant 2 : i32
        %add3A_136 = arith.addi %while3A_87, %add3A_135 : i32
        %lt3A = arith.cmpi slt, %add3A_136, %select_n3A_26 : i32
        %convert_element_type3A_137 = arith.extui %lt3A : i1 to i32
        %cond3A_138 = arith.constant 0 : i32
        %cond3A_139 = arith.cmpi ne, %convert_element_type3A_137, %cond3A_138 : i32
        scf.if %cond3A_139 {
          %add3A_140 = arith.constant 2 : i32
          %add3A_141 = arith.addi %while3A_87, %add3A_140 : i32
          %mul3A_142 = arith.constant 1 : i32
          %mul3A_143 = arith.muli %add3A_141, %mul3A_142 : i32
          %add3A_144 = arith.constant 0 : i32
          %add3A_145 = arith.addi %mul3A_143, %add3A_144 : i32
          %dma_start3A_146 = arith.constant 512 : i32
          %dma_start3A_147 = arith.constant 0 : i32
          %dma_start3A_148 = tpu.memref_slice %arg9[%dma_start3A_146, %dma_start3A_147] : memref<768x64xbf16, #tpu.memory_space<vmem>> -> memref<256x64xbf16, #tpu.memory_space<vmem>>
          %dma_start3A_149 = arith.constant 0 : i32
          %dma_start3A_150 = tpu.memref_slice %arg7[%add3A_145, %dma_start3A_149] : memref<56x256xi32, #tpu.memory_space<vmem>> -> memref<1x256xi32, #tpu.memory_space<vmem>>
          %dma_start3A_151 = tpu.memref_squeeze %dma_start3A_150 : memref<1x256xi32, #tpu.memory_space<vmem>> -> memref<256xi32, #tpu.memory_space<vmem>>
          %dma_start3A_152 = arith.constant 0 : i32
          %dma_start3A_153 = arith.constant 0 : i32
          %dma_start3A_154 = tpu.memref_slice %arg2[%dma_start3A_152, %dma_start3A_153] : memref<10112x64xbf16, #tpu.memory_space<hbm>> -> memref<10112x64xbf16, #tpu.memory_space<hbm>>
          tpu.enqueue_indirect_dma source(%dma_start3A_154 : memref<10112x64xbf16, #tpu.memory_space<hbm>>) target(%dma_start3A_148 : memref<256x64xbf16, #tpu.memory_space<vmem>>) offsets(%dma_start3A_151 : memref<256xi32, #tpu.memory_space<vmem>>) semaphore(%arg13 : memref<!tpu.dma_semaphore, #tpu.memory_space<semaphore_mem>>)
        } else {
        }
      } else {
      }
      %rem3A_95 = arith.constant 3 : i32
      %rem3A_96 = arith.remsi %while3A_87, %rem3A_95 : i32
      %eq3A_97 = arith.constant 1 : i32
      %eq3A_98 = arith.cmpi eq, %rem3A_96, %eq3A_97 : i32
      %convert_element_type3A_99 = arith.extui %eq3A_98 : i1 to i32
      %cond3A_100 = arith.constant 0 : i32
      %cond3A_101 = arith.cmpi ne, %convert_element_type3A_99, %cond3A_100 : i32
      scf.if %cond3A_101 {
        %dma_wait3A = arith.constant 0 : i32
        %dma_wait3A_109 = arith.constant 256 : i32
        %dma_wait3A_110 = arith.constant 0 : i32
        %dma_wait3A_111 = tpu.memref_slice %arg9[%dma_wait3A_109, %dma_wait3A_110] : memref<768x64xbf16, #tpu.memory_space<vmem>> -> memref<256x64xbf16, #tpu.memory_space<vmem>>
        %dma_wait3A_112 = arith.constant 0 : i32
        %dma_wait3A_113 = tpu.memref_slice %arg7[%dma_wait3A, %dma_wait3A_112] : memref<56x256xi32, #tpu.memory_space<vmem>> -> memref<1x256xi32, #tpu.memory_space<vmem>>
        %dma_wait3A_114 = tpu.memref_squeeze %dma_wait3A_113 : memref<1x256xi32, #tpu.memory_space<vmem>> -> memref<256xi32, #tpu.memory_space<vmem>>
        %dma_wait3A_115 = arith.constant 0 : i32
        %dma_wait3A_116 = arith.constant 0 : i32
        %dma_wait3A_117 = tpu.memref_slice %arg2[%dma_wait3A_115, %dma_wait3A_116] : memref<10112x64xbf16, #tpu.memory_space<hbm>> -> memref<10112x64xbf16, #tpu.memory_space<hbm>>
        tpu.wait_indirect_dma semaphore(%arg12 : memref<!tpu.dma_semaphore, #tpu.memory_space<semaphore_mem>>) src(%dma_wait3A_117 : memref<10112x64xbf16, #tpu.memory_space<hbm>>) dst(%dma_wait3A_111 : memref<256x64xbf16, #tpu.memory_space<vmem>>)
        %mul3A_118 = arith.constant 1 : i32
        %mul3A_119 = arith.muli %while3A_87, %mul3A_118 : i32
        %add3A_120 = arith.constant 0 : i32
        %add3A_121 = arith.addi %mul3A_119, %add3A_120 : i32
        %dma_start3A = arith.constant 256 : i32
        %dma_start3A_122 = arith.constant 0 : i32
        %dma_start3A_123 = tpu.memref_slice %arg9[%dma_start3A, %dma_start3A_122] : memref<768x64xbf16, #tpu.memory_space<vmem>> -> memref<256x64xbf16, #tpu.memory_space<vmem>>
        %dma_start3A_124 = arith.constant 0 : i32
        %dma_start3A_125 = tpu.memref_slice %arg8[%add3A_121, %dma_start3A_124] : memref<56x256xi32, #tpu.memory_space<vmem>> -> memref<1x256xi32, #tpu.memory_space<vmem>>
        %dma_start3A_126 = tpu.memref_squeeze %dma_start3A_125 : memref<1x256xi32, #tpu.memory_space<vmem>> -> memref<256xi32, #tpu.memory_space<vmem>>
        %dma_start3A_127 = arith.constant 0 : i32
        %dma_start3A_128 = arith.constant 0 : i32
        %dma_start3A_129 = tpu.memref_slice %arg10[%dma_start3A_127, %dma_start3A_128] : memref<10112x64xbf16, #tpu.memory_space<vmem_shared>> -> memref<10112x64xbf16, #tpu.memory_space<vmem_shared>>
        tpu.enqueue_indirect_dma source(%dma_start3A_123 : memref<256x64xbf16, #tpu.memory_space<vmem>>) target(%dma_start3A_129 : memref<10112x64xbf16, #tpu.memory_space<vmem_shared>>) offsets(%dma_start3A_126 : memref<256xi32, #tpu.memory_space<vmem>>) semaphore(%arg15 : memref<!tpu.dma_semaphore, #tpu.memory_space<semaphore_mem>>) {add = true}
        %ge3A_130 = arith.constant 1 : i32
        %ge3A_131 = arith.cmpi sge, %while3A_87, %ge3A_130 : i32
        %convert_element_type3A_132 = arith.extui %ge3A_131 : i1 to i32
        %cond3A_133 = arith.constant 0 : i32
        %cond3A_134 = arith.cmpi ne, %convert_element_type3A_132, %cond3A_133 : i32
        scf.if %cond3A_134 {
          %dma_wait3A_140 = arith.constant 0 : i32
          %dma_wait3A_141 = arith.constant 0 : i32
          %dma_wait3A_142 = arith.constant 0 : i32
          %dma_wait3A_143 = tpu.memref_slice %arg9[%dma_wait3A_141, %dma_wait3A_142] : memref<768x64xbf16, #tpu.memory_space<vmem>> -> memref<256x64xbf16, #tpu.memory_space<vmem>>
          %dma_wait3A_144 = arith.constant 0 : i32
          %dma_wait3A_145 = tpu.memref_slice %arg8[%dma_wait3A_140, %dma_wait3A_144] : memref<56x256xi32, #tpu.memory_space<vmem>> -> memref<1x256xi32, #tpu.memory_space<vmem>>
          %dma_wait3A_146 = tpu.memref_squeeze %dma_wait3A_145 : memref<1x256xi32, #tpu.memory_space<vmem>> -> memref<256xi32, #tpu.memory_space<vmem>>
          %dma_wait3A_147 = arith.constant 0 : i32
          %dma_wait3A_148 = arith.constant 0 : i32
          %dma_wait3A_149 = tpu.memref_slice %arg10[%dma_wait3A_147, %dma_wait3A_148] : memref<10112x64xbf16, #tpu.memory_space<vmem_shared>> -> memref<10112x64xbf16, #tpu.memory_space<vmem_shared>>
          tpu.wait_indirect_dma semaphore(%arg14 : memref<!tpu.dma_semaphore, #tpu.memory_space<semaphore_mem>>) src(%dma_wait3A_143 : memref<256x64xbf16, #tpu.memory_space<vmem>>) dst(%dma_wait3A_149 : memref<10112x64xbf16, #tpu.memory_space<vmem_shared>>)
        } else {
        }
        %add3A_135 = arith.constant 2 : i32
        %add3A_136 = arith.addi %while3A_87, %add3A_135 : i32
        %lt3A = arith.cmpi slt, %add3A_136, %select_n3A_26 : i32
        %convert_element_type3A_137 = arith.extui %lt3A : i1 to i32
        %cond3A_138 = arith.constant 0 : i32
        %cond3A_139 = arith.cmpi ne, %convert_element_type3A_137, %cond3A_138 : i32
        scf.if %cond3A_139 {
          %add3A_140 = arith.constant 2 : i32
          %add3A_141 = arith.addi %while3A_87, %add3A_140 : i32
          %mul3A_142 = arith.constant 1 : i32
          %mul3A_143 = arith.muli %add3A_141, %mul3A_142 : i32
          %add3A_144 = arith.constant 0 : i32
          %add3A_145 = arith.addi %mul3A_143, %add3A_144 : i32
          %dma_start3A_146 = arith.constant 0 : i32
          %dma_start3A_147 = arith.constant 0 : i32
          %dma_start3A_148 = tpu.memref_slice %arg9[%dma_start3A_146, %dma_start3A_147] : memref<768x64xbf16, #tpu.memory_space<vmem>> -> memref<256x64xbf16, #tpu.memory_space<vmem>>
          %dma_start3A_149 = arith.constant 0 : i32
          %dma_start3A_150 = tpu.memref_slice %arg7[%add3A_145, %dma_start3A_149] : memref<56x256xi32, #tpu.memory_space<vmem>> -> memref<1x256xi32, #tpu.memory_space<vmem>>
          %dma_start3A_151 = tpu.memref_squeeze %dma_start3A_150 : memref<1x256xi32, #tpu.memory_space<vmem>> -> memref<256xi32, #tpu.memory_space<vmem>>
          %dma_start3A_152 = arith.constant 0 : i32
          %dma_start3A_153 = arith.constant 0 : i32
          %dma_start3A_154 = tpu.memref_slice %arg2[%dma_start3A_152, %dma_start3A_153] : memref<10112x64xbf16, #tpu.memory_space<hbm>> -> memref<10112x64xbf16, #tpu.memory_space<hbm>>
          tpu.enqueue_indirect_dma source(%dma_start3A_154 : memref<10112x64xbf16, #tpu.memory_space<hbm>>) target(%dma_start3A_148 : memref<256x64xbf16, #tpu.memory_space<vmem>>) offsets(%dma_start3A_151 : memref<256xi32, #tpu.memory_space<vmem>>) semaphore(%arg11 : memref<!tpu.dma_semaphore, #tpu.memory_space<semaphore_mem>>)
        } else {
        }
      } else {
      }
      %rem3A_102 = arith.constant 3 : i32
      %rem3A_103 = arith.remsi %while3A_87, %rem3A_102 : i32
      %eq3A_104 = arith.constant 2 : i32
      %eq3A_105 = arith.cmpi eq, %rem3A_103, %eq3A_104 : i32
      %convert_element_type3A_106 = arith.extui %eq3A_105 : i1 to i32
      %cond3A_107 = arith.constant 0 : i32
      %cond3A_108 = arith.cmpi ne, %convert_element_type3A_106, %cond3A_107 : i32
      scf.if %cond3A_108 {
        %dma_wait3A = arith.constant 0 : i32
        %dma_wait3A_109 = arith.constant 512 : i32
        %dma_wait3A_110 = arith.constant 0 : i32
        %dma_wait3A_111 = tpu.memref_slice %arg9[%dma_wait3A_109, %dma_wait3A_110] : memref<768x64xbf16, #tpu.memory_space<vmem>> -> memref<256x64xbf16, #tpu.memory_space<vmem>>
        %dma_wait3A_112 = arith.constant 0 : i32
        %dma_wait3A_113 = tpu.memref_slice %arg7[%dma_wait3A, %dma_wait3A_112] : memref<56x256xi32, #tpu.memory_space<vmem>> -> memref<1x256xi32, #tpu.memory_space<vmem>>
        %dma_wait3A_114 = tpu.memref_squeeze %dma_wait3A_113 : memref<1x256xi32, #tpu.memory_space<vmem>> -> memref<256xi32, #tpu.memory_space<vmem>>
        %dma_wait3A_115 = arith.constant 0 : i32
        %dma_wait3A_116 = arith.constant 0 : i32
        %dma_wait3A_117 = tpu.memref_slice %arg2[%dma_wait3A_115, %dma_wait3A_116] : memref<10112x64xbf16, #tpu.memory_space<hbm>> -> memref<10112x64xbf16, #tpu.memory_space<hbm>>
        tpu.wait_indirect_dma semaphore(%arg13 : memref<!tpu.dma_semaphore, #tpu.memory_space<semaphore_mem>>) src(%dma_wait3A_117 : memref<10112x64xbf16, #tpu.memory_space<hbm>>) dst(%dma_wait3A_111 : memref<256x64xbf16, #tpu.memory_space<vmem>>)
        %mul3A_118 = arith.constant 1 : i32
        %mul3A_119 = arith.muli %while3A_87, %mul3A_118 : i32
        %add3A_120 = arith.constant 0 : i32
        %add3A_121 = arith.addi %mul3A_119, %add3A_120 : i32
        %dma_start3A = arith.constant 512 : i32
        %dma_start3A_122 = arith.constant 0 : i32
        %dma_start3A_123 = tpu.memref_slice %arg9[%dma_start3A, %dma_start3A_122] : memref<768x64xbf16, #tpu.memory_space<vmem>> -> memref<256x64xbf16, #tpu.memory_space<vmem>>
        %dma_start3A_124 = arith.constant 0 : i32
        %dma_start3A_125 = tpu.memref_slice %arg8[%add3A_121, %dma_start3A_124] : memref<56x256xi32, #tpu.memory_space<vmem>> -> memref<1x256xi32, #tpu.memory_space<vmem>>
        %dma_start3A_126 = tpu.memref_squeeze %dma_start3A_125 : memref<1x256xi32, #tpu.memory_space<vmem>> -> memref<256xi32, #tpu.memory_space<vmem>>
        %dma_start3A_127 = arith.constant 0 : i32
        %dma_start3A_128 = arith.constant 0 : i32
        %dma_start3A_129 = tpu.memref_slice %arg10[%dma_start3A_127, %dma_start3A_128] : memref<10112x64xbf16, #tpu.memory_space<vmem_shared>> -> memref<10112x64xbf16, #tpu.memory_space<vmem_shared>>
        tpu.enqueue_indirect_dma source(%dma_start3A_123 : memref<256x64xbf16, #tpu.memory_space<vmem>>) target(%dma_start3A_129 : memref<10112x64xbf16, #tpu.memory_space<vmem_shared>>) offsets(%dma_start3A_126 : memref<256xi32, #tpu.memory_space<vmem>>) semaphore(%arg16 : memref<!tpu.dma_semaphore, #tpu.memory_space<semaphore_mem>>) {add = true}
        %ge3A_130 = arith.constant 1 : i32
        %ge3A_131 = arith.cmpi sge, %while3A_87, %ge3A_130 : i32
        %convert_element_type3A_132 = arith.extui %ge3A_131 : i1 to i32
        %cond3A_133 = arith.constant 0 : i32
        %cond3A_134 = arith.cmpi ne, %convert_element_type3A_132, %cond3A_133 : i32
        scf.if %cond3A_134 {
          %dma_wait3A_140 = arith.constant 0 : i32
          %dma_wait3A_141 = arith.constant 256 : i32
          %dma_wait3A_142 = arith.constant 0 : i32
          %dma_wait3A_143 = tpu.memref_slice %arg9[%dma_wait3A_141, %dma_wait3A_142] : memref<768x64xbf16, #tpu.memory_space<vmem>> -> memref<256x64xbf16, #tpu.memory_space<vmem>>
          %dma_wait3A_144 = arith.constant 0 : i32
          %dma_wait3A_145 = tpu.memref_slice %arg8[%dma_wait3A_140, %dma_wait3A_144] : memref<56x256xi32, #tpu.memory_space<vmem>> -> memref<1x256xi32, #tpu.memory_space<vmem>>
          %dma_wait3A_146 = tpu.memref_squeeze %dma_wait3A_145 : memref<1x256xi32, #tpu.memory_space<vmem>> -> memref<256xi32, #tpu.memory_space<vmem>>
          %dma_wait3A_147 = arith.constant 0 : i32
          %dma_wait3A_148 = arith.constant 0 : i32
          %dma_wait3A_149 = tpu.memref_slice %arg10[%dma_wait3A_147, %dma_wait3A_148] : memref<10112x64xbf16, #tpu.memory_space<vmem_shared>> -> memref<10112x64xbf16, #tpu.memory_space<vmem_shared>>
          tpu.wait_indirect_dma semaphore(%arg15 : memref<!tpu.dma_semaphore, #tpu.memory_space<semaphore_mem>>) src(%dma_wait3A_143 : memref<256x64xbf16, #tpu.memory_space<vmem>>) dst(%dma_wait3A_149 : memref<10112x64xbf16, #tpu.memory_space<vmem_shared>>)
        } else {
        }
        %add3A_135 = arith.constant 2 : i32
        %add3A_136 = arith.addi %while3A_87, %add3A_135 : i32
        %lt3A = arith.cmpi slt, %add3A_136, %select_n3A_26 : i32
        %convert_element_type3A_137 = arith.extui %lt3A : i1 to i32
        %cond3A_138 = arith.constant 0 : i32
        %cond3A_139 = arith.cmpi ne, %convert_element_type3A_137, %cond3A_138 : i32
        scf.if %cond3A_139 {
          %add3A_140 = arith.constant 2 : i32
          %add3A_141 = arith.addi %while3A_87, %add3A_140 : i32
          %mul3A_142 = arith.constant 1 : i32
          %mul3A_143 = arith.muli %add3A_141, %mul3A_142 : i32
          %add3A_144 = arith.constant 0 : i32
          %add3A_145 = arith.addi %mul3A_143, %add3A_144 : i32
          %dma_start3A_146 = arith.constant 256 : i32
          %dma_start3A_147 = arith.constant 0 : i32
          %dma_start3A_148 = tpu.memref_slice %arg9[%dma_start3A_146, %dma_start3A_147] : memref<768x64xbf16, #tpu.memory_space<vmem>> -> memref<256x64xbf16, #tpu.memory_space<vmem>>
          %dma_start3A_149 = arith.constant 0 : i32
          %dma_start3A_150 = tpu.memref_slice %arg7[%add3A_145, %dma_start3A_149] : memref<56x256xi32, #tpu.memory_space<vmem>> -> memref<1x256xi32, #tpu.memory_space<vmem>>
          %dma_start3A_151 = tpu.memref_squeeze %dma_start3A_150 : memref<1x256xi32, #tpu.memory_space<vmem>> -> memref<256xi32, #tpu.memory_space<vmem>>
          %dma_start3A_152 = arith.constant 0 : i32
          %dma_start3A_153 = arith.constant 0 : i32
          %dma_start3A_154 = tpu.memref_slice %arg2[%dma_start3A_152, %dma_start3A_153] : memref<10112x64xbf16, #tpu.memory_space<hbm>> -> memref<10112x64xbf16, #tpu.memory_space<hbm>>
          tpu.enqueue_indirect_dma source(%dma_start3A_154 : memref<10112x64xbf16, #tpu.memory_space<hbm>>) target(%dma_start3A_148 : memref<256x64xbf16, #tpu.memory_space<vmem>>) offsets(%dma_start3A_151 : memref<256xi32, #tpu.memory_space<vmem>>) semaphore(%arg12 : memref<!tpu.dma_semaphore, #tpu.memory_space<semaphore_mem>>)
        } else {
        }
      } else {
      }
    }
    %ge3A_45 = arith.constant 1 : i32
    %ge3A_46 = arith.cmpi sge, %select_n3A_26, %ge3A_45 : i32
    %sub3A_47 = arith.constant 1 : i32
    %sub3A_48 = arith.subi %select_n3A_26, %sub3A_47 : i32
    %rem3A_49 = arith.constant 3 : i32
    %rem3A_50 = arith.remsi %sub3A_48, %rem3A_49 : i32
    %eq3A_51 = arith.constant 0 : i32
    %eq3A_52 = arith.cmpi eq, %rem3A_50, %eq3A_51 : i32
    %and3A_53 = arith.andi %ge3A_46, %eq3A_52 : i1
    %convert_element_type3A_54 = arith.extui %and3A_53 : i1 to i32
    %cond3A_55 = arith.constant 0 : i32
    %cond3A_56 = arith.cmpi ne, %convert_element_type3A_54, %cond3A_55 : i32
    scf.if %cond3A_56 {
      %dma_wait3A = arith.constant 0 : i32
      %dma_wait3A_87 = arith.constant 0 : i32
      %dma_wait3A_88 = arith.constant 0 : i32
      %dma_wait3A_89 = tpu.memref_slice %arg9[%dma_wait3A_87, %dma_wait3A_88] : memref<768x64xbf16, #tpu.memory_space<vmem>> -> memref<256x64xbf16, #tpu.memory_space<vmem>>
      %dma_wait3A_90 = arith.constant 0 : i32
      %dma_wait3A_91 = tpu.memref_slice %arg8[%dma_wait3A, %dma_wait3A_90] : memref<56x256xi32, #tpu.memory_space<vmem>> -> memref<1x256xi32, #tpu.memory_space<vmem>>
      %dma_wait3A_92 = tpu.memref_squeeze %dma_wait3A_91 : memref<1x256xi32, #tpu.memory_space<vmem>> -> memref<256xi32, #tpu.memory_space<vmem>>
      %dma_wait3A_93 = arith.constant 0 : i32
      %dma_wait3A_94 = arith.constant 0 : i32
      %dma_wait3A_95 = tpu.memref_slice %arg10[%dma_wait3A_93, %dma_wait3A_94] : memref<10112x64xbf16, #tpu.memory_space<vmem_shared>> -> memref<10112x64xbf16, #tpu.memory_space<vmem_shared>>
      tpu.wait_indirect_dma semaphore(%arg14 : memref<!tpu.dma_semaphore, #tpu.memory_space<semaphore_mem>>) src(%dma_wait3A_89 : memref<256x64xbf16, #tpu.memory_space<vmem>>) dst(%dma_wait3A_95 : memref<10112x64xbf16, #tpu.memory_space<vmem_shared>>)
    } else {
    }
    %ge3A_57 = arith.constant 1 : i32
    %ge3A_58 = arith.cmpi sge, %select_n3A_26, %ge3A_57 : i32
    %sub3A_59 = arith.constant 1 : i32
    %sub3A_60 = arith.subi %select_n3A_26, %sub3A_59 : i32
    %rem3A_61 = arith.constant 3 : i32
    %rem3A_62 = arith.remsi %sub3A_60, %rem3A_61 : i32
    %eq3A_63 = arith.constant 1 : i32
    %eq3A_64 = arith.cmpi eq, %rem3A_62, %eq3A_63 : i32
    %and3A_65 = arith.andi %ge3A_58, %eq3A_64 : i1
    %convert_element_type3A_66 = arith.extui %and3A_65 : i1 to i32
    %cond3A_67 = arith.constant 0 : i32
    %cond3A_68 = arith.cmpi ne, %convert_element_type3A_66, %cond3A_67 : i32
    scf.if %cond3A_68 {
      %dma_wait3A = arith.constant 0 : i32
      %dma_wait3A_87 = arith.constant 256 : i32
      %dma_wait3A_88 = arith.constant 0 : i32
      %dma_wait3A_89 = tpu.memref_slice %arg9[%dma_wait3A_87, %dma_wait3A_88] : memref<768x64xbf16, #tpu.memory_space<vmem>> -> memref<256x64xbf16, #tpu.memory_space<vmem>>
      %dma_wait3A_90 = arith.constant 0 : i32
      %dma_wait3A_91 = tpu.memref_slice %arg8[%dma_wait3A, %dma_wait3A_90] : memref<56x256xi32, #tpu.memory_space<vmem>> -> memref<1x256xi32, #tpu.memory_space<vmem>>
      %dma_wait3A_92 = tpu.memref_squeeze %dma_wait3A_91 : memref<1x256xi32, #tpu.memory_space<vmem>> -> memref<256xi32, #tpu.memory_space<vmem>>
      %dma_wait3A_93 = arith.constant 0 : i32
      %dma_wait3A_94 = arith.constant 0 : i32
      %dma_wait3A_95 = tpu.memref_slice %arg10[%dma_wait3A_93, %dma_wait3A_94] : memref<10112x64xbf16, #tpu.memory_space<vmem_shared>> -> memref<10112x64xbf16, #tpu.memory_space<vmem_shared>>
      tpu.wait_indirect_dma semaphore(%arg15 : memref<!tpu.dma_semaphore, #tpu.memory_space<semaphore_mem>>) src(%dma_wait3A_89 : memref<256x64xbf16, #tpu.memory_space<vmem>>) dst(%dma_wait3A_95 : memref<10112x64xbf16, #tpu.memory_space<vmem_shared>>)
    } else {
    }
    %ge3A_69 = arith.constant 1 : i32
    %ge3A_70 = arith.cmpi sge, %select_n3A_26, %ge3A_69 : i32
    %sub3A_71 = arith.constant 1 : i32
    %sub3A_72 = arith.subi %select_n3A_26, %sub3A_71 : i32
    %rem3A_73 = arith.constant 3 : i32
    %rem3A_74 = arith.remsi %sub3A_72, %rem3A_73 : i32
    %eq3A_75 = arith.constant 2 : i32
    %eq3A_76 = arith.cmpi eq, %rem3A_74, %eq3A_75 : i32
    %and3A_77 = arith.andi %ge3A_70, %eq3A_76 : i1
    %convert_element_type3A_78 = arith.extui %and3A_77 : i1 to i32
    %cond3A_79 = arith.constant 0 : i32
    %cond3A_80 = arith.cmpi ne, %convert_element_type3A_78, %cond3A_79 : i32
    scf.if %cond3A_80 {
      %dma_wait3A = arith.constant 0 : i32
      %dma_wait3A_87 = arith.constant 512 : i32
      %dma_wait3A_88 = arith.constant 0 : i32
      %dma_wait3A_89 = tpu.memref_slice %arg9[%dma_wait3A_87, %dma_wait3A_88] : memref<768x64xbf16, #tpu.memory_space<vmem>> -> memref<256x64xbf16, #tpu.memory_space<vmem>>
      %dma_wait3A_90 = arith.constant 0 : i32
      %dma_wait3A_91 = tpu.memref_slice %arg8[%dma_wait3A, %dma_wait3A_90] : memref<56x256xi32, #tpu.memory_space<vmem>> -> memref<1x256xi32, #tpu.memory_space<vmem>>
      %dma_wait3A_92 = tpu.memref_squeeze %dma_wait3A_91 : memref<1x256xi32, #tpu.memory_space<vmem>> -> memref<256xi32, #tpu.memory_space<vmem>>
      %dma_wait3A_93 = arith.constant 0 : i32
      %dma_wait3A_94 = arith.constant 0 : i32
      %dma_wait3A_95 = tpu.memref_slice %arg10[%dma_wait3A_93, %dma_wait3A_94] : memref<10112x64xbf16, #tpu.memory_space<vmem_shared>> -> memref<10112x64xbf16, #tpu.memory_space<vmem_shared>>
      tpu.wait_indirect_dma semaphore(%arg16 : memref<!tpu.dma_semaphore, #tpu.memory_space<semaphore_mem>>) src(%dma_wait3A_89 : memref<256x64xbf16, #tpu.memory_space<vmem>>) dst(%dma_wait3A_95 : memref<10112x64xbf16, #tpu.memory_space<vmem_shared>>)
    } else {
    }
    %barrier3A_81 = arith.constant 0 : index
    tpu.barrier barrier_id(%barrier3A_81)
    "tpu.trace_stop"() : () -> ()
    "tpu.trace_start"() <{level = 10 : i32, message = "agg_wb"}> : () -> ()
    %mul3A_82 = arith.constant 632 : i32
    %mul3A_83 = arith.muli %arg1, %mul3A_82 : i32
    "tpu.region"() ({
      %run_scoped3A = tpu.sem_alloc : memref<!tpu.dma_semaphore, #tpu.memory_space<semaphore_mem>>
      %dma_start3A = arith.constant 0 : i32
      %dma_start3A_87 = arith.constant 0 : i32
      %dma_start3A_88 = tpu.memref_slice %arg9[%dma_start3A, %dma_start3A_87] : memref<768x64xbf16, #tpu.memory_space<vmem>> -> memref<632x64xbf16, #tpu.memory_space<vmem>>
      %dma_start3A_89 = arith.constant 0 : i32
      %dma_start3A_90 = tpu.memref_slice %arg10[%mul3A_83, %dma_start3A_89] : memref<10112x64xbf16, #tpu.memory_space<vmem_shared>> -> memref<632x64xbf16, #tpu.memory_space<vmem_shared>>
      %dma_start3A_91 = arith.constant 0 : i32
      %dma_start3A_92 = arith.constant 0 : i32
      %dma_start3A_93 = tpu.memref_slice %arg9[%dma_start3A_91, %dma_start3A_92] : memref<768x64xbf16, #tpu.memory_space<vmem>> -> memref<632x64xbf16, #tpu.memory_space<vmem>>
      %dma_start3A_94 = arith.constant 0 : i32
      %dma_start3A_95 = tpu.memref_slice %arg10[%mul3A_83, %dma_start3A_94] : memref<10112x64xbf16, #tpu.memory_space<vmem_shared>> -> memref<632x64xbf16, #tpu.memory_space<vmem_shared>>
      tpu.enqueue_dma source(%dma_start3A_95 : memref<632x64xbf16, #tpu.memory_space<vmem_shared>>) target(%dma_start3A_93 : memref<632x64xbf16, #tpu.memory_space<vmem>>) target_semaphore(%run_scoped3A : memref<!tpu.dma_semaphore, #tpu.memory_space<semaphore_mem>>)
      %dma_wait3A = arith.constant 0 : i32
      %dma_wait3A_96 = arith.constant 0 : i32
      %dma_wait3A_97 = tpu.memref_slice %arg9[%dma_wait3A, %dma_wait3A_96] : memref<768x64xbf16, #tpu.memory_space<vmem>> -> memref<632x64xbf16, #tpu.memory_space<vmem>>
      %dma_wait3A_98 = arith.constant 0 : i32
      %dma_wait3A_99 = tpu.memref_slice %arg10[%mul3A_83, %dma_wait3A_98] : memref<10112x64xbf16, #tpu.memory_space<vmem_shared>> -> memref<632x64xbf16, #tpu.memory_space<vmem_shared>>
      %dma_wait3A_100 = arith.constant 0 : i32
      %dma_wait3A_101 = arith.constant 0 : i32
      %dma_wait3A_102 = tpu.memref_slice %arg9[%dma_wait3A_100, %dma_wait3A_101] : memref<768x64xbf16, #tpu.memory_space<vmem>> -> memref<632x64xbf16, #tpu.memory_space<vmem>>
      %dma_wait3A_103 = arith.constant 0 : i32
      %dma_wait3A_104 = tpu.memref_slice %arg10[%mul3A_83, %dma_wait3A_103] : memref<10112x64xbf16, #tpu.memory_space<vmem_shared>> -> memref<632x64xbf16, #tpu.memory_space<vmem_shared>>
      tpu.wait_dma2 semaphore(%run_scoped3A : memref<!tpu.dma_semaphore, #tpu.memory_space<semaphore_mem>>) src(%dma_wait3A_104 : memref<632x64xbf16, #tpu.memory_space<vmem_shared>>) dst(%dma_wait3A_102 : memref<632x64xbf16, #tpu.memory_space<vmem>>)
      tpu.yield
    }) : () -> ()
    %mul3A_84 = arith.constant 10112 : i32
    %mul3A_85 = arith.muli %arg0, %mul3A_84 : i32
    %add3A_86 = arith.addi %mul3A_85, %mul3A_83 : i32
    "tpu.region"() ({
      %run_scoped3A = tpu.sem_alloc : memref<!tpu.dma_semaphore, #tpu.memory_space<semaphore_mem>>
      %dma_start3A = arith.constant 0 : i32
      %dma_start3A_87 = arith.constant 0 : i32
      %dma_start3A_88 = tpu.memref_slice %arg9[%dma_start3A, %dma_start3A_87] : memref<768x64xbf16, #tpu.memory_space<vmem>> -> memref<632x64xbf16, #tpu.memory_space<vmem>>
      %dma_start3A_89 = arith.constant 0 : i32
      %dma_start3A_90 = tpu.memref_slice %arg6[%add3A_86, %dma_start3A_89] : memref<20224x64xbf16, #tpu.memory_space<hbm>> -> memref<632x64xbf16, #tpu.memory_space<hbm>>
      %dma_start3A_91 = arith.constant 0 : i32
      %dma_start3A_92 = tpu.memref_slice %arg6[%add3A_86, %dma_start3A_91] : memref<20224x64xbf16, #tpu.memory_space<hbm>> -> memref<632x64xbf16, #tpu.memory_space<hbm>>
      %dma_start3A_93 = arith.constant 0 : i32
      %dma_start3A_94 = arith.constant 0 : i32
      %dma_start3A_95 = tpu.memref_slice %arg9[%dma_start3A_93, %dma_start3A_94] : memref<768x64xbf16, #tpu.memory_space<vmem>> -> memref<632x64xbf16, #tpu.memory_space<vmem>>
      tpu.enqueue_dma source(%dma_start3A_95 : memref<632x64xbf16, #tpu.memory_space<vmem>>) target(%dma_start3A_92 : memref<632x64xbf16, #tpu.memory_space<hbm>>) target_semaphore(%run_scoped3A : memref<!tpu.dma_semaphore, #tpu.memory_space<semaphore_mem>>)
      %dma_wait3A = arith.constant 0 : i32
      %dma_wait3A_96 = arith.constant 0 : i32
      %dma_wait3A_97 = tpu.memref_slice %arg9[%dma_wait3A, %dma_wait3A_96] : memref<768x64xbf16, #tpu.memory_space<vmem>> -> memref<632x64xbf16, #tpu.memory_space<vmem>>
      %dma_wait3A_98 = arith.constant 0 : i32
      %dma_wait3A_99 = tpu.memref_slice %arg6[%add3A_86, %dma_wait3A_98] : memref<20224x64xbf16, #tpu.memory_space<hbm>> -> memref<632x64xbf16, #tpu.memory_space<hbm>>
      %dma_wait3A_100 = arith.constant 0 : i32
      %dma_wait3A_101 = tpu.memref_slice %arg6[%add3A_86, %dma_wait3A_100] : memref<20224x64xbf16, #tpu.memory_space<hbm>> -> memref<632x64xbf16, #tpu.memory_space<hbm>>
      %dma_wait3A_102 = arith.constant 0 : i32
      %dma_wait3A_103 = arith.constant 0 : i32
      %dma_wait3A_104 = tpu.memref_slice %arg9[%dma_wait3A_102, %dma_wait3A_103] : memref<768x64xbf16, #tpu.memory_space<vmem>> -> memref<632x64xbf16, #tpu.memory_space<vmem>>
      tpu.wait_dma2 semaphore(%run_scoped3A : memref<!tpu.dma_semaphore, #tpu.memory_space<semaphore_mem>>) src(%dma_wait3A_104 : memref<632x64xbf16, #tpu.memory_space<vmem>>) dst(%dma_wait3A_101 : memref<632x64xbf16, #tpu.memory_space<hbm>>)
      tpu.yield
    }) : () -> ()
    "tpu.trace_stop"() : () -> ()
    return
  }
}

module attributes {stable_mosaic.version = 14 : i64} {
  func.func @_tc1_body(%arg0: i32, %arg1: memref<1000x128xf32, #tpu.memory_space<vmem>>, %arg2: memref<128x64xf32, #tpu.memory_space<vmem>>, %arg3: memref<1000x8xf32, #tpu.memory_space<vmem>>, %arg4: memref<1000x8xf32, #tpu.memory_space<vmem>>, %arg5: memref<1000x64xf32, #tpu.memory_space<vmem>>, %arg6: memref<1000x1xf32, #tpu.memory_space<vmem>>) attributes {dimension_semantics = [#tpu.dimension_semantics<arbitrary>], iteration_bounds = array<i64: 10>, scalar_prefetch = 0 : i64, scratch_operands = 0 : i64, tpu.core_type = #tpu.core_type<tc>, window_params = [{transform_indices = @transform_0, window_bounds = array<i64: 1000, 128>}, {pipeline_mode = #tpu.pipeline_mode<synchronous>, transform_indices = @transform_1, window_bounds = array<i64: 128, 64>}, {transform_indices = @transform_2, window_bounds = array<i64: 1000, 8>}, {transform_indices = @transform_3, window_bounds = array<i64: 1000, 8>}, {transform_indices = @transform_4, window_bounds = array<i64: 1000, 64>}, {transform_indices = @transform_5, window_bounds = array<i64: 1000, 1>}]} {
    %get3A = arith.constant 0 : index
    %get3A_0 = arith.constant 0 : index
    %get3A_1 = vector.load %arg3[%get3A, %get3A_0] : memref<1000x8xf32, #tpu.memory_space<vmem>>, vector<1000x1xf32>
    %get3A_2 = arith.constant 0 : index
    %get3A_3 = arith.constant 0 : index
    %get3A_4 = vector.load %arg4[%get3A_2, %get3A_3] : memref<1000x8xf32, #tpu.memory_space<vmem>>, vector<1000x1xf32>
    %add3A = arith.addf %get3A_1, %get3A_4 : vector<1000x1xf32>
    %add3A_5 = arith.constant 1.000000e+00 : f32
    %add3A_6 = vector.broadcast %add3A_5 : f32 to vector<1000x1xf32>
    %add3A_7 = arith.addf %add3A, %add3A_6 : vector<1000x1xf32>
    %rsqrt3A = math.rsqrt %add3A_7 : vector<1000x1xf32>
    %get3A_8 = arith.constant 0 : index
    %get3A_9 = arith.constant 0 : index
    %get3A_10 = vector.load %arg1[%get3A_8, %get3A_9] : memref<1000x128xf32, #tpu.memory_space<vmem>>, vector<1000x128xf32>
    %get3A_11 = arith.constant 0 : index
    %get3A_12 = arith.constant 0 : index
    %get3A_13 = vector.load %arg2[%get3A_11, %get3A_12] : memref<128x64xf32, #tpu.memory_space<vmem>>, vector<128x64xf32>
    %dot_general3A = arith.constant dense<0.000000e+00> : vector<1000x64xf32>
    %dot_general3A_14 = tpu.matmul %get3A_10, %get3A_13, %dot_general3A {dimension_numbers = #tpu.dot_dimension_numbers<[1], [0], [0], [1], [0, 0, 1, 1], [], []>, transpose_lhs_hint = false} : vector<1000x128xf32>, vector<128x64xf32>, vector<1000x64xf32> -> vector<1000x64xf32>
    %mul3A = vector.broadcast %rsqrt3A : vector<1000x1xf32> to vector<1000x64xf32>
    %mul3A_15 = arith.mulf %dot_general3A_14, %mul3A : vector<1000x64xf32>
    %swap3A = arith.constant 0 : index
    %swap3A_16 = arith.constant 0 : index
    %swap3A_17 = vector.load %arg5[%swap3A, %swap3A_16] : memref<1000x64xf32, #tpu.memory_space<vmem>>, vector<1000x64xf32>
    tpu.vector_store %arg5[%swap3A, %swap3A_16], %mul3A_15 {strides = array<i32>} : memref<1000x64xf32, #tpu.memory_space<vmem>>, vector<1000x64xf32>,
    %swap3A_18 = arith.constant 0 : index
    %swap3A_19 = arith.constant 0 : index
    %swap3A_20 = vector.load %arg6[%swap3A_18, %swap3A_19] : memref<1000x1xf32, #tpu.memory_space<vmem>>, vector<1000x1xf32>
    tpu.vector_store %arg6[%swap3A_18, %swap3A_19], %rsqrt3A {strides = array<i32>} : memref<1000x1xf32, #tpu.memory_space<vmem>>, vector<1000x1xf32>,
    return
  }
  func.func @transform_0(%arg0: i32) -> (i32, i32) {
    %c0_i32 = arith.constant 0 : i32
    %c0_i32_0 = arith.constant 0 : i32
    return %arg0, %c0_i32 : i32, i32
  }
  func.func @transform_1(%arg0: i32) -> (i32, i32) {
    %c0_i32 = arith.constant 0 : i32
    %c0_i32_0 = arith.constant 0 : i32
    %c0_i32_1 = arith.constant 0 : i32
    return %c0_i32, %c0_i32_0 : i32, i32
  }
  func.func @transform_2(%arg0: i32) -> (i32, i32) {
    %c0_i32 = arith.constant 0 : i32
    %c0_i32_0 = arith.constant 0 : i32
    return %arg0, %c0_i32 : i32, i32
  }
  func.func @transform_3(%arg0: i32) -> (i32, i32) {
    %c0_i32 = arith.constant 0 : i32
    %c0_i32_0 = arith.constant 0 : i32
    return %arg0, %c0_i32 : i32, i32
  }
  func.func @transform_4(%arg0: i32) -> (i32, i32) {
    %c0_i32 = arith.constant 0 : i32
    %c0_i32_0 = arith.constant 0 : i32
    return %arg0, %c0_i32 : i32, i32
  }
  func.func @transform_5(%arg0: i32) -> (i32, i32) {
    %c0_i32 = arith.constant 0 : i32
    %c0_i32_0 = arith.constant 0 : i32
    return %arg0, %c0_i32 : i32, i32
  }
}

module attributes {stable_mosaic.version = 14 : i64} {
  func.func @_tc2_body(%arg0: i32, %arg1: memref<1000x64xf32, #tpu.memory_space<vmem>>, %arg2: memref<1000x64xf32, #tpu.memory_space<vmem>>, %arg3: memref<1000x64xf32, #tpu.memory_space<vmem>>, %arg4: memref<1000x1xf32, #tpu.memory_space<vmem>>, %arg5: memref<1x64xf32, #tpu.memory_space<vmem>>, %arg6: memref<64x32xf32, #tpu.memory_space<vmem>>, %arg7: memref<1000x32xf32, #tpu.memory_space<vmem>>) attributes {dimension_semantics = [#tpu.dimension_semantics<arbitrary>], iteration_bounds = array<i64: 10>, scalar_prefetch = 0 : i64, scratch_operands = 0 : i64, tpu.core_type = #tpu.core_type<tc>, window_params = [{transform_indices = @transform_0, window_bounds = array<i64: 1000, 64>}, {transform_indices = @transform_1, window_bounds = array<i64: 1000, 64>}, {transform_indices = @transform_2, window_bounds = array<i64: 1000, 64>}, {transform_indices = @transform_3, window_bounds = array<i64: 1000, 1>}, {pipeline_mode = #tpu.pipeline_mode<synchronous>, transform_indices = @transform_4, window_bounds = array<i64: 1, 64>}, {pipeline_mode = #tpu.pipeline_mode<synchronous>, transform_indices = @transform_5, window_bounds = array<i64: 64, 32>}, {transform_indices = @transform_6, window_bounds = array<i64: 1000, 32>}]} {
    %get3A = arith.constant 0 : index
    %get3A_0 = arith.constant 0 : index
    %get3A_1 = vector.load %arg1[%get3A, %get3A_0] : memref<1000x64xf32, #tpu.memory_space<vmem>>, vector<1000x64xf32>
    %get3A_2 = arith.constant 0 : index
    %get3A_3 = arith.constant 0 : index
    %get3A_4 = vector.load %arg2[%get3A_2, %get3A_3] : memref<1000x64xf32, #tpu.memory_space<vmem>>, vector<1000x64xf32>
    %add3A = arith.addf %get3A_1, %get3A_4 : vector<1000x64xf32>
    %get3A_5 = arith.constant 0 : index
    %get3A_6 = arith.constant 0 : index
    %get3A_7 = vector.load %arg3[%get3A_5, %get3A_6] : memref<1000x64xf32, #tpu.memory_space<vmem>>, vector<1000x64xf32>
    %add3A_8 = arith.addf %add3A, %get3A_7 : vector<1000x64xf32>
    %get3A_9 = arith.constant 0 : index
    %get3A_10 = arith.constant 0 : index
    %get3A_11 = vector.load %arg4[%get3A_9, %get3A_10] : memref<1000x1xf32, #tpu.memory_space<vmem>>, vector<1000x1xf32>
    %mul3A = vector.broadcast %get3A_11 : vector<1000x1xf32> to vector<1000x64xf32>
    %mul3A_12 = arith.mulf %add3A_8, %mul3A : vector<1000x64xf32>
    %get3A_13 = arith.constant 0 : index
    %get3A_14 = arith.constant 0 : index
    %get3A_15 = vector.load %arg5[%get3A_13, %get3A_14] : memref<1x64xf32, #tpu.memory_space<vmem>>, vector<1x64xf32>
    %add3A_16 = vector.broadcast %get3A_15 : vector<1x64xf32> to vector<1000x64xf32>
    %add3A_17 = arith.addf %mul3A_12, %add3A_16 : vector<1000x64xf32>
    %max3A = arith.constant 0.000000e+00 : f32
    %max3A_18 = vector.broadcast %max3A : f32 to vector<1000x64xf32>
    %max3A_19 = arith.maximumf %add3A_17, %max3A_18 : vector<1000x64xf32>
    %get3A_20 = arith.constant 0 : index
    %get3A_21 = arith.constant 0 : index
    %get3A_22 = vector.load %arg6[%get3A_20, %get3A_21] : memref<64x32xf32, #tpu.memory_space<vmem>>, vector<64x32xf32>
    %dot_general3A = arith.constant dense<0.000000e+00> : vector<1000x32xf32>
    %dot_general3A_23 = tpu.matmul %max3A_19, %get3A_22, %dot_general3A {dimension_numbers = #tpu.dot_dimension_numbers<[1], [0], [0], [1], [0, 0, 1, 1], [], []>, transpose_lhs_hint = false} : vector<1000x64xf32>, vector<64x32xf32>, vector<1000x32xf32> -> vector<1000x32xf32>
    %mul3A_24 = vector.broadcast %get3A_11 : vector<1000x1xf32> to vector<1000x32xf32>
    %mul3A_25 = arith.mulf %dot_general3A_23, %mul3A_24 : vector<1000x32xf32>
    %swap3A = arith.constant 0 : index
    %swap3A_26 = arith.constant 0 : index
    %swap3A_27 = vector.load %arg7[%swap3A, %swap3A_26] : memref<1000x32xf32, #tpu.memory_space<vmem>>, vector<1000x32xf32>
    tpu.vector_store %arg7[%swap3A, %swap3A_26], %mul3A_25 {strides = array<i32>} : memref<1000x32xf32, #tpu.memory_space<vmem>>, vector<1000x32xf32>,
    return
  }
  func.func @transform_0(%arg0: i32) -> (i32, i32) {
    %c0_i32 = arith.constant 0 : i32
    %c0_i32_0 = arith.constant 0 : i32
    return %arg0, %c0_i32 : i32, i32
  }
  func.func @transform_1(%arg0: i32) -> (i32, i32) {
    %c0_i32 = arith.constant 0 : i32
    %c0_i32_0 = arith.constant 0 : i32
    return %arg0, %c0_i32 : i32, i32
  }
  func.func @transform_2(%arg0: i32) -> (i32, i32) {
    %c0_i32 = arith.constant 0 : i32
    %c0_i32_0 = arith.constant 0 : i32
    return %arg0, %c0_i32 : i32, i32
  }
  func.func @transform_3(%arg0: i32) -> (i32, i32) {
    %c0_i32 = arith.constant 0 : i32
    %c0_i32_0 = arith.constant 0 : i32
    return %arg0, %c0_i32 : i32, i32
  }
  func.func @transform_4(%arg0: i32) -> (i32, i32) {
    %c0_i32 = arith.constant 0 : i32
    %c0_i32_0 = arith.constant 0 : i32
    %c0_i32_1 = arith.constant 0 : i32
    return %c0_i32, %c0_i32_0 : i32, i32
  }
  func.func @transform_5(%arg0: i32) -> (i32, i32) {
    %c0_i32 = arith.constant 0 : i32
    %c0_i32_0 = arith.constant 0 : i32
    %c0_i32_1 = arith.constant 0 : i32
    return %c0_i32, %c0_i32_0 : i32, i32
  }
  func.func @transform_6(%arg0: i32) -> (i32, i32) {
    %c0_i32 = arith.constant 0 : i32
    %c0_i32_0 = arith.constant 0 : i32
    return %arg0, %c0_i32 : i32, i32
  }
}

module attributes {stable_mosaic.version = 14 : i64} {
  func.func @_tc3_body(%arg0: i32, %arg1: memref<1000x32xf32, #tpu.memory_space<vmem>>, %arg2: memref<1000x32xf32, #tpu.memory_space<vmem>>, %arg3: memref<1000x32xf32, #tpu.memory_space<vmem>>, %arg4: memref<1000x1xf32, #tpu.memory_space<vmem>>, %arg5: memref<1x32xf32, #tpu.memory_space<vmem>>, %arg6: memref<32x10xf32, #tpu.memory_space<vmem>>, %arg7: memref<1x10xf32, #tpu.memory_space<vmem>>, %arg8: memref<1000x10xf32, #tpu.memory_space<vmem>>) attributes {dimension_semantics = [#tpu.dimension_semantics<arbitrary>], iteration_bounds = array<i64: 10>, scalar_prefetch = 0 : i64, scratch_operands = 0 : i64, tpu.core_type = #tpu.core_type<tc>, window_params = [{transform_indices = @transform_0, window_bounds = array<i64: 1000, 32>}, {transform_indices = @transform_1, window_bounds = array<i64: 1000, 32>}, {transform_indices = @transform_2, window_bounds = array<i64: 1000, 32>}, {transform_indices = @transform_3, window_bounds = array<i64: 1000, 1>}, {pipeline_mode = #tpu.pipeline_mode<synchronous>, transform_indices = @transform_4, window_bounds = array<i64: 1, 32>}, {pipeline_mode = #tpu.pipeline_mode<synchronous>, transform_indices = @transform_5, window_bounds = array<i64: 32, 10>}, {pipeline_mode = #tpu.pipeline_mode<synchronous>, transform_indices = @transform_6, window_bounds = array<i64: 1, 10>}, {transform_indices = @transform_7, window_bounds = array<i64: 1000, 10>}]} {
    %get3A = arith.constant 0 : index
    %get3A_0 = arith.constant 0 : index
    %get3A_1 = vector.load %arg1[%get3A, %get3A_0] : memref<1000x32xf32, #tpu.memory_space<vmem>>, vector<1000x32xf32>
    %get3A_2 = arith.constant 0 : index
    %get3A_3 = arith.constant 0 : index
    %get3A_4 = vector.load %arg2[%get3A_2, %get3A_3] : memref<1000x32xf32, #tpu.memory_space<vmem>>, vector<1000x32xf32>
    %add3A = arith.addf %get3A_1, %get3A_4 : vector<1000x32xf32>
    %get3A_5 = arith.constant 0 : index
    %get3A_6 = arith.constant 0 : index
    %get3A_7 = vector.load %arg3[%get3A_5, %get3A_6] : memref<1000x32xf32, #tpu.memory_space<vmem>>, vector<1000x32xf32>
    %add3A_8 = arith.addf %add3A, %get3A_7 : vector<1000x32xf32>
    %get3A_9 = arith.constant 0 : index
    %get3A_10 = arith.constant 0 : index
    %get3A_11 = vector.load %arg4[%get3A_9, %get3A_10] : memref<1000x1xf32, #tpu.memory_space<vmem>>, vector<1000x1xf32>
    %mul3A = vector.broadcast %get3A_11 : vector<1000x1xf32> to vector<1000x32xf32>
    %mul3A_12 = arith.mulf %add3A_8, %mul3A : vector<1000x32xf32>
    %get3A_13 = arith.constant 0 : index
    %get3A_14 = arith.constant 0 : index
    %get3A_15 = vector.load %arg5[%get3A_13, %get3A_14] : memref<1x32xf32, #tpu.memory_space<vmem>>, vector<1x32xf32>
    %add3A_16 = vector.broadcast %get3A_15 : vector<1x32xf32> to vector<1000x32xf32>
    %add3A_17 = arith.addf %mul3A_12, %add3A_16 : vector<1000x32xf32>
    %max3A = arith.constant 0.000000e+00 : f32
    %max3A_18 = vector.broadcast %max3A : f32 to vector<1000x32xf32>
    %max3A_19 = arith.maximumf %add3A_17, %max3A_18 : vector<1000x32xf32>
    %get3A_20 = arith.constant 0 : index
    %get3A_21 = arith.constant 0 : index
    %get3A_22 = vector.load %arg6[%get3A_20, %get3A_21] : memref<32x10xf32, #tpu.memory_space<vmem>>, vector<32x10xf32>
    %dot_general3A = arith.constant dense<0.000000e+00> : vector<1000x10xf32>
    %dot_general3A_23 = tpu.matmul %max3A_19, %get3A_22, %dot_general3A {dimension_numbers = #tpu.dot_dimension_numbers<[1], [0], [0], [1], [0, 0, 1, 1], [], []>, transpose_lhs_hint = false} : vector<1000x32xf32>, vector<32x10xf32>, vector<1000x10xf32> -> vector<1000x10xf32>
    %get3A_24 = arith.constant 0 : index
    %get3A_25 = arith.constant 0 : index
    %get3A_26 = vector.load %arg7[%get3A_24, %get3A_25] : memref<1x10xf32, #tpu.memory_space<vmem>>, vector<1x10xf32>
    %add3A_27 = vector.broadcast %get3A_26 : vector<1x10xf32> to vector<1000x10xf32>
    %add3A_28 = arith.addf %dot_general3A_23, %add3A_27 : vector<1000x10xf32>
    %reduce_max3A = arith.constant dense<0xFF800000> : vector<1000xf32>
    %reduce_max3A_29 = vector.multi_reduction <maximumf>, %add3A_28, %reduce_max3A [1] : vector<1000x10xf32> to vector<1000xf32>
    %broadcast_in_dim3A = vector.shape_cast %reduce_max3A_29 : vector<1000xf32> to vector<1000x1xf32>
    %sub3A = vector.broadcast %broadcast_in_dim3A : vector<1000x1xf32> to vector<1000x10xf32>
    %sub3A_30 = arith.subf %add3A_28, %sub3A : vector<1000x10xf32>
    %exp3A = math.exp %sub3A_30 : vector<1000x10xf32>
    %reduce_sum3A = arith.constant dense<0.000000e+00> : vector<1000xf32>
    %reduce_sum3A_31 = vector.multi_reduction <add>, %exp3A, %reduce_sum3A [1] : vector<1000x10xf32> to vector<1000xf32>
    %broadcast_in_dim3A_32 = vector.shape_cast %reduce_sum3A_31 : vector<1000xf32> to vector<1000x1xf32>
    %log3A = math.log %broadcast_in_dim3A_32 : vector<1000x1xf32>
    %add3A_33 = arith.addf %log3A, %broadcast_in_dim3A : vector<1000x1xf32>
    %sub3A_34 = vector.broadcast %add3A_33 : vector<1000x1xf32> to vector<1000x10xf32>
    %sub3A_35 = arith.subf %add3A_28, %sub3A_34 : vector<1000x10xf32>
    %swap3A = arith.constant 0 : index
    %swap3A_36 = arith.constant 0 : index
    %swap3A_37 = vector.load %arg8[%swap3A, %swap3A_36] : memref<1000x10xf32, #tpu.memory_space<vmem>>, vector<1000x10xf32>
    tpu.vector_store %arg8[%swap3A, %swap3A_36], %sub3A_35 {strides = array<i32>} : memref<1000x10xf32, #tpu.memory_space<vmem>>, vector<1000x10xf32>,
    return
  }
  func.func @transform_0(%arg0: i32) -> (i32, i32) {
    %c0_i32 = arith.constant 0 : i32
    %c0_i32_0 = arith.constant 0 : i32
    return %arg0, %c0_i32 : i32, i32
  }
  func.func @transform_1(%arg0: i32) -> (i32, i32) {
    %c0_i32 = arith.constant 0 : i32
    %c0_i32_0 = arith.constant 0 : i32
    return %arg0, %c0_i32 : i32, i32
  }
  func.func @transform_2(%arg0: i32) -> (i32, i32) {
    %c0_i32 = arith.constant 0 : i32
    %c0_i32_0 = arith.constant 0 : i32
    return %arg0, %c0_i32 : i32, i32
  }
  func.func @transform_3(%arg0: i32) -> (i32, i32) {
    %c0_i32 = arith.constant 0 : i32
    %c0_i32_0 = arith.constant 0 : i32
    return %arg0, %c0_i32 : i32, i32
  }
  func.func @transform_4(%arg0: i32) -> (i32, i32) {
    %c0_i32 = arith.constant 0 : i32
    %c0_i32_0 = arith.constant 0 : i32
    %c0_i32_1 = arith.constant 0 : i32
    return %c0_i32, %c0_i32_0 : i32, i32
  }
  func.func @transform_5(%arg0: i32) -> (i32, i32) {
    %c0_i32 = arith.constant 0 : i32
    %c0_i32_0 = arith.constant 0 : i32
    %c0_i32_1 = arith.constant 0 : i32
    return %c0_i32, %c0_i32_0 : i32, i32
  }
  func.func @transform_6(%arg0: i32) -> (i32, i32) {
    %c0_i32 = arith.constant 0 : i32
    %c0_i32_0 = arith.constant 0 : i32
    %c0_i32_1 = arith.constant 0 : i32
    return %c0_i32, %c0_i32_0 : i32, i32
  }
  func.func @transform_7(%arg0: i32) -> (i32, i32) {
    %c0_i32 = arith.constant 0 : i32
    %c0_i32_0 = arith.constant 0 : i32
    return %arg0, %c0_i32 : i32, i32
  }
}

</mosaic_0001>

<sc_bundles>
// kernel: kernel.11.cloned.1.call-start
scs
__scs_entry_jumppad:
0x0: {  	(pc) =	sbr.rel $0x88, $3  }
0x1: {  	(tag) =	ssettag $0x0;
	lr =	simm.s32 $0x1  }
0x2: {  	[smem:$0x3F99] =	sst lr;
	_ =	strace $0xD0000000  }
0x3: {  	_ = 	snop  }
0x4: {  	_ = 	snop  }
0x5: {  	_ = 	snop  }
0x6: {  	_ = 	snop  }
0x7: {  	_ = 	snop  }
__scs_overlays_trampoline_lowered:
0x8: {  	[smem:$0x3FA8] =	sst s0  }
0x9: {  	[smem:$0x3FA9] =	sst s1  }
0xa: {  	[smem:$0x3FAA] =	sst s2  }
0xb: {  	[smem:$0x3FAB] =	sst s3  }
0xc: {  	[smem:$0x3FAC] =	sst s4  }
0xd: {  	[smem:$0x3FAD] =	sst s5  }
0xe: {  	[smem:$0x3FAE] =	sst s6  }
0xf: {  	[smem:$0x3FAF] =	sst s7  }
0x10: {  	[smem:$0x3FB0] =	sst s8  }
0x11: {  	[smem:$0x3FB1] =	sst s9;
	s0 =	simm.s32 @!p0 $0x0  }
0x12: {  	s1 =	sld [smem:$0x3F97];
	s0 =	simm.s32 @p0 $0x1  }
0x13: {  	[smem:$0x3FB2] =	sst s0;
	s0 =	simm.s32 @!p1 $0x0  }
0x14: {  	s2 =	sld [smem:$0x3F96];
	s0 =	simm.s32 @p1 $0x1  }
0x15: {  	[smem:$0x3FB3] =	sst s0;
	s0 =	simm.s32 @!p2 $0x0  }
0x16: {  	s3 =	sld [smem:$0x3FDB];
	s0 =	simm.s32 @p2 $0x1  }
0x17: {  	s4 =	simm.s32 $0x1BF5;
	[smem:$0x3FB5] =	sst s0  }
0x18: {  	s0 =	sld [smem:$0x3F98];
	_ =	swait.ge [sflag:s4], $0x0  }
0x19: {  	s7 =	sld [smem:$0x3F99]  }
0x1a: {  	s8 =	sadd.s32 $0xFFFFE003, lr  }
0x1b: {  	s9 =	sadd.s32 $0xFFFFFEF7, lr;
	s5 =	simm.s32 $0xFFFFFFFF;
	p2 =	slt.u32 s8, $0xFFFFF086  }
0x1c: {  	p1 =	slt.u32 s9, $0xF7A;
	s5 =	simm.s32 @!p2 $0x0  }
0x1d: {  	s5 =	simm.s32 @p1 $0x1;
	p0 =	seq.s32 s7, s2  }
0x1e: {  	s7 =	smul.u32 @!p0 $0xF7A, s2;
	p2 =	seq.s32 @!p0 s5, $0x0  }
0x1f: {  	s9 =	smul.u32 $0xF7A, s1;
	s8 =	simm.s32 @!p0 $0x1BF5;
	p2 =	por !p2, p0  }
0x20: {  	[sflag:s8] =	ssyncset.s32 @!p0 $0xFFFFF086;
	s6 =	sadd.s32 @!p0 s3, s7;
	s7 =	simm.s32 @!p0 $0x108  }
0x21: {  	s3 =	sadd.s32 s3, s9;
	s6 =	sadd.s32 @!p0 $0x88, s6;
	s7 =	simm.s32 @p2 $0x1082  }
0x22: {  	[simem:s7], [sflag:s8] =	dma.local @!p0 [hbm:s6], $0xF7A  }
0x23: {  	s9 =	sor.u32 $0xD0000000, s2;
	s6 =	simm.s32 $0x108;
	_ =	swait.ge @!p0 [sflag:s8], $0x0  }
0x24: {  	s3 =	sadd.s32 $0x88, s3;
	s6 =	simm.s32 @!p1 $0x1082;
	[sflag:s4] =	ssyncset.s32 $0xFFFFF086  }
0x25: {  	[simem:s6], [sflag:s4] =	dma.local [hbm:s3], $0xF7A  }
0x26: {  	[smem:$0x3F99] =	sst s1;
	(tag) =	ssettag s2;
	_ =	strace s9  }
0x27: {  	s1 =	sld [smem:$0x3FA9]  }
0x28: {  	s2 =	sld [smem:$0x3FAA]  }
0x29: {  	s4 =	sld [smem:$0x3FAC]  }
0x2a: {  	p0 =	seq.s32 s5, $0x0;
	s5 =	sld [smem:$0x3FAD]  }
0x2b: {  	s6 =	sld [smem:$0x3FAE]  }
0x2c: {  	s7 =	sld [smem:$0x3FAF]  }
0x2d: {  	s3 =	simm.s32 $0x108;
	s8 =	sld [smem:$0x3FB0]  }
0x2e: {  	s3 =	simm.s32 @!p0 $0x1082;
	s9 =	sld [smem:$0x3FB1]  }
0x2f: {  	lr =	sadd.s32 s0, s3;
	s0 =	sld [smem:$0x3FA8]  }
0x30: {  	s3 =	sld [smem:$0x3FAB]  }
0x31: {  	[smem:$0x3FB4] =	sst s10  }
0x32: {  	s10 =	sld [smem:$0x3FB2];
	_ =	sdelay $0x3  }
0x33: {  	p0 =	seq.s32 s10, $0x1;
	s10 =	sld [smem:$0x3FB4];
	_ =	sdelay $0x3  }
0x34: {  	[smem:$0x3FB4] =	sst s10  }
0x35: {  	s10 =	sld [smem:$0x3FB3];
	_ =	sdelay $0x3  }
0x36: {  	p1 =	seq.s32 s10, $0x1;
	s10 =	sld [smem:$0x3FB4];
	_ =	sdelay $0x3  }
0x37: {  	[smem:$0x3FB4] =	sst s10  }
0x38: {  	s10 =	sld [smem:$0x3FB5]  }
0x39: {  	_ = 	snop;
	(pc) =	sbr.ind lr, $3  }
0x3a: {  	_ = 	snop  }
0x3b: {  	_ = 	snop  }
0x3c: {  	p2 =	seq.s32 s10, $0x1;
	s10 =	sld [smem:$0x3FB4]  }
0x3d: {  	_ =	shalt  }
0x3e: {  	_ =	shalt  }
0x3f: {  	_ =	shalt  }
0x40: {  	_ =	shalt  }
0x41: {  	_ =	shalt  }
0x42: {  	_ =	shalt  }
0x43: {  	_ =	shalt  }
0x44: {  	_ =	shalt  }
0x45: {  	_ =	shalt  }
0x46: {  	_ =	shalt  }
0x47: {  	_ =	shalt  }
0x48: {  	_ =	shalt  }
0x49: {  	_ =	shalt  }
0x4a: {  	_ =	shalt  }
0x4b: {  	_ =	shalt  }
0x4c: {  	_ =	shalt  }
0x4d: {  	_ =	shalt  }
0x4e: {  	_ =	shalt  }
0x4f: {  	_ =	shalt  }
0x50: {  	_ =	shalt  }
0x51: {  	_ =	shalt  }
0x52: {  	_ =	shalt  }
0x53: {  	_ =	shalt  }
0x54: {  	_ =	shalt  }
0x55: {  	_ =	shalt  }
0x56: {  	_ =	shalt  }
0x57: {  	_ =	shalt  }
0x58: {  	_ =	shalt  }
0x59: {  	_ =	shalt  }
0x5a: {  	_ =	shalt  }
0x5b: {  	_ =	shalt  }
0x5c: {  	_ =	shalt  }
0x5d: {  	_ =	shalt  }
0x5e: {  	_ =	shalt  }
0x5f: {  	_ =	shalt  }
0x60: {  	_ =	shalt  }
0x61: {  	_ =	shalt  }
0x62: {  	_ =	shalt  }
0x63: {  	_ =	shalt  }
0x64: {  	_ =	shalt  }
0x65: {  	_ =	shalt  }
0x66: {  	_ =	shalt  }
0x67: {  	_ =	shalt  }
0x68: {  	_ =	shalt  }
0x69: {  	_ =	shalt  }
0x6a: {  	_ =	shalt  }
0x6b: {  	_ =	shalt  }
0x6c: {  	_ =	shalt  }
0x6d: {  	_ =	shalt  }
0x6e: {  	_ =	shalt  }
0x6f: {  	_ =	shalt  }
0x70: {  	_ =	shalt  }
0x71: {  	_ =	shalt  }
0x72: {  	_ =	shalt  }
0x73: {  	_ =	shalt  }
0x74: {  	_ =	shalt  }
0x75: {  	_ =	shalt  }
0x76: {  	_ =	shalt  }
0x77: {  	_ =	shalt  }
0x78: {  	_ =	shalt  }
0x79: {  	_ =	shalt  }
0x7a: {  	_ =	shalt  }
0x7b: {  	_ =	shalt  }
0x7c: {  	_ =	shalt  }
0x7d: {  	_ =	shalt  }
0x7e: {  	_ =	shalt  }
0x7f: {  	_ =	shalt  }
0x80: {  	_ =	shalt  }
0x81: {  	_ =	shalt  }
0x82: {  	_ =	shalt  }
0x83: {  	_ =	shalt  }
0x84: {  	_ =	shalt  }
0x85: {  	_ =	shalt  }
0x86: {  	_ =	shalt  }
0x87: {  	_ =	shalt  }
.Lfunc_end0:
.L_simem_size_0:
called_computation.1_lowered:
.L_overlay_start_0:
0x88: {  	s2 =	sld [smem:$0x3FD9]  }
0x89: {  	s3 =	sld [smem:$0x3FFE];
	_ =	sdelay $0x1  }
0x8a: {  	s1 =	srdreg.scid  }
0x8b: {  	s0 =	sand.u32 $0x1, s1  }
0x8c: {  	s16 =	sshll.u32 s0, $0xA;
	s2 =	sadd.s32 s3, s2  }
0x8d: {  	s2 =	sadd.s32 s2, s16  }
0x8e: {  	[smem:$0x3FC0] =	sst s2  }
0x8f: {  	_ = 	snop  }
0x90: {  	(tm) =	ssettm $0x1  }
0x91: {  	s17 =	sld [smem:$0x3FFB];
	_ =	sdelay $0x3  }
0x92: {  	_ =	strace s17  }
0x93: {  	s2 =	sld [smem:$0x3FFC];
	_ =	sdelay $0x3  }
0x94: {  	_ =	strace s2  }
0x95: {  	s2 =	sld [smem:$0x3FFD];
	_ =	sdelay $0x3  }
0x96: {  	_ =	strace s2  }
0x97: {  	_ =	strace $0x8FFFFFFF  }
0x98: {  	s18 =	sld [smem:$0x3FDB];
	_ =	sdelay $0x1  }
0x99: {  	s19 =	simm.s32 $_scs_section_size  }
0x9a: {  	s4 =	simm.s32 $_size__tile_overlayer_lowered;
	s5 =	simm.s32 $_tile_overlayer_lowered  }
0x9b: {  	s22 =	simm.s32 $0x1BFF;
	s21 =	sshll.u32 s5, $0x1;
	s2 =	sadd.s32 s19, s18  }
0x9c: {  	s6 =	simm.s32 $0x0;
	s20 =	sshll.u32 s4, $0x1;
	s4 =	sadd.s32 s21, s2  }
0x9d: {  	[timem:s6], [sflag:s22] =	dma.local [hbm:s4], s20  }
0x9e: {  	_ =	swait.ge [sflag:s22], s20  }
0x9f: {  	s3 =	ssub.s32 $0x0, s20;
	[sflag:s22] =	ssyncset.done $0x0  }
0xa0: {  	[sflag:s22] =	ssyncadd.s32 s3;
	_ =	sdelay $0x1  }
0xa1: {  	s23 =	simm.s32 $0x1B8B  }
0xa2: {  	_ =	swait.ge [sflag:s23], $0x1  }
0xa3: {  	[sflag:s23] =	ssyncset.done $0x0  }
0xa4: {  	s25 =	simm.s32 $0x1B8E;
	s24 =	sld [smem:$0x3FFE];
	[sflag:s23] =	ssyncadd.s32 $0xFFFFFFFF  }
0xa5: {  	s26 =	simm.s32 $execute0_lowered;
	[smem:$0x3FD2] =	sst s25  }
0xa6: {  	s4 =	sshll.u32 s26, $0x1;
	_ =	strace $0x80000049;
	[dreg:$0x1] =	wrdreg $0xFFFFFFFF  }
0xa7: {  	s28 =	simm.s32 $_size_execute0_lowered;
	s2 =	sadd.s32 s2, s4;
	[dreg:$0x0] =	wrdreg $0x0  }
0xa8: {  	s4 =	sshll.u32 s28, $0x1;
	[dreg:$0x2] =	wrdreg s2  }
0xa9: {  	[dreg:$0x3] =	wrdreg s4  }
0xaa: {  	[dreg:$0x4] =	wrdreg $0xC0  }
0xab: {  	_ =	task [dreg:s6], $0x5FFFF  }
0xac: {  	[dreg:$0x1] =	wrdreg $0xFFFFFFFF  }
0xad: {  	[dreg:$0x0] =	wrdreg $0x60  }
0xae: {  	[dreg:$0x2] =	wrdreg s24  }
0xaf: {  	[dreg:$0x3] =	wrdreg $0xD0000  }
0xb0: {  	[dreg:$0x4] =	wrdreg $0x9  }
0xb1: {  	_ =	task.clear_ibuf [dreg:s6], $0x5FFFF;
	_ =	strace $0x90000049  }
0xb2: {  	s29 =	simm.s32 $0x9;
	_ =	strace $0x8000004E  }
0xb3: {  	_ =	swait.ge [sflag:s29], $0x1  }
0xb4: {  	[sflag:s29] =	ssyncadd.s32 $0xFFFFFFFF  }
0xb5: {  	_ =	strace $0x9000004E  }
0xb6: {  	_ =	sfence  }
0xb7: {  	s30 =	sld [smem:$0x0];
	_ =	sdelay $0x2  }
0xb8: {  	s31 =	sshll.u32 s1, $0xD;
	s1 =	sshrl.u32 s1, $0x2  }
0xb9: {  	s3 =	sand.u32 $0x4000, s31;
	s1 =	sadd.s32 s1, s30  }
0xba: {  	s0 =	sor.u32 s3, s0;
	s1 =	sshll.u32 s1, $0x11  }
0xbb: {  	s0 =	sor.u32 s1, s0  }
0xbc: {  	s0 =	sadd.s32 $0x8F2B, s0  }
0xbd: {  	[sflag:s0] =	ssyncadd.remote.s32 $0x1  }
0xbe: {  	_ =	sfence.sel $0xFFFF  }
0xbf: {  	[dreg:$0x0] =	wrdreg $0xFFFFFFFF;
	(pc) =	sbr.abs _section_cstart, $3  }
0xc0: {  	[dreg:$0x1] =	wrdreg $0xFFFFFFFF  }
0xc1: {  	_ =	task.clear_ibuf [dreg:s6], $0x2FFFF;
	_ =	strace $0x9FFFFFFF  }
0xc2: {  	(tm) =	ssettm $0x7FFFFFFF  }
0xc3: {  	_ =	shalt  }
tec
execute0_lowered:
.L_overlay_start_1:
0x0: {  	(tag) =	ssettag $0x1  }
0x1: {  	s7 =	rddreg [dreg:$0x0]  }
0x2: {  	s2 =	rddreg [dreg:$0x1]  }
0x3: {  	s0 =	rddreg [dreg:$0x2];
	s1 =	stileid.u32  }
0x4: {  	s4 =	srdreg.scid;
	s3 =	simm.s32 $0x0;
	s16 =	simm.s32 $0x3  }
0x5: {  	s17 =	simm.s32 $0xB000;
	s19 =	simm.s32 $0x4;
	s5 =	smul.u32 $0x18, s1  }
0x6: {  	s20 =	simm.s32 $0x2;
	s8 =	sand.u32 $0x1, s4;
	s4 =	smul.u32 $0x38, s1  }
0x7: {  	s21 =	simm.s32 $0x1;
	p0 =	seq.s32 s8, $0x0;
	s6 =	sadd.s32 $0x380, s5  }
0x8: {  	s9 =	smul.u32 $0x9E0, s1;
	s6 =	smov.u32 @p0 s4;
	s4 =	simm.s32 $0x38  }
0x9: {  	s22 =	simm.s32 $0x0;
	s28 =	smul.u32 $0x13C00, s1;
	s4 =	simm.s32 @!p0 $0x18  }
0xa: {  	[smem:$0x7FF] =	sst s3;
	s10 =	smul.u32 $0x9E00, s8;
	s11 =	sadd.s32 $0xFFFFFFFF, s4  }
0xb: {  	_ =	strace $0x8000004A;
	s8 =	ssub.s32 $0x2, s8;
	s13 =	smul.u32 $0x56, s11  }
0xc: {  	s5 =	sadd.s32 $0x3EC00, s7;
	s29 =	sshrl.u32 s8, $0x1;
	s9 =	sadd.s32 s9, s10  }
0xd: {  	s31 =	ssub.s32 s8, s29;
	s10 =	sshrl.u32 s28, $0x2;
	s30 =	sshrl.u32 s13, $0x8  }
0xe: {  	s6 =	sshll.u32 s6, $0x5;
	s14 =	sadd.s32 s9, s7;
	s15 =	smul.u32 $0x3, s30  }
0xf: {  	s9 =	sadd.s32 s10, s2;
	s12 =	sadd.s32 s6, s7;
	s6 =	sadd.s32 $0x17000, s7  }
.Ltmp0:
0x10: {  	s10 =	sadd.s32 $0x48A00, s14;
	s15 =	ssub.s32 s11, s15;
	(pc) =	sbr.rel .LBB2_1-.Ltmp0, $4  }
0x11: {  	s14 =	simm.s32 $0x100;
	s7 =	sadd.s32 $0xCC00, s12;
	s18 =	sand.u32 $0xFF, s15  }
0x12: {  	s8 =	sadd.s32 $0x2200, s12;
	s12 =	simm.s32 $0x7;
	p0 =	seq.s32 s18, $0x0  }
0x13: {  	s13 =	simm.s32 $0x7000;
	s11 =	smax.u32 s31, $0x1;
	p1 =	seq.s32 @!p0 s18, $0x2  }
0x14: {  	s15 =	simm.s32 $0x9000;
	s18 =	simm.s32 $0x5;
	p1 =	por !p1, p0  }
.LBB2_8:
0x15: {  	s23 =	simm.s32 @!p1 $0x6  }
0x16: {  	s23 =	simm.s32 @p1 $0x5  }
0x17: {  	s23 =	simm.s32 @p0 $0x4  }
0x18: {  	_ =	swait.ge [sflag:s23], $0x2000  }
0x19: {  	[sflag:s23] =	ssyncset.done $0x0  }
0x1a: {  	[sflag:s23] =	ssyncadd.s32 $0xFFFFE000  }
0x1b: {  	[bflag:$0x0] =	sbarrier.arrive $0xFFFF  }
0x1c: {  	_ =	strace $0x9000004C  }
0x1d: {  	_ =	strace $0x8000004D  }
0x1e: {  	[tilespmem:s13], [sflag:$0x7] =	stream.linear.gather [spmem:s9], $0x4F00, $0x200038;
	[tilespmem:$0x11F00] =	vst v63  }
0x1f: {  	_ =	swait.ge [sflag:s12], $0x4F00  }
0x20: {  	s22 =	sadd.s32 $0x1, s22;
	[sflag:s12] =	ssyncset.done $0x0  }
0x21: {  	p2 =	sne.s32 s22, s11;
	[sflag:s12] =	ssyncadd.s32 $0xFFFFB100  }
0x22: {  	[hbm4b:s10+s3] =	stream.linear.scatter [tilespmem:s13], [sflag:$0x7], $0x4F00, $0x200038;
	[tilespmem:$0x11F00] =	vst v63  }
.Ltmp1:
0x23: {  	_ = 	snop;
	(pc) =	sbr.rel @!p2 .LBB2_9-.Ltmp1, $4  }
0x24: {  	_ =	swait.ge [sflag:s12], $0x4F00  }
0x25: {  	[sflag:s12] =	ssyncset.done $0x0  }
0x26: {  	[sflag:s12] =	ssyncadd.s32 $0xFFFFB100  }
0x27: {  	_ =	strace $0x9000004D  }
.LBB2_1:
0x28: {  	_ =	strace $0x8000004B  }
0x29: {  	[tilespmem:s3], [sflag:$0x7] =	stream.linear.gather [hbm4b:s7+s3], $0x3800, $0x200038;
	[tilespmem:$0x11F00] =	vst v63  }
0x2a: {  	_ =	swait.ge [sflag:s12], $0x3800  }
0x2b: {  	[sflag:s12] =	ssyncset.done $0x0  }
0x2c: {  	s23 =	simm.s32 $0x3800;
	[sflag:s12] =	ssyncadd.s32 $0xFFFFC800  }
0x2d: {  	[tilespmem:s23], [sflag:$0x7] =	stream.linear.gather [hbm4b:s8+s3], $0x3800, $0x200038;
	[tilespmem:$0x11F00] =	vst v63  }
0x2e: {  	_ =	swait.ge [sflag:s12], $0x3800  }
0x2f: {  	[sflag:s12] =	ssyncset.done $0x0  }
0x30: {  	[sflag:s12] =	ssyncadd.s32 $0xFFFFC800  }
0x31: {  	[tilespmem:s13], [sflag:$0x7] =	stream.linear.gather [hbm4b:s6+s3], $0x4F00, $0x200038;
	[tilespmem:$0x11F00] =	vst v63  }
0x32: {  	_ =	swait.ge [sflag:s12], $0x4F00  }
0x33: {  	[sflag:s12] =	ssyncset.done $0x0  }
0x34: {  	[sflag:s12] =	ssyncadd.s32 $0xFFFFB100  }
0x35: {  	[spmem:s9] =	stream.linear.scatter [tilespmem:s13], [sflag:$0x7], $0x4F00, $0x200038;
	[tilespmem:$0x11F00] =	vst v63  }
0x36: {  	_ =	swait.ge [sflag:s12], $0x4F00  }
0x37: {  	[sflag:s12] =	ssyncset.done $0x0  }
0x38: {  	[sflag:s12] =	ssyncadd.s32 $0xFFFFB100  }
0x39: {  	[bflag:$0x0] =	sbarrier.arrive $0xFFFF  }
.Ltmp2:
0x3a: {  	_ =	strace $0x9000004B;
	(pc) =	sbr.rel .LBB2_2-.Ltmp2, $4  }
0x3b: {  	[tilespmem:s13], [sflag:$0x1] =	stream.indirect.gather [hbm4b:s5+s14], $0x20, s3, s14, $0xb8;
	[tilespmem:$0x11F00] =	vst v63  }
0x3c: {  	_ = 	snop  }
0x3d: {  	[tilespmem:s15], [sflag:$0x2] =	stream.indirect.gather [hbm4b:s5+s14], $0x20, s14, s14, $0xb8;
	[tilespmem:$0x11F00] =	vst v63  }
0x3e: {  	s24 =	simm.s32 $0x200;
	s25 =	simm.s32 $0x0;
	_ =	strace $0x8000004C  }
.LBB2_6:
0x3f: {  	_ =	swait.ge [sflag:s16], $0x2000  }
0x40: {  	[sflag:s16] =	ssyncset.done $0x0  }
0x41: {  	[sflag:s16] =	ssyncadd.s32 $0xFFFFE000  }
0x42: {  	[spmem:s2] =	stream.indirect.scatter.add.bf16 [tilespmem:s17], [sflag:$0x6], $0x20, s23, s14, $0x2000b8;
	[tilespmem:$0x11F00] =	vst v63  }
0x43: {  	s26 =	sadd.s32 $0x2, s25;
	_ =	swait.ge [sflag:s18], $0x2000  }
0x44: {  	p2 =	sge.u32 s26, s4;
	[sflag:s18] =	ssyncset.done $0x0  }
0x45: {  	s26 =	simm.s32 @!p2 $0x100;
	s28 =	simm.s32 @!p2 $0x9000;
	[sflag:s18] =	ssyncadd.s32 $0xFFFFE000  }
0x46: {  	[tilespmem:s28], [sflag:$0x2] =	stream.indirect.gather @!p2 [hbm4b:s5+s26], $0x20, s24, s26, $0x2000b8;
	[tilespmem:$0x11F00] =	vst v63  }
.LBB2_7:
0x47: {  	s25 =	sadd.s32 $0x1, s25  }
0x48: {  	p2 =	sne.s32 s4, s25  }
.Ltmp3:
0x49: {  	_ = 	snop;
	(pc) =	sbr.rel @!p2 .LBB2_8-.Ltmp3, $2  }
0x4a: {  	_ =	sdelay $0x2  }
0x4b: {  	s24 =	sadd.s32 $0x100, s24;
	s23 =	sadd.s32 $0x100, s23  }
.LBB2_2:
0x4c: {  	s26 =	smulhi.u32 $0xAAAAAAAB, s25;
	_ =	sdelay $0x1  }
0x4d: {  	s26 =	sshrl.u32 s26, $0x1  }
0x4e: {  	s26 =	smul.u32 $0xFFFFFFFD, s26;
	_ =	sdelay $0x1  }
0x4f: {  	s26 =	sadd.s32 s26, s25  }
0x50: {  	p2 =	seq.s32 s26, $0x2  }
.Ltmp4:
0x51: {  	_ = 	snop;
	(pc) =	sbr.rel @p2 .LBB2_6-.Ltmp4, $1  }
0x52: {  	_ =	sdelay $0x3  }
0x53: {  	p2 =	seq.s32 s26, $0x1  }
.Ltmp5:
0x54: {  	_ = 	snop;
	(pc) =	sbr.rel @!p2 .LBB2_4-.Ltmp5, $1  }
0x55: {  	_ =	sdelay $0x3  }
0x56: {  	_ =	swait.ge [sflag:s20], $0x2000  }
0x57: {  	[sflag:s20] =	ssyncset.done $0x0  }
0x58: {  	[sflag:s20] =	ssyncadd.s32 $0xFFFFE000  }
0x59: {  	[spmem:s2] =	stream.indirect.scatter.add.bf16 [tilespmem:s15], [sflag:$0x5], $0x20, s23, s14, $0x2000b8;
	[tilespmem:$0x11F00] =	vst v63  }
.Ltmp6:
0x5a: {  	_ = 	snop;
	(pc) =	sbr.rel .LBB2_7-.Ltmp6, $4  }
0x5b: {  	s26 =	sadd.s32 $0x2, s25;
	_ =	swait.ge [sflag:s19], $0x2000  }
0x5c: {  	p2 =	sge.u32 s26, s4;
	[sflag:s19] =	ssyncset.done $0x0  }
0x5d: {  	s26 =	simm.s32 @!p2 $0x100;
	s28 =	simm.s32 @!p2 $0x7000;
	[sflag:s19] =	ssyncadd.s32 $0xFFFFE000  }
0x5e: {  	[tilespmem:s28], [sflag:$0x1] =	stream.indirect.gather @!p2 [hbm4b:s5+s26], $0x20, s24, s26, $0x2000b8;
	[tilespmem:$0x11F00] =	vst v63  }
.LBB2_4:
0x5f: {  	_ =	swait.ge [sflag:s21], $0x2000  }
0x60: {  	[sflag:s21] =	ssyncset.done $0x0  }
0x61: {  	p2 =	seq.s32 s25, $0x0;
	[sflag:s21] =	ssyncadd.s32 $0xFFFFE000  }
0x62: {  	[spmem:s2] =	stream.indirect.scatter.add.bf16 [tilespmem:s13], [sflag:$0x4], $0x20, s23, s14, $0x2000b8;
	[tilespmem:$0x11F00] =	vst v63  }
.Ltmp7:
0x63: {  	s26 =	simm.s32 @!p2 $0x6;
	(pc) =	sbr.rel .LBB2_7-.Ltmp7, $4  }
0x64: {  	s28 =	sadd.s32 $0x2, s25;
	_ =	swait.ge @!p2 [sflag:s26], $0x2000  }
0x65: {  	p3 =	sge.u32 s28, s4;
	[sflag:s26] =	ssyncset.done @!p2 $0x0  }
0x66: {  	s28 =	simm.s32 @!p3 $0xB000;
	[sflag:s26] =	ssyncadd.s32 @!p2 $0xFFFFE000;
	s26 =	simm.s32 @!p3 $0x100  }
0x67: {  	[tilespmem:s28], [sflag:$0x3] =	stream.indirect.gather @!p3 [hbm4b:s5+s26], $0x20, s24, s26, $0x2000b8;
	[tilespmem:$0x11F00] =	vst v63  }
.LBB2_9:
0x68: {  	_ =	sfence.sel $0x180000  }
0x69: {  	[bflag:$0x0] =	sbarrier.arrive $0xFFFF  }
0x6a: {  	p0 =	sne.s32 s1, $0x0;
	_ =	strace $0x9000004A  }
0x6b: {  	s0 =	sadd.s32 @!p0 $0x100000, s0;
	[bflag:$0x2] =	sbarrier.arrive $0xFFFF  }
0x6c: {  	[sflag:s0] =	ssyncadd.tile.s32 @!p0 $0x1;
	_ =	shalt  }
.Lfunc_end2:
_tile_overlayer_lowered:
.L_overlay_start_2:
0x6d: {  	(tag) =	ssettag $0x2  }
0x6e: {  	s0 =	rddreg [dreg:$0x0];
	s2 =	stileid.u32  }
0x6f: {  	s1 =	rddreg [dreg:$0x1];
	p0 =	sne.s32 s2, $0x0  }
0x70: {  	s3 =	rddreg [dreg:$0x2];
	[bflag:$0x3] =	sbarrier.arrive $0xFFFF;
	s2 =	simm.s32 @!p0 $0x1C07  }
0x71: {  	[timem:s3], [sflag:s2] =	dma.local @!p0 [hbm:s0], s1  }
0x72: {  	s0 =	simm.s32 @!p0 $0x7  }
0x73: {  	_ =	swait.ge @!p0 [sflag:s0], s1  }
0x74: {  	s1 =	ssub.s32 @!p0 $0x0, s1;
	[sflag:s0] =	ssyncset.done @!p0 $0x0  }
0x75: {  	[sflag:s0] =	ssyncadd.s32 @!p0 s1  }
0x76: {  	[bflag:$0x3] =	sbarrier.arrive $0xFFFF  }
0x77: {  	_ =	shalt  }

// kernel: kernel.14.cloned.1.call-start
scs
__scs_entry_jumppad:
0x0: {  	(pc) =	sbr.rel $0x88, $3  }
0x1: {  	(tag) =	ssettag $0x0;
	lr =	simm.s32 $0x1  }
0x2: {  	[smem:$0x3F99] =	sst lr;
	_ =	strace $0xD0000000  }
0x3: {  	_ = 	snop  }
0x4: {  	_ = 	snop  }
0x5: {  	_ = 	snop  }
0x6: {  	_ = 	snop  }
0x7: {  	_ = 	snop  }
__scs_overlays_trampoline_lowered:
0x8: {  	[smem:$0x3FA8] =	sst s0  }
0x9: {  	[smem:$0x3FA9] =	sst s1  }
0xa: {  	[smem:$0x3FAA] =	sst s2  }
0xb: {  	[smem:$0x3FAB] =	sst s3  }
0xc: {  	[smem:$0x3FAC] =	sst s4  }
0xd: {  	[smem:$0x3FAD] =	sst s5  }
0xe: {  	[smem:$0x3FAE] =	sst s6  }
0xf: {  	[smem:$0x3FAF] =	sst s7  }
0x10: {  	[smem:$0x3FB0] =	sst s8  }
0x11: {  	[smem:$0x3FB1] =	sst s9;
	s0 =	simm.s32 @!p0 $0x0  }
0x12: {  	s1 =	sld [smem:$0x3F97];
	s0 =	simm.s32 @p0 $0x1  }
0x13: {  	[smem:$0x3FB2] =	sst s0;
	s0 =	simm.s32 @!p1 $0x0  }
0x14: {  	s2 =	sld [smem:$0x3F96];
	s0 =	simm.s32 @p1 $0x1  }
0x15: {  	[smem:$0x3FB3] =	sst s0;
	s0 =	simm.s32 @!p2 $0x0  }
0x16: {  	s3 =	sld [smem:$0x3FDB];
	s0 =	simm.s32 @p2 $0x1  }
0x17: {  	s4 =	simm.s32 $0x1BF5;
	[smem:$0x3FB5] =	sst s0  }
0x18: {  	s0 =	sld [smem:$0x3F98];
	_ =	swait.ge [sflag:s4], $0x0  }
0x19: {  	s7 =	sld [smem:$0x3F99]  }
0x1a: {  	s8 =	sadd.s32 $0xFFFFE003, lr  }
0x1b: {  	s9 =	sadd.s32 $0xFFFFFEF7, lr;
	s5 =	simm.s32 $0xFFFFFFFF;
	p2 =	slt.u32 s8, $0xFFFFF086  }
0x1c: {  	p1 =	slt.u32 s9, $0xF7A;
	s5 =	simm.s32 @!p2 $0x0  }
0x1d: {  	s5 =	simm.s32 @p1 $0x1;
	p0 =	seq.s32 s7, s2  }
0x1e: {  	s7 =	smul.u32 @!p0 $0xF7A, s2;
	p2 =	seq.s32 @!p0 s5, $0x0  }
0x1f: {  	s9 =	smul.u32 $0xF7A, s1;
	s8 =	simm.s32 @!p0 $0x1BF5;
	p2 =	por !p2, p0  }
0x20: {  	[sflag:s8] =	ssyncset.s32 @!p0 $0xFFFFF086;
	s6 =	sadd.s32 @!p0 s3, s7;
	s7 =	simm.s32 @!p0 $0x108  }
0x21: {  	s3 =	sadd.s32 s3, s9;
	s6 =	sadd.s32 @!p0 $0x88, s6;
	s7 =	simm.s32 @p2 $0x1082  }
0x22: {  	[simem:s7], [sflag:s8] =	dma.local @!p0 [hbm:s6], $0xF7A  }
0x23: {  	s9 =	sor.u32 $0xD0000000, s2;
	s6 =	simm.s32 $0x108;
	_ =	swait.ge @!p0 [sflag:s8], $0x0  }
0x24: {  	s3 =	sadd.s32 $0x88, s3;
	s6 =	simm.s32 @!p1 $0x1082;
	[sflag:s4] =	ssyncset.s32 $0xFFFFF086  }
0x25: {  	[simem:s6], [sflag:s4] =	dma.local [hbm:s3], $0xF7A  }
0x26: {  	[smem:$0x3F99] =	sst s1;
	(tag) =	ssettag s2;
	_ =	strace s9  }
0x27: {  	s1 =	sld [smem:$0x3FA9]  }
0x28: {  	s2 =	sld [smem:$0x3FAA]  }
0x29: {  	s4 =	sld [smem:$0x3FAC]  }
0x2a: {  	p0 =	seq.s32 s5, $0x0;
	s5 =	sld [smem:$0x3FAD]  }
0x2b: {  	s6 =	sld [smem:$0x3FAE]  }
0x2c: {  	s7 =	sld [smem:$0x3FAF]  }
0x2d: {  	s3 =	simm.s32 $0x108;
	s8 =	sld [smem:$0x3FB0]  }
0x2e: {  	s3 =	simm.s32 @!p0 $0x1082;
	s9 =	sld [smem:$0x3FB1]  }
0x2f: {  	lr =	sadd.s32 s0, s3;
	s0 =	sld [smem:$0x3FA8]  }
0x30: {  	s3 =	sld [smem:$0x3FAB]  }
0x31: {  	[smem:$0x3FB4] =	sst s10  }
0x32: {  	s10 =	sld [smem:$0x3FB2];
	_ =	sdelay $0x3  }
0x33: {  	p0 =	seq.s32 s10, $0x1;
	s10 =	sld [smem:$0x3FB4];
	_ =	sdelay $0x3  }
0x34: {  	[smem:$0x3FB4] =	sst s10  }
0x35: {  	s10 =	sld [smem:$0x3FB3];
	_ =	sdelay $0x3  }
0x36: {  	p1 =	seq.s32 s10, $0x1;
	s10 =	sld [smem:$0x3FB4];
	_ =	sdelay $0x3  }
0x37: {  	[smem:$0x3FB4] =	sst s10  }
0x38: {  	s10 =	sld [smem:$0x3FB5]  }
0x39: {  	_ = 	snop;
	(pc) =	sbr.ind lr, $3  }
0x3a: {  	_ = 	snop  }
0x3b: {  	_ = 	snop  }
0x3c: {  	p2 =	seq.s32 s10, $0x1;
	s10 =	sld [smem:$0x3FB4]  }
0x3d: {  	_ =	shalt  }
0x3e: {  	_ =	shalt  }
0x3f: {  	_ =	shalt  }
0x40: {  	_ =	shalt  }
0x41: {  	_ =	shalt  }
0x42: {  	_ =	shalt  }
0x43: {  	_ =	shalt  }
0x44: {  	_ =	shalt  }
0x45: {  	_ =	shalt  }
0x46: {  	_ =	shalt  }
0x47: {  	_ =	shalt  }
0x48: {  	_ =	shalt  }
0x49: {  	_ =	shalt  }
0x4a: {  	_ =	shalt  }
0x4b: {  	_ =	shalt  }
0x4c: {  	_ =	shalt  }
0x4d: {  	_ =	shalt  }
0x4e: {  	_ =	shalt  }
0x4f: {  	_ =	shalt  }
0x50: {  	_ =	shalt  }
0x51: {  	_ =	shalt  }
0x52: {  	_ =	shalt  }
0x53: {  	_ =	shalt  }
0x54: {  	_ =	shalt  }
0x55: {  	_ =	shalt  }
0x56: {  	_ =	shalt  }
0x57: {  	_ =	shalt  }
0x58: {  	_ =	shalt  }
0x59: {  	_ =	shalt  }
0x5a: {  	_ =	shalt  }
0x5b: {  	_ =	shalt  }
0x5c: {  	_ =	shalt  }
0x5d: {  	_ =	shalt  }
0x5e: {  	_ =	shalt  }
0x5f: {  	_ =	shalt  }
0x60: {  	_ =	shalt  }
0x61: {  	_ =	shalt  }
0x62: {  	_ =	shalt  }
0x63: {  	_ =	shalt  }
0x64: {  	_ =	shalt  }
0x65: {  	_ =	shalt  }
0x66: {  	_ =	shalt  }
0x67: {  	_ =	shalt  }
0x68: {  	_ =	shalt  }
0x69: {  	_ =	shalt  }
0x6a: {  	_ =	shalt  }
0x6b: {  	_ =	shalt  }
0x6c: {  	_ =	shalt  }
0x6d: {  	_ =	shalt  }
0x6e: {  	_ =	shalt  }
0x6f: {  	_ =	shalt  }
0x70: {  	_ =	shalt  }
0x71: {  	_ =	shalt  }
0x72: {  	_ =	shalt  }
0x73: {  	_ =	shalt  }
0x74: {  	_ =	shalt  }
0x75: {  	_ =	shalt  }
0x76: {  	_ =	shalt  }
0x77: {  	_ =	shalt  }
0x78: {  	_ =	shalt  }
0x79: {  	_ =	shalt  }
0x7a: {  	_ =	shalt  }
0x7b: {  	_ =	shalt  }
0x7c: {  	_ =	shalt  }
0x7d: {  	_ =	shalt  }
0x7e: {  	_ =	shalt  }
0x7f: {  	_ =	shalt  }
0x80: {  	_ =	shalt  }
0x81: {  	_ =	shalt  }
0x82: {  	_ =	shalt  }
0x83: {  	_ =	shalt  }
0x84: {  	_ =	shalt  }
0x85: {  	_ =	shalt  }
0x86: {  	_ =	shalt  }
0x87: {  	_ =	shalt  }
.Lfunc_end0:
.L_simem_size_0:
called_computation.2_lowered:
.L_overlay_start_0:
0x88: {  	s2 =	sld [smem:$0x3FD9]  }
0x89: {  	s3 =	sld [smem:$0x3FFE];
	_ =	sdelay $0x1  }
0x8a: {  	s1 =	srdreg.scid  }
0x8b: {  	s0 =	sand.u32 $0x1, s1  }
0x8c: {  	s17 =	sshll.u32 s0, $0xA;
	s2 =	sadd.s32 s3, s2  }
0x8d: {  	s2 =	sadd.s32 s2, s17  }
0x8e: {  	[smem:$0x3FC0] =	sst s2  }
0x8f: {  	_ = 	snop  }
0x90: {  	s2 =	sld [smem:$0x3FD0];
	(tm) =	ssettm $0x1  }
0x91: {  	s18 =	sld [smem:$0x3FFB];
	_ =	sdelay $0x3  }
0x92: {  	_ =	strace s18  }
0x93: {  	s3 =	sld [smem:$0x3FFC];
	_ =	sdelay $0x3  }
0x94: {  	_ =	strace s3  }
0x95: {  	s3 =	sld [smem:$0x3FFD];
	_ =	sdelay $0x3  }
0x96: {  	_ =	strace s3  }
0x97: {  	_ =	strace $0x8FFFFFFF  }
0x98: {  	s19 =	sld [smem:$0x3FDB];
	_ =	sdelay $0x1  }
0x99: {  	s4 =	simm.s32 $_scs_section_size  }
0x9a: {  	s5 =	simm.s32 $_size__tile_overlayer_lowered;
	s6 =	simm.s32 $_tile_overlayer_lowered  }
0x9b: {  	s22 =	simm.s32 $0x1BFF;
	s21 =	sshll.u32 s6, $0x1;
	s3 =	sadd.s32 s4, s19  }
0x9c: {  	s7 =	simm.s32 $0x0;
	s20 =	sshll.u32 s5, $0x1;
	s5 =	sadd.s32 s21, s3  }
0x9d: {  	[timem:s7], [sflag:s22] =	dma.local [hbm:s5], s20  }
0x9e: {  	_ =	swait.ge [sflag:s22], s20  }
0x9f: {  	s4 =	ssub.s32 $0x0, s20;
	[sflag:s22] =	ssyncset.done $0x0  }
0xa0: {  	[sflag:s22] =	ssyncadd.s32 s4;
	_ =	sdelay $0x1  }
0xa1: {  	s23 =	simm.s32 $0x1B8B  }
0xa2: {  	_ =	swait.ge [sflag:s23], $0x1  }
0xa3: {  	[sflag:s23] =	ssyncset.done $0x0  }
0xa4: {  	s25 =	simm.s32 $0x1B8E;
	s24 =	sld [smem:$0x3FFE];
	[sflag:s23] =	ssyncadd.s32 $0xFFFFFFFF  }
0xa5: {  	s26 =	simm.s32 $execute0_lowered;
	[smem:$0x3FD2] =	sst s25  }
0xa6: {  	s5 =	sshll.u32 s26, $0x1;
	_ =	strace $0x8000004F;
	[dreg:$0x1] =	wrdreg $0xFFFFFFFF  }
0xa7: {  	s28 =	simm.s32 $_size_execute0_lowered;
	s3 =	sadd.s32 s3, s5;
	[dreg:$0x0] =	wrdreg $0x0  }
0xa8: {  	s5 =	sshll.u32 s28, $0x1;
	[dreg:$0x2] =	wrdreg s3  }
0xa9: {  	[dreg:$0x3] =	wrdreg s5  }
0xaa: {  	[dreg:$0x4] =	wrdreg $0xC0  }
0xab: {  	_ =	task [dreg:s7], $0x5FFFF  }
0xac: {  	[dreg:$0x1] =	wrdreg $0xFFFFFFFF  }
0xad: {  	[dreg:$0x0] =	wrdreg $0x60  }
0xae: {  	[dreg:$0x2] =	wrdreg s2  }
0xaf: {  	[dreg:$0x3] =	wrdreg s24  }
0xb0: {  	[dreg:$0x4] =	wrdreg $0xA0000  }
0xb1: {  	[dreg:$0x5] =	wrdreg $0x9  }
0xb2: {  	_ =	task.clear_ibuf [dreg:s7], $0x6FFFF;
	_ =	strace $0x9000004F  }
0xb3: {  	s29 =	simm.s32 $0x9;
	_ =	strace $0x80000054  }
0xb4: {  	_ =	swait.ge [sflag:s29], $0x1  }
0xb5: {  	[sflag:s29] =	ssyncadd.s32 $0xFFFFFFFF  }
0xb6: {  	_ =	strace $0x90000054  }
0xb7: {  	_ =	sfence  }
0xb8: {  	s30 =	sld [smem:$0x0];
	_ =	sdelay $0x2  }
0xb9: {  	s31 =	sshll.u32 s1, $0xD;
	s1 =	sshrl.u32 s1, $0x2  }
0xba: {  	s3 =	sand.u32 $0x4000, s31;
	s1 =	sadd.s32 s1, s30  }
0xbb: {  	s0 =	sor.u32 s3, s0;
	s1 =	sshll.u32 s1, $0x11  }
0xbc: {  	s0 =	sor.u32 s1, s0  }
0xbd: {  	s0 =	sadd.s32 $0x8F2B, s0  }
0xbe: {  	[sflag:s0] =	ssyncadd.remote.s32 $0x1  }
0xbf: {  	_ =	sfence.sel $0xFFFF  }
0xc0: {  	[dreg:$0x0] =	wrdreg $0xFFFFFFFF;
	(pc) =	sbr.abs _section_cstart, $3  }
0xc1: {  	[dreg:$0x1] =	wrdreg $0xFFFFFFFF  }
0xc2: {  	_ =	task.clear_ibuf [dreg:s7], $0x2FFFF;
	_ =	strace $0x9FFFFFFF  }
0xc3: {  	(tm) =	ssettm $0x7FFFFFFF  }
tec
execute0_lowered:
.L_overlay_start_1:
0x0: {  	(tag) =	ssettag $0x1  }
0x1: {  	s2 =	rddreg [dreg:$0x0]  }
0x2: {  	s7 =	rddreg [dreg:$0x1]  }
0x3: {  	s3 =	rddreg [dreg:$0x2];
	s0 =	stileid.u32  }
0x4: {  	s4 =	srdreg.scid;
	s1 =	rddreg [dreg:$0x3];
	s16 =	simm.s32 $0x3  }
0x5: {  	s17 =	simm.s32 $0x9000;
	s19 =	simm.s32 $0x4;
	s5 =	smul.u32 $0x18, s0  }
0x6: {  	s20 =	simm.s32 $0x2;
	s21 =	simm.s32 $0x1;
	s6 =	smul.u32 $0x38, s0  }
0x7: {  	s22 =	simm.s32 $0x0;
	s8 =	sand.u32 $0x1, s4;
	s10 =	smul.u32 $0x4F0, s0  }
0x8: {  	p0 =	seq.s32 s8, $0x0;
	s9 =	sadd.s32 $0x380, s5;
	s5 =	simm.s32 $0x38  }
0x9: {  	s4 =	simm.s32 $0x0;
	s28 =	smul.u32 $0x9E00, s0;
	s5 =	simm.s32 @!p0 $0x18  }
0xa: {  	s26 =	smul.u32 $0x4F00, s8;
	s8 =	ssub.s32 $0x2, s8;
	s11 =	sadd.s32 $0xFFFFFFFF, s5  }
0xb: {  	[smem:$0x7FF] =	sst s4;
	s29 =	sshrl.u32 s8, $0x1;
	s13 =	smul.u32 $0x56, s11  }
0xc: {  	_ =	strace $0x80000050;
	s9 =	smov.u32 @p0 s6;
	s31 =	ssub.s32 s8, s29  }
0xd: {  	s6 =	sshll.u32 s9, $0x5;
	s9 =	sadd.s32 s10, s26;
	s30 =	sshrl.u32 s13, $0x8  }
0xe: {  	s10 =	sshrl.u32 s28, $0x2;
	s12 =	sadd.s32 s6, s7;
	s15 =	smul.u32 $0x3, s30  }
0xf: {  	s6 =	sadd.s32 $0xC600, s7;
	s14 =	sadd.s32 s9, s7;
	s9 =	sadd.s32 s10, s3  }
.Ltmp0:
0x10: {  	s7 =	sadd.s32 $0xCC00, s12;
	s15 =	ssub.s32 s11, s15;
	(pc) =	sbr.rel .LBB2_1-.Ltmp0, $4  }
0x11: {  	s8 =	sadd.s32 $0x2200, s12;
	s10 =	sadd.s32 $0x3EC00, s14;
	s18 =	sand.u32 $0xFF, s15  }
0x12: {  	s12 =	simm.s32 $0x7;
	s14 =	simm.s32 $0x100;
	p0 =	seq.s32 s18, $0x0  }
0x13: {  	s13 =	simm.s32 $0x7000;
	s11 =	smax.u32 s31, $0x1;
	p1 =	seq.s32 @!p0 s18, $0x2  }
0x14: {  	s15 =	simm.s32 $0x8000;
	s18 =	simm.s32 $0x5;
	p1 =	por !p1, p0  }
.LBB2_8:
0x15: {  	s23 =	simm.s32 @!p1 $0x6  }
0x16: {  	s23 =	simm.s32 @p1 $0x5  }
0x17: {  	s23 =	simm.s32 @p0 $0x4  }
0x18: {  	_ =	swait.ge [sflag:s23], $0x1000  }
0x19: {  	[sflag:s23] =	ssyncset.done $0x0  }
0x1a: {  	[sflag:s23] =	ssyncadd.s32 $0xFFFFF000  }
0x1b: {  	[bflag:$0x0] =	sbarrier.arrive $0xFFFF  }
0x1c: {  	_ =	strace $0x90000052  }
0x1d: {  	_ =	strace $0x80000053  }
0x1e: {  	[tilespmem:s13], [sflag:$0x7] =	stream.linear.gather [spmem:s9], $0x2780, $0x200038;
	[tilespmem:$0xC780] =	vst v63  }
0x1f: {  	_ =	swait.ge [sflag:s12], $0x2780  }
0x20: {  	s22 =	sadd.s32 $0x1, s22;
	[sflag:s12] =	ssyncset.done $0x0  }
0x21: {  	p2 =	sne.s32 s22, s11;
	[sflag:s12] =	ssyncadd.s32 $0xFFFFD880  }
0x22: {  	[hbm4b:s10+s4] =	stream.linear.scatter [tilespmem:s13], [sflag:$0x7], $0x2780, $0x200038;
	[tilespmem:$0xC780] =	vst v63  }
.Ltmp1:
0x23: {  	_ = 	snop;
	(pc) =	sbr.rel @!p2 .LBB2_9-.Ltmp1, $4  }
0x24: {  	_ =	swait.ge [sflag:s12], $0x2780  }
0x25: {  	[sflag:s12] =	ssyncset.done $0x0  }
0x26: {  	[sflag:s12] =	ssyncadd.s32 $0xFFFFD880  }
0x27: {  	_ =	strace $0x90000053  }
.LBB2_1:
0x28: {  	_ =	strace $0x80000051  }
0x29: {  	[tilespmem:s4], [sflag:$0x7] =	stream.linear.gather [hbm4b:s7+s4], $0x3800, $0x200038;
	[tilespmem:$0xC780] =	vst v63  }
0x2a: {  	_ =	swait.ge [sflag:s12], $0x3800  }
0x2b: {  	[sflag:s12] =	ssyncset.done $0x0  }
0x2c: {  	s23 =	simm.s32 $0x3800;
	[sflag:s12] =	ssyncadd.s32 $0xFFFFC800  }
0x2d: {  	[tilespmem:s23], [sflag:$0x7] =	stream.linear.gather [hbm4b:s8+s4], $0x3800, $0x200038;
	[tilespmem:$0xC780] =	vst v63  }
0x2e: {  	_ =	swait.ge [sflag:s12], $0x3800  }
0x2f: {  	[sflag:s12] =	ssyncset.done $0x0  }
0x30: {  	[sflag:s12] =	ssyncadd.s32 $0xFFFFC800  }
0x31: {  	[tilespmem:s13], [sflag:$0x7] =	stream.linear.gather [hbm4b:s6+s4], $0x2780, $0x200038;
	[tilespmem:$0xC780] =	vst v63  }
0x32: {  	_ =	swait.ge [sflag:s12], $0x2780  }
0x33: {  	[sflag:s12] =	ssyncset.done $0x0  }
0x34: {  	[sflag:s12] =	ssyncadd.s32 $0xFFFFD880  }
0x35: {  	[spmem:s9] =	stream.linear.scatter [tilespmem:s13], [sflag:$0x7], $0x2780, $0x200038;
	[tilespmem:$0xC780] =	vst v63  }
0x36: {  	_ =	swait.ge [sflag:s12], $0x2780  }
0x37: {  	[sflag:s12] =	ssyncset.done $0x0  }
0x38: {  	[sflag:s12] =	ssyncadd.s32 $0xFFFFD880  }
0x39: {  	[bflag:$0x0] =	sbarrier.arrive $0xFFFF  }
.Ltmp2:
0x3a: {  	_ =	strace $0x90000051;
	(pc) =	sbr.rel .LBB2_2-.Ltmp2, $4  }
0x3b: {  	[tilespmem:s13], [sflag:$0x1] =	stream.indirect.gather [hbm4b:s2+s14], $0x10, s4, s14, $0xb8;
	[tilespmem:$0xC780] =	vst v63  }
0x3c: {  	_ = 	snop  }
0x3d: {  	[tilespmem:s15], [sflag:$0x2] =	stream.indirect.gather [hbm4b:s2+s14], $0x10, s14, s14, $0xb8;
	[tilespmem:$0xC780] =	vst v63  }
0x3e: {  	s24 =	simm.s32 $0x200;
	s25 =	simm.s32 $0x0;
	_ =	strace $0x80000052  }
.LBB2_6:
0x3f: {  	_ =	swait.ge [sflag:s16], $0x1000  }
0x40: {  	[sflag:s16] =	ssyncset.done $0x0  }
0x41: {  	[sflag:s16] =	ssyncadd.s32 $0xFFFFF000  }
0x42: {  	[spmem:s3] =	stream.indirect.scatter.add.bf16 [tilespmem:s17], [sflag:$0x6], $0x10, s23, s14, $0x2000b8;
	[tilespmem:$0xC780] =	vst v63  }
0x43: {  	s26 =	sadd.s32 $0x2, s25;
	_ =	swait.ge [sflag:s18], $0x1000  }
0x44: {  	p2 =	sge.u32 s26, s5;
	[sflag:s18] =	ssyncset.done $0x0  }
0x45: {  	s26 =	simm.s32 @!p2 $0x100;
	s28 =	simm.s32 @!p2 $0x8000;
	[sflag:s18] =	ssyncadd.s32 $0xFFFFF000  }
0x46: {  	[tilespmem:s28], [sflag:$0x2] =	stream.indirect.gather @!p2 [hbm4b:s2+s26], $0x10, s24, s26, $0x2000b8;
	[tilespmem:$0xC780] =	vst v63  }
.LBB2_7:
0x47: {  	s25 =	sadd.s32 $0x1, s25  }
0x48: {  	p2 =	sne.s32 s5, s25  }
.Ltmp3:
0x49: {  	_ = 	snop;
	(pc) =	sbr.rel @!p2 .LBB2_8-.Ltmp3, $2  }
0x4a: {  	_ =	sdelay $0x2  }
0x4b: {  	s24 =	sadd.s32 $0x100, s24;
	s23 =	sadd.s32 $0x100, s23  }
.LBB2_2:
0x4c: {  	s26 =	smulhi.u32 $0xAAAAAAAB, s25;
	_ =	sdelay $0x1  }
0x4d: {  	s26 =	sshrl.u32 s26, $0x1  }
0x4e: {  	s26 =	smul.u32 $0xFFFFFFFD, s26;
	_ =	sdelay $0x1  }
0x4f: {  	s26 =	sadd.s32 s26, s25  }
0x50: {  	p2 =	seq.s32 s26, $0x2  }
.Ltmp4:
0x51: {  	_ = 	snop;
	(pc) =	sbr.rel @p2 .LBB2_6-.Ltmp4, $1  }
0x52: {  	_ =	sdelay $0x3  }
0x53: {  	p2 =	seq.s32 s26, $0x1  }
.Ltmp5:
0x54: {  	_ = 	snop;
	(pc) =	sbr.rel @!p2 .LBB2_4-.Ltmp5, $1  }
0x55: {  	_ =	sdelay $0x3  }
0x56: {  	_ =	swait.ge [sflag:s20], $0x1000  }
0x57: {  	[sflag:s20] =	ssyncset.done $0x0  }
0x58: {  	[sflag:s20] =	ssyncadd.s32 $0xFFFFF000  }
0x59: {  	[spmem:s3] =	stream.indirect.scatter.add.bf16 [tilespmem:s15], [sflag:$0x5], $0x10, s23, s14, $0x2000b8;
	[tilespmem:$0xC780] =	vst v63  }
.Ltmp6:
0x5a: {  	_ = 	snop;
	(pc) =	sbr.rel .LBB2_7-.Ltmp6, $4  }
0x5b: {  	s26 =	sadd.s32 $0x2, s25;
	_ =	swait.ge [sflag:s19], $0x1000  }
0x5c: {  	p2 =	sge.u32 s26, s5;
	[sflag:s19] =	ssyncset.done $0x0  }
0x5d: {  	s26 =	simm.s32 @!p2 $0x100;
	s28 =	simm.s32 @!p2 $0x7000;
	[sflag:s19] =	ssyncadd.s32 $0xFFFFF000  }
0x5e: {  	[tilespmem:s28], [sflag:$0x1] =	stream.indirect.gather @!p2 [hbm4b:s2+s26], $0x10, s24, s26, $0x2000b8;
	[tilespmem:$0xC780] =	vst v63  }
.LBB2_4:
0x5f: {  	_ =	swait.ge [sflag:s21], $0x1000  }
0x60: {  	[sflag:s21] =	ssyncset.done $0x0  }
0x61: {  	p2 =	seq.s32 s25, $0x0;
	[sflag:s21] =	ssyncadd.s32 $0xFFFFF000  }
0x62: {  	[spmem:s3] =	stream.indirect.scatter.add.bf16 [tilespmem:s13], [sflag:$0x4], $0x10, s23, s14, $0x2000b8;
	[tilespmem:$0xC780] =	vst v63  }
.Ltmp7:
0x63: {  	s26 =	simm.s32 @!p2 $0x6;
	(pc) =	sbr.rel .LBB2_7-.Ltmp7, $4  }
0x64: {  	s28 =	sadd.s32 $0x2, s25;
	_ =	swait.ge @!p2 [sflag:s26], $0x1000  }
0x65: {  	p3 =	sge.u32 s28, s5;
	[sflag:s26] =	ssyncset.done @!p2 $0x0  }
0x66: {  	s28 =	simm.s32 @!p3 $0x9000;
	[sflag:s26] =	ssyncadd.s32 @!p2 $0xFFFFF000;
	s26 =	simm.s32 @!p3 $0x100  }
0x67: {  	[tilespmem:s28], [sflag:$0x3] =	stream.indirect.gather @!p3 [hbm4b:s2+s26], $0x10, s24, s26, $0x2000b8;
	[tilespmem:$0xC780] =	vst v63  }
.LBB2_9:
0x68: {  	_ =	sfence.sel $0x180000  }
0x69: {  	[bflag:$0x0] =	sbarrier.arrive $0xFFFF  }
0x6a: {  	p0 =	sne.s32 s0, $0x0;
	_ =	strace $0x90000050  }
0x6b: {  	s0 =	sadd.s32 @!p0 $0x100000, s1;
	[bflag:$0x2] =	sbarrier.arrive $0xFFFF  }
0x6c: {  	[sflag:s0] =	ssyncadd.tile.s32 @!p0 $0x1;
	_ =	shalt  }
.Lfunc_end2:
_tile_overlayer_lowered:
.L_overlay_start_2:
0x6d: {  	(tag) =	ssettag $0x2  }
0x6e: {  	s0 =	rddreg [dreg:$0x0];
	s2 =	stileid.u32  }
0x6f: {  	s1 =	rddreg [dreg:$0x1];
	p0 =	sne.s32 s2, $0x0  }
0x70: {  	s3 =	rddreg [dreg:$0x2];
	[bflag:$0x3] =	sbarrier.arrive $0xFFFF;
	s2 =	simm.s32 @!p0 $0x1C07  }
0x71: {  	[timem:s3], [sflag:s2] =	dma.local @!p0 [hbm:s0], s1  }
0x72: {  	s0 =	simm.s32 @!p0 $0x7  }
0x73: {  	_ =	swait.ge @!p0 [sflag:s0], s1  }
0x74: {  	s1 =	ssub.s32 @!p0 $0x0, s1;
	[sflag:s0] =	ssyncset.done @!p0 $0x0  }
0x75: {  	[sflag:s0] =	ssyncadd.s32 @!p0 s1  }
0x76: {  	[bflag:$0x3] =	sbarrier.arrive $0xFFFF  }
0x77: {  	_ =	shalt  }

// kernel: kernel.8.cloned.1.call-start
scs
__scs_entry_jumppad:
0x0: {  	(pc) =	sbr.rel $0x88, $3  }
0x1: {  	(tag) =	ssettag $0x0;
	lr =	simm.s32 $0x1  }
0x2: {  	[smem:$0x3F99] =	sst lr;
	_ =	strace $0xD0000000  }
0x3: {  	_ = 	snop  }
0x4: {  	_ = 	snop  }
0x5: {  	_ = 	snop  }
0x6: {  	_ = 	snop  }
0x7: {  	_ = 	snop  }
__scs_overlays_trampoline_lowered:
0x8: {  	[smem:$0x3FA8] =	sst s0  }
0x9: {  	[smem:$0x3FA9] =	sst s1  }
0xa: {  	[smem:$0x3FAA] =	sst s2  }
0xb: {  	[smem:$0x3FAB] =	sst s3  }
0xc: {  	[smem:$0x3FAC] =	sst s4  }
0xd: {  	[smem:$0x3FAD] =	sst s5  }
0xe: {  	[smem:$0x3FAE] =	sst s6  }
0xf: {  	[smem:$0x3FAF] =	sst s7  }
0x10: {  	[smem:$0x3FB0] =	sst s8  }
0x11: {  	[smem:$0x3FB1] =	sst s9;
	s0 =	simm.s32 @!p0 $0x0  }
0x12: {  	s1 =	sld [smem:$0x3F97];
	s0 =	simm.s32 @p0 $0x1  }
0x13: {  	[smem:$0x3FB2] =	sst s0;
	s0 =	simm.s32 @!p1 $0x0  }
0x14: {  	s2 =	sld [smem:$0x3F96];
	s0 =	simm.s32 @p1 $0x1  }
0x15: {  	[smem:$0x3FB3] =	sst s0;
	s0 =	simm.s32 @!p2 $0x0  }
0x16: {  	s3 =	sld [smem:$0x3FDB];
	s0 =	simm.s32 @p2 $0x1  }
0x17: {  	s4 =	simm.s32 $0x1BF5;
	[smem:$0x3FB5] =	sst s0  }
0x18: {  	s0 =	sld [smem:$0x3F98];
	_ =	swait.ge [sflag:s4], $0x0  }
0x19: {  	s7 =	sld [smem:$0x3F99]  }
0x1a: {  	s8 =	sadd.s32 $0xFFFFE003, lr  }
0x1b: {  	s9 =	sadd.s32 $0xFFFFFEF7, lr;
	s5 =	simm.s32 $0xFFFFFFFF;
	p2 =	slt.u32 s8, $0xFFFFF086  }
0x1c: {  	p1 =	slt.u32 s9, $0xF7A;
	s5 =	simm.s32 @!p2 $0x0  }
0x1d: {  	s5 =	simm.s32 @p1 $0x1;
	p0 =	seq.s32 s7, s2  }
0x1e: {  	s7 =	smul.u32 @!p0 $0xF7A, s2;
	p2 =	seq.s32 @!p0 s5, $0x0  }
0x1f: {  	s9 =	smul.u32 $0xF7A, s1;
	s8 =	simm.s32 @!p0 $0x1BF5;
	p2 =	por !p2, p0  }
0x20: {  	[sflag:s8] =	ssyncset.s32 @!p0 $0xFFFFF086;
	s6 =	sadd.s32 @!p0 s3, s7;
	s7 =	simm.s32 @!p0 $0x108  }
0x21: {  	s3 =	sadd.s32 s3, s9;
	s6 =	sadd.s32 @!p0 $0x88, s6;
	s7 =	simm.s32 @p2 $0x1082  }
0x22: {  	[simem:s7], [sflag:s8] =	dma.local @!p0 [hbm:s6], $0xF7A  }
0x23: {  	s9 =	sor.u32 $0xD0000000, s2;
	s6 =	simm.s32 $0x108;
	_ =	swait.ge @!p0 [sflag:s8], $0x0  }
0x24: {  	s3 =	sadd.s32 $0x88, s3;
	s6 =	simm.s32 @!p1 $0x1082;
	[sflag:s4] =	ssyncset.s32 $0xFFFFF086  }
0x25: {  	[simem:s6], [sflag:s4] =	dma.local [hbm:s3], $0xF7A  }
0x26: {  	[smem:$0x3F99] =	sst s1;
	(tag) =	ssettag s2;
	_ =	strace s9  }
0x27: {  	s1 =	sld [smem:$0x3FA9]  }
0x28: {  	s2 =	sld [smem:$0x3FAA]  }
0x29: {  	s4 =	sld [smem:$0x3FAC]  }
0x2a: {  	p0 =	seq.s32 s5, $0x0;
	s5 =	sld [smem:$0x3FAD]  }
0x2b: {  	s6 =	sld [smem:$0x3FAE]  }
0x2c: {  	s7 =	sld [smem:$0x3FAF]  }
0x2d: {  	s3 =	simm.s32 $0x108;
	s8 =	sld [smem:$0x3FB0]  }
0x2e: {  	s3 =	simm.s32 @!p0 $0x1082;
	s9 =	sld [smem:$0x3FB1]  }
0x2f: {  	lr =	sadd.s32 s0, s3;
	s0 =	sld [smem:$0x3FA8]  }
0x30: {  	s3 =	sld [smem:$0x3FAB]  }
0x31: {  	[smem:$0x3FB4] =	sst s10  }
0x32: {  	s10 =	sld [smem:$0x3FB2];
	_ =	sdelay $0x3  }
0x33: {  	p0 =	seq.s32 s10, $0x1;
	s10 =	sld [smem:$0x3FB4];
	_ =	sdelay $0x3  }
0x34: {  	[smem:$0x3FB4] =	sst s10  }
0x35: {  	s10 =	sld [smem:$0x3FB3];
	_ =	sdelay $0x3  }
0x36: {  	p1 =	seq.s32 s10, $0x1;
	s10 =	sld [smem:$0x3FB4];
	_ =	sdelay $0x3  }
0x37: {  	[smem:$0x3FB4] =	sst s10  }
0x38: {  	s10 =	sld [smem:$0x3FB5]  }
0x39: {  	_ = 	snop;
	(pc) =	sbr.ind lr, $3  }
0x3a: {  	_ = 	snop  }
0x3b: {  	_ = 	snop  }
0x3c: {  	p2 =	seq.s32 s10, $0x1;
	s10 =	sld [smem:$0x3FB4]  }
0x3d: {  	_ =	shalt  }
0x3e: {  	_ =	shalt  }
0x3f: {  	_ =	shalt  }
0x40: {  	_ =	shalt  }
0x41: {  	_ =	shalt  }
0x42: {  	_ =	shalt  }
0x43: {  	_ =	shalt  }
0x44: {  	_ =	shalt  }
0x45: {  	_ =	shalt  }
0x46: {  	_ =	shalt  }
0x47: {  	_ =	shalt  }
0x48: {  	_ =	shalt  }
0x49: {  	_ =	shalt  }
0x4a: {  	_ =	shalt  }
0x4b: {  	_ =	shalt  }
0x4c: {  	_ =	shalt  }
0x4d: {  	_ =	shalt  }
0x4e: {  	_ =	shalt  }
0x4f: {  	_ =	shalt  }
0x50: {  	_ =	shalt  }
0x51: {  	_ =	shalt  }
0x52: {  	_ =	shalt  }
0x53: {  	_ =	shalt  }
0x54: {  	_ =	shalt  }
0x55: {  	_ =	shalt  }
0x56: {  	_ =	shalt  }
0x57: {  	_ =	shalt  }
0x58: {  	_ =	shalt  }
0x59: {  	_ =	shalt  }
0x5a: {  	_ =	shalt  }
0x5b: {  	_ =	shalt  }
0x5c: {  	_ =	shalt  }
0x5d: {  	_ =	shalt  }
0x5e: {  	_ =	shalt  }
0x5f: {  	_ =	shalt  }
0x60: {  	_ =	shalt  }
0x61: {  	_ =	shalt  }
0x62: {  	_ =	shalt  }
0x63: {  	_ =	shalt  }
0x64: {  	_ =	shalt  }
0x65: {  	_ =	shalt  }
0x66: {  	_ =	shalt  }
0x67: {  	_ =	shalt  }
0x68: {  	_ =	shalt  }
0x69: {  	_ =	shalt  }
0x6a: {  	_ =	shalt  }
0x6b: {  	_ =	shalt  }
0x6c: {  	_ =	shalt  }
0x6d: {  	_ =	shalt  }
0x6e: {  	_ =	shalt  }
0x6f: {  	_ =	shalt  }
0x70: {  	_ =	shalt  }
0x71: {  	_ =	shalt  }
0x72: {  	_ =	shalt  }
0x73: {  	_ =	shalt  }
0x74: {  	_ =	shalt  }
0x75: {  	_ =	shalt  }
0x76: {  	_ =	shalt  }
0x77: {  	_ =	shalt  }
0x78: {  	_ =	shalt  }
0x79: {  	_ =	shalt  }
0x7a: {  	_ =	shalt  }
0x7b: {  	_ =	shalt  }
0x7c: {  	_ =	shalt  }
0x7d: {  	_ =	shalt  }
0x7e: {  	_ =	shalt  }
0x7f: {  	_ =	shalt  }
0x80: {  	_ =	shalt  }
0x81: {  	_ =	shalt  }
0x82: {  	_ =	shalt  }
0x83: {  	_ =	shalt  }
0x84: {  	_ =	shalt  }
0x85: {  	_ =	shalt  }
0x86: {  	_ =	shalt  }
0x87: {  	_ =	shalt  }
.Lfunc_end0:
.L_simem_size_0:
called_computation_lowered:
.L_overlay_start_0:
0x88: {  	s2 =	sld [smem:$0x3FD9]  }
0x89: {  	s3 =	sld [smem:$0x3FFE];
	_ =	sdelay $0x1  }
0x8a: {  	s1 =	srdreg.scid  }
0x8b: {  	s0 =	sand.u32 $0x1, s1  }
0x8c: {  	s17 =	sshll.u32 s0, $0xA;
	s2 =	sadd.s32 s3, s2  }
0x8d: {  	s2 =	sadd.s32 s2, s17  }
0x8e: {  	[smem:$0x3FC0] =	sst s2  }
0x8f: {  	_ = 	snop  }
0x90: {  	s2 =	sld [smem:$0x3FD0];
	(tm) =	ssettm $0x1  }
0x91: {  	s18 =	sld [smem:$0x3FFB];
	_ =	sdelay $0x3  }
0x92: {  	_ =	strace s18  }
0x93: {  	s3 =	sld [smem:$0x3FFC];
	_ =	sdelay $0x3  }
0x94: {  	_ =	strace s3  }
0x95: {  	s3 =	sld [smem:$0x3FFD];
	_ =	sdelay $0x3  }
0x96: {  	_ =	strace s3  }
0x97: {  	_ =	strace $0x8FFFFFFF  }
0x98: {  	s19 =	sld [smem:$0x3FDB];
	_ =	sdelay $0x1  }
0x99: {  	s4 =	simm.s32 $_scs_section_size  }
0x9a: {  	s5 =	simm.s32 $_size__tile_overlayer_lowered;
	s6 =	simm.s32 $_tile_overlayer_lowered  }
0x9b: {  	s22 =	simm.s32 $0x1BFF;
	s21 =	sshll.u32 s6, $0x1;
	s3 =	sadd.s32 s4, s19  }
0x9c: {  	s7 =	simm.s32 $0x0;
	s20 =	sshll.u32 s5, $0x1;
	s5 =	sadd.s32 s21, s3  }
0x9d: {  	[timem:s7], [sflag:s22] =	dma.local [hbm:s5], s20  }
0x9e: {  	_ =	swait.ge [sflag:s22], s20  }
0x9f: {  	s4 =	ssub.s32 $0x0, s20;
	[sflag:s22] =	ssyncset.done $0x0  }
0xa0: {  	[sflag:s22] =	ssyncadd.s32 s4;
	_ =	sdelay $0x1  }
0xa1: {  	s23 =	simm.s32 $0x1B8B  }
0xa2: {  	_ =	swait.ge [sflag:s23], $0x1  }
0xa3: {  	[sflag:s23] =	ssyncset.done $0x0  }
0xa4: {  	s25 =	simm.s32 $0x1B8E;
	s24 =	sld [smem:$0x3FFE];
	[sflag:s23] =	ssyncadd.s32 $0xFFFFFFFF  }
0xa5: {  	s26 =	simm.s32 $execute0_lowered;
	[smem:$0x3FD2] =	sst s25  }
0xa6: {  	s5 =	sshll.u32 s26, $0x1;
	_ =	strace $0x80000046;
	[dreg:$0x1] =	wrdreg $0xFFFFFFFF  }
0xa7: {  	s28 =	simm.s32 $_size_execute0_lowered;
	s3 =	sadd.s32 s3, s5;
	[dreg:$0x0] =	wrdreg $0x0  }
0xa8: {  	s5 =	sshll.u32 s28, $0x1;
	[dreg:$0x2] =	wrdreg s3  }
0xa9: {  	[dreg:$0x3] =	wrdreg s5  }
0xaa: {  	[dreg:$0x4] =	wrdreg $0xC0  }
0xab: {  	_ =	task [dreg:s7], $0x5FFFF  }
0xac: {  	[dreg:$0x1] =	wrdreg $0xFFFFFFFF  }
0xad: {  	[dreg:$0x0] =	wrdreg $0x60  }
0xae: {  	[dreg:$0x2] =	wrdreg s24  }
0xaf: {  	[dreg:$0x3] =	wrdreg s2  }
0xb0: {  	[dreg:$0x4] =	wrdreg $0x53C00  }
0xb1: {  	[dreg:$0x5] =	wrdreg $0x9  }
0xb2: {  	_ =	task.clear_ibuf [dreg:s7], $0x6FFFF;
	_ =	strace $0x90000046  }
0xb3: {  	s29 =	simm.s32 $0x9;
	_ =	strace $0x80000048  }
0xb4: {  	_ =	swait.ge [sflag:s29], $0x1  }
0xb5: {  	[sflag:s29] =	ssyncadd.s32 $0xFFFFFFFF  }
0xb6: {  	_ =	strace $0x90000048  }
0xb7: {  	_ =	sfence  }
0xb8: {  	s30 =	sld [smem:$0x0];
	_ =	sdelay $0x2  }
0xb9: {  	s31 =	sshll.u32 s1, $0xD;
	s1 =	sshrl.u32 s1, $0x2  }
0xba: {  	s3 =	sand.u32 $0x4000, s31;
	s1 =	sadd.s32 s1, s30  }
0xbb: {  	s0 =	sor.u32 s3, s0;
	s1 =	sshll.u32 s1, $0x11  }
0xbc: {  	s0 =	sor.u32 s1, s0  }
0xbd: {  	s0 =	sadd.s32 $0x8F2B, s0  }
0xbe: {  	[sflag:s0] =	ssyncadd.remote.s32 $0x1  }
0xbf: {  	_ =	sfence.sel $0xFFFF  }
0xc0: {  	[dreg:$0x0] =	wrdreg $0xFFFFFFFF;
	(pc) =	sbr.abs _section_cstart, $3  }
0xc1: {  	[dreg:$0x1] =	wrdreg $0xFFFFFFFF  }
0xc2: {  	_ =	task.clear_ibuf [dreg:s7], $0x2FFFF;
	_ =	strace $0x9FFFFFFF  }
0xc3: {  	(tm) =	ssettm $0x7FFFFFFF  }
tec
execute0_lowered:
.L_overlay_start_1:
0x0: {  	(tag) =	ssettag $0x1  }
0x1: {  	s5 =	rddreg [dreg:$0x0];
	s0 =	stileid.u32  }
0x2: {  	s1 =	srdreg.scid;
	s8 =	rddreg [dreg:$0x1]  }
0x3: {  	s2 =	rddreg [dreg:$0x2];
	s3 =	smul.u32 $0x18, s0  }
0x4: {  	s14 =	simm.s32 $0x100;
	s15 =	simm.s32 $0x1;
	s4 =	smul.u32 $0x38, s0  }
0x5: {  	s16 =	simm.s32 $0x0;
	s7 =	sand.u32 $0x1, s1;
	s11 =	smul.u32 $0x278, s0  }
0x6: {  	s1 =	rddreg [dreg:$0x3];
	s13 =	smul.u32 $0x4F00, s0;
	p0 =	seq.s32 s7, $0x0  }
0x7: {  	s10 =	ssub.s32 $0x2, s7;
	s30 =	smul.u32 $0x2780, s7;
	s6 =	sadd.s32 $0x380, s3  }
0x8: {  	s3 =	simm.s32 $0x0;
	s12 =	sshrl.u32 s10, $0x1;
	s31 =	sshrl.u32 s13, $0x2  }
0x9: {  	s11 =	sadd.s32 s8, s11;
	s13 =	simm.s32 $0x4000;
	s6 =	smov.u32 @p0 s4  }
0xa: {  	[smem:$0x7FF] =	sst s3;
	s10 =	ssub.s32 s10, s12;
	s8 =	sadd.s32 s31, s2  }
0xb: {  	s12 =	simm.s32 $0x3800;
	s4 =	sshll.u32 s6, $0x5;
	_ =	strace $0x80000047  }
0xc: {  	s6 =	simm.s32 $0x38;
	s10 =	smax.u32 s10, $0x1;
	s9 =	sadd.s32 s4, s5  }
0xd: {  	s4 =	sadd.s32 $0xCA00, s5;
	s5 =	sadd.s32 $0xC600, s5;
	s6 =	simm.s32 @!p0 $0x18  }
0xe: {  	s7 =	sadd.s32 $0x2200, s9;
	s9 =	sadd.s32 s30, s11;
	s11 =	simm.s32 $0x2  }
.LBB2_1:
0xf: {  	[tilespmem:s3], [sflag:$0x2] =	stream.linear.gather [hbm4b:s7+s3], $0x3800, $0x38;
	[tilespmem:$0x6780] =	vst v63  }
0x10: {  	_ =	swait.ge [sflag:s11], $0x3800  }
0x11: {  	[sflag:s11] =	ssyncset.done $0x0  }
0x12: {  	[sflag:s11] =	ssyncadd.s32 $0xFFFFC800  }
0x13: {  	[tilespmem:s12], [sflag:$0x2] =	stream.linear.gather [hbm4b:s4+s3], $0x800, $0x38;
	[tilespmem:$0x6780] =	vst v63  }
0x14: {  	_ =	swait.ge [sflag:s11], $0x800  }
0x15: {  	[sflag:s11] =	ssyncset.done $0x0  }
0x16: {  	[sflag:s11] =	ssyncadd.s32 $0xFFFFF800  }
0x17: {  	[tilespmem:s13], [sflag:$0x2] =	stream.linear.gather [hbm4b:s5+s3], $0x13C0, $0x38;
	[tilespmem:$0x6780] =	vst v63  }
0x18: {  	_ =	swait.ge [sflag:s11], $0x13C0  }
0x19: {  	[sflag:s11] =	ssyncset.done $0x0  }
0x1a: {  	[sflag:s11] =	ssyncadd.s32 $0xFFFFEC40  }
0x1b: {  	[spmem:s8] =	stream.linear.scatter [tilespmem:s13], [sflag:$0x2], $0x13C0, $0x38;
	[tilespmem:$0x6780] =	vst v63  }
0x1c: {  	_ =	swait.ge [sflag:s11], $0x13C0  }
0x1d: {  	p1 =	sne.s32 s6, $0x1;
	[sflag:s11] =	ssyncset.done $0x0  }
.Ltmp0:
0x1e: {  	p0 =	por $0x1, $0x1;
	[sflag:s11] =	ssyncadd.s32 $0xFFFFEC40;
	(pc) =	sbr.rel @!p1 .LBB2_3-.Ltmp0, $4  }
0x1f: {  	s19 =	simm.s32 @!p0 $0x1;
	[bflag:$0x0] =	sbarrier.arrive $0xFFFF  }
0x20: {  	[spmem:s2] =	stream.indirect.scatter.add.f32 [tilespmem:s12], [sflag:$0x1], $0x8, s3, s14, $0xb8;
	[tilespmem:$0x6780] =	vst v63  }
0x21: {  	_ =	swait.ge @!p0 [sflag:s19], $0x800  }
0x22: {  	s17 =	simm.s32 $0x1;
	s18 =	simm.s32 $0x0;
	[sflag:s19] =	ssyncset.done @!p0 $0x0  }
.LBB2_2:
0x23: {  	[sflag:s19] =	ssyncadd.s32 @!p0 $0xFFFFF800  }
0x24: {  	s18 =	sadd.s32 $0x100, s18;
	s19 =	smov.u32 s17;
	s17 =	sadd.s32 $0x1, s17  }
0x25: {  	p1 =	sne.s32 s6, s17  }
0x26: {  	[spmem:s2] =	stream.indirect.scatter.add.f32 [tilespmem:s12], [sflag:$0x1], $0x8, s18, s14, $0xb8;
	[tilespmem:$0x6780] =	vst v63  }
.Ltmp1:
0x27: {  	_ = 	snop;
	(pc) =	sbr.rel @p1 .LBB2_2-.Ltmp1, $4  }
0x28: {  	p0 =	slt.u32 s19, $0x10  }
0x29: {  	s19 =	simm.s32 @!p0 $0x1  }
0x2a: {  	_ =	swait.ge @!p0 [sflag:s19], $0x800  }
0x2b: {  	[sflag:s19] =	ssyncset.done @!p0 $0x0  }
.LBB2_3:
0x2c: {  	[sflag:s19] =	ssyncadd.s32 @!p0 $0xFFFFF800  }
0x2d: {  	_ =	swait.ge [sflag:s15], $0x800  }
0x2e: {  	[sflag:s15] =	ssyncset.done $0x0  }
0x2f: {  	[sflag:s15] =	ssyncadd.s32 $0xFFFFF800  }
0x30: {  	_ =	swait.ge [sflag:s15], $0x800  }
0x31: {  	[sflag:s15] =	ssyncset.done $0x0  }
0x32: {  	[sflag:s15] =	ssyncadd.s32 $0xFFFFF800  }
0x33: {  	_ =	swait.ge [sflag:s15], $0x800  }
0x34: {  	[sflag:s15] =	ssyncset.done $0x0  }
0x35: {  	[sflag:s15] =	ssyncadd.s32 $0xFFFFF800  }
0x36: {  	_ =	swait.ge [sflag:s15], $0x800  }
0x37: {  	[sflag:s15] =	ssyncset.done $0x0  }
0x38: {  	[sflag:s15] =	ssyncadd.s32 $0xFFFFF800  }
0x39: {  	_ =	swait.ge [sflag:s15], $0x800  }
0x3a: {  	[sflag:s15] =	ssyncset.done $0x0  }
0x3b: {  	[sflag:s15] =	ssyncadd.s32 $0xFFFFF800  }
0x3c: {  	_ =	swait.ge [sflag:s15], $0x800  }
0x3d: {  	[sflag:s15] =	ssyncset.done $0x0  }
0x3e: {  	[sflag:s15] =	ssyncadd.s32 $0xFFFFF800  }
0x3f: {  	_ =	swait.ge [sflag:s15], $0x800  }
0x40: {  	[sflag:s15] =	ssyncset.done $0x0  }
0x41: {  	[sflag:s15] =	ssyncadd.s32 $0xFFFFF800  }
0x42: {  	_ =	swait.ge [sflag:s15], $0x800  }
0x43: {  	[sflag:s15] =	ssyncset.done $0x0  }
0x44: {  	[sflag:s15] =	ssyncadd.s32 $0xFFFFF800  }
0x45: {  	_ =	swait.ge [sflag:s15], $0x800  }
0x46: {  	[sflag:s15] =	ssyncset.done $0x0  }
0x47: {  	[sflag:s15] =	ssyncadd.s32 $0xFFFFF800  }
0x48: {  	_ =	swait.ge [sflag:s15], $0x800  }
0x49: {  	[sflag:s15] =	ssyncset.done $0x0  }
0x4a: {  	[sflag:s15] =	ssyncadd.s32 $0xFFFFF800  }
0x4b: {  	_ =	swait.ge [sflag:s15], $0x800  }
0x4c: {  	[sflag:s15] =	ssyncset.done $0x0  }
0x4d: {  	[sflag:s15] =	ssyncadd.s32 $0xFFFFF800  }
0x4e: {  	_ =	swait.ge [sflag:s15], $0x800  }
0x4f: {  	[sflag:s15] =	ssyncset.done $0x0  }
0x50: {  	[sflag:s15] =	ssyncadd.s32 $0xFFFFF800  }
0x51: {  	_ =	swait.ge [sflag:s15], $0x800  }
0x52: {  	[sflag:s15] =	ssyncset.done $0x0  }
0x53: {  	[sflag:s15] =	ssyncadd.s32 $0xFFFFF800  }
0x54: {  	_ =	swait.ge [sflag:s15], $0x800  }
0x55: {  	[sflag:s15] =	ssyncset.done $0x0  }
0x56: {  	[sflag:s15] =	ssyncadd.s32 $0xFFFFF800  }
0x57: {  	_ =	swait.ge [sflag:s15], $0x800  }
0x58: {  	[sflag:s15] =	ssyncset.done $0x0  }
0x59: {  	[sflag:s15] =	ssyncadd.s32 $0xFFFFF800  }
0x5a: {  	_ =	swait.ge [sflag:s15], $0x800  }
0x5b: {  	[sflag:s15] =	ssyncset.done $0x0  }
0x5c: {  	[sflag:s15] =	ssyncadd.s32 $0xFFFFF800  }
0x5d: {  	[bflag:$0x0] =	sbarrier.arrive $0xFFFF  }
0x5e: {  	[tilespmem:s13], [sflag:$0x2] =	stream.linear.gather [spmem:s8], $0x13C0, $0x38;
	[tilespmem:$0x6780] =	vst v63  }
0x5f: {  	s16 =	sadd.s32 $0x1, s16;
	_ =	swait.ge [sflag:s11], $0x13C0  }
0x60: {  	p0 =	sne.s32 s16, s10;
	[sflag:s11] =	ssyncset.done $0x0  }
.Ltmp2:
0x61: {  	[sflag:s11] =	ssyncadd.s32 $0xFFFFEC40;
	(pc) =	sbr.rel @p0 .LBB2_1-.Ltmp2, $4  }
0x62: {  	[hbm4b:s9+s3] =	stream.linear.scatter [tilespmem:s13], [sflag:$0x2], $0x13C0, $0x38;
	[tilespmem:$0x6780] =	vst v63  }
0x63: {  	_ =	swait.ge [sflag:s11], $0x13C0  }
0x64: {  	[sflag:s11] =	ssyncset.done $0x0  }
0x65: {  	[sflag:s11] =	ssyncadd.s32 $0xFFFFEC40  }
0x66: {  	_ =	sfence.sel $0x180000  }
0x67: {  	[bflag:$0x0] =	sbarrier.arrive $0xFFFF  }
0x68: {  	p0 =	sne.s32 s0, $0x0;
	_ =	strace $0x90000047  }
0x69: {  	s0 =	sadd.s32 @!p0 $0x100000, s1;
	[bflag:$0x2] =	sbarrier.arrive $0xFFFF  }
0x6a: {  	[sflag:s0] =	ssyncadd.tile.s32 @!p0 $0x1;
	_ =	shalt  }
.Lfunc_end2:
_tile_overlayer_lowered:
.L_overlay_start_2:
0x6b: {  	(tag) =	ssettag $0x2  }
0x6c: {  	s0 =	rddreg [dreg:$0x0];
	s2 =	stileid.u32  }
0x6d: {  	s1 =	rddreg [dreg:$0x1];
	p0 =	sne.s32 s2, $0x0  }
0x6e: {  	s3 =	rddreg [dreg:$0x2];
	[bflag:$0x3] =	sbarrier.arrive $0xFFFF;
	s2 =	simm.s32 @!p0 $0x1C02  }
0x6f: {  	[timem:s3], [sflag:s2] =	dma.local @!p0 [hbm:s0], s1  }
0x70: {  	s0 =	simm.s32 @!p0 $0x2  }
0x71: {  	_ =	swait.ge @!p0 [sflag:s0], s1  }
0x72: {  	s1 =	ssub.s32 @!p0 $0x0, s1;
	[sflag:s0] =	ssyncset.done @!p0 $0x0  }
0x73: {  	[sflag:s0] =	ssyncadd.s32 @!p0 s1  }
0x74: {  	[bflag:$0x3] =	sbarrier.arrive $0xFFFF  }
0x75: {  	_ =	shalt  }

</sc_bundles>
